<compile_context>
chip_gen: v7x
topology: tpu7x:2x2x1
jax: 0.10.2.dev20260603
libtpu: 0.0.44.dev20260713+nightly
codegen_flags: <defaults>
</compile_context>

<pallas_src>
import functools

import jax
import jax.numpy as jnp
from jax import lax
from jax.experimental import pallas as pl
from jax.experimental.pallas import tpu as pltpu
from jax.experimental.pallas import tpu_sc as plsc

B, T, C = 1, 2048, 768
E = 8
K = 2
H = 1024
N = B * T
NK = N * K
BM = 256
NPAD = NK + E * BM
NBLK = NPAD // BM

NW = 32
TPW = N // NW
SUB = 32
LANES = 16



def _router_body(x_ref, wr_ref, br_ref, logits_ref, idx_ref, aux_ref,
                 meta_ref, sbc_ref):
    x = x_ref[...]
    lg = jnp.dot(x, wr_ref[...], preferred_element_type=jnp.float32)
    lg = lg + br_ref[...]
    logits_ref[...] = lg
    lane = lax.broadcasted_iota(jnp.int32, (T, E), 1)
    neg = jnp.float32(-1e30)
    v0 = jnp.max(lg, axis=1, keepdims=True)
    i0 = jnp.argmax(lg, axis=1).reshape(T, 1)
    lg2 = jnp.where(lane == i0, neg, lg)
    v1 = jnp.max(lg2, axis=1, keepdims=True)
    i1 = jnp.argmax(lg2, axis=1).reshape(T, 1)
    e1 = jnp.exp(v1 - v0)
    s0 = 1.0 / (1.0 + e1)
    s1 = 1.0 - s0
    klane = lax.broadcasted_iota(jnp.int32, (T, K), 1)
    idx_ref[...] = jnp.where(klane == 0, i0, i1)
    slane = lax.broadcasted_iota(jnp.int32, (T, 2 * LANES), 1)
    sbc_ref[...] = jnp.where(slane < LANES, s0, s1)

    c0 = (lane == i0).astype(jnp.float32)
    c1 = (lane == i1).astype(jnp.float32)
    s = c0 + c1
    inc = s
    k = 1
    while k < T:
        shifted = jnp.concatenate(
            [jnp.zeros((k, E), jnp.float32), inc[: T - k, :]], axis=0)
        inc = inc + shifted
        k *= 2
    ex = inc - s
    counts = jnp.sum(s, axis=0, keepdims=True)
    pc = jnp.floor((counts + (BM - 1)) / BM) * BM
    triu = (lax.broadcasted_iota(jnp.int32, (E, E), 0) <
            lax.broadcasted_iota(jnp.int32, (E, E), 1)).astype(jnp.float32)
    pstart = jnp.dot(pc, triu, preferred_element_type=jnp.float32)
    cum_pc = pstart + pc
    tot = jnp.sum(pc, axis=1, keepdims=True)

    rank0 = jnp.sum(c0 * ex, axis=1, keepdims=True)
    rank1 = jnp.sum(c1 * (ex + c0), axis=1, keepdims=True)
    base0 = jnp.sum(c0 * pstart, axis=1, keepdims=True)
    base1 = jnp.sum(c1 * pstart, axis=1, keepdims=True)
    pos0 = base0 + rank0
    pos1 = base1 + rank1
    plane = lax.broadcasted_iota(jnp.int32, (T, K), 1)
    aux_ref[...] = jnp.where(plane == 0, pos0, pos1).astype(jnp.int32)

    jgrid = lax.broadcasted_iota(jnp.int32, (128, E), 0) * BM
    cum_i = jnp.broadcast_to(cum_pc.astype(jnp.int32), (128, E))
    be = jnp.sum((cum_i <= jgrid).astype(jnp.int32), axis=1, keepdims=True)
    be = jnp.minimum(be, E - 1)
    act = (jgrid[:, :1] < tot.astype(jnp.int32)).astype(jnp.int32)
    par = jnp.bitwise_and(be, 1)
    be_e = jnp.minimum(be + par, E - 2)
    be_o = jnp.minimum(be + 1 - par, E - 1)
    mlane = lax.broadcasted_iota(jnp.int32, (128, E), 1)
    meta_ref[...] = jnp.where(
        mlane == 0, be,
        jnp.where(mlane == 1, act, jnp.where(mlane == 2, be_e, be_o)))


def _router(x2d, wr, br2d):
    return pl.pallas_call(
        _router_body,
        out_shape=(
            jax.ShapeDtypeStruct((T, E), jnp.float32),
            jax.ShapeDtypeStruct((T, K), jnp.int32),
            jax.ShapeDtypeStruct((T, K), jnp.int32),
            jax.ShapeDtypeStruct((128, E), jnp.int32),
            jax.ShapeDtypeStruct((T, 2 * LANES), jnp.float32),
        ),
    )(x2d, wr, br2d)



def _dispatch_body(x_hbm, post_hbm, xs_hbm, idx0_v, idx1_v, rows_v, sem):
    wid = lax.axis_index("s") * 2 + lax.axis_index("c")
    base = wid * TPW
    cp = pltpu.async_copy(x_hbm.at[pl.ds(base, TPW)], rows_v, sem)
    pltpu.sync_copy(post_hbm.at[0, pl.ds(base, TPW)], idx0_v)
    pltpu.sync_copy(post_hbm.at[1, pl.ds(base, TPW)], idx1_v)
    cp.wait()
    s0 = pltpu.async_copy(rows_v, xs_hbm.at[idx0_v], sem)
    s1 = pltpu.async_copy(rows_v, xs_hbm.at[idx1_v], sem)
    s0.wait()
    s1.wait()


def _dispatch(x2d, post):
    mesh = plsc.VectorSubcoreMesh(core_axis_name="c", subcore_axis_name="s")
    return pl.kernel(
        _dispatch_body,
        out_type=jax.ShapeDtypeStruct((NPAD, C), jnp.float32),
        mesh=mesh,
        scratch_types=[
            pltpu.VMEM((TPW,), jnp.int32),
            pltpu.VMEM((TPW,), jnp.int32),
            pltpu.VMEM((TPW, C), jnp.float32),
            pltpu.SemaphoreType.DMA,
        ],
    )(x2d, post)



def _ffn_body(meta_ref, xs_ref, w1e_ref, w1o_ref, b1_ref, w2e_ref, w2o_ref,
              b2_ref, ys_ref):
    j = pl.program_id(0)
    active = meta_ref[j, 1] == 1
    par = jnp.bitwise_and(meta_ref[j, 0], 1)

    def compute(w1_ref, w2_ref):
        xb = xs_ref[...].astype(jnp.bfloat16)
        w1 = w1_ref[0].astype(jnp.bfloat16)
        h = jnp.dot(xb, w1, preferred_element_type=jnp.float32)
        h = jnp.maximum(h + b1_ref[0], 0.0).astype(jnp.bfloat16)
        w2 = w2_ref[0].astype(jnp.bfloat16)
        y = jnp.dot(h, w2, preferred_element_type=jnp.float32)
        ys_ref[...] = y + b2_ref[0]

    @pl.when(jnp.logical_and(active, par == 0))
    def _():
        compute(w1e_ref, w2e_ref)

    @pl.when(jnp.logical_and(active, par == 1))
    def _():
        compute(w1o_ref, w2o_ref)


def _ffn(meta, xs_pad, w1, b1, w2, b2):
    grid_spec = pltpu.PrefetchScalarGridSpec(
        num_scalar_prefetch=1,
        grid=(NBLK,),
        in_specs=[
            pl.BlockSpec((BM, C), lambda j, m: (j, 0)),
            pl.BlockSpec((1, C, H), lambda j, m: (m[j, 2], 0, 0)),
            pl.BlockSpec((1, C, H), lambda j, m: (m[j, 3], 0, 0)),
            pl.BlockSpec((1, 1, H), lambda j, m: (m[j, 0], 0, 0)),
            pl.BlockSpec((1, H, C), lambda j, m: (m[j, 2], 0, 0)),
            pl.BlockSpec((1, H, C), lambda j, m: (m[j, 3], 0, 0)),
            pl.BlockSpec((1, 1, C), lambda j, m: (m[j, 0], 0, 0)),
        ],
        out_specs=pl.BlockSpec((BM, C), lambda j, m: (j, 0)),
    )
    return pl.pallas_call(
        _ffn_body,
        grid_spec=grid_spec,
        out_shape=jax.ShapeDtypeStruct((NPAD, C), jnp.float32),
    )(meta, xs_pad, w1, w1, b1, w2, w2, b2)



def _combine_body(ys_hbm, post_hbm, sbc_hbm, out_hbm, sb_v, idx0_v, idx1_v,
                  r0_v, r1_v, sem):
    wid = lax.axis_index("s") * 2 + lax.axis_index("c")
    base = wid * TPW
    pltpu.sync_copy(post_hbm.at[0, pl.ds(base, TPW)], idx0_v)
    pltpu.sync_copy(post_hbm.at[1, pl.ds(base, TPW)], idx1_v)
    cp0 = pltpu.async_copy(ys_hbm.at[idx0_v], r0_v, sem)
    cp1 = pltpu.async_copy(ys_hbm.at[idx1_v], r1_v, sem)
    pltpu.sync_copy(sbc_hbm.at[pl.ds(base, TPW)], sb_v)
    cp0.wait()
    cp1.wait()

    def tok(r, carry):
        s0 = sb_v[r, pl.ds(0, LANES)]
        s1 = sb_v[r, pl.ds(LANES, LANES)]
        for cc in range(C // LANES):
            a = r0_v[r, pl.ds(cc * LANES, LANES)]
            b = r1_v[r, pl.ds(cc * LANES, LANES)]
            r0_v[r, pl.ds(cc * LANES, LANES)] = a * s0 + b * s1
        return carry

    lax.fori_loop(0, TPW, tok, 0)
    pltpu.sync_copy(r0_v, out_hbm.at[pl.ds(base, TPW)])


def _combine(ys, post, sbc):
    mesh = plsc.VectorSubcoreMesh(core_axis_name="c", subcore_axis_name="s")
    return pl.kernel(
        _combine_body,
        out_type=jax.ShapeDtypeStruct((N, C), jnp.float32),
        mesh=mesh,
        scratch_types=[
            pltpu.VMEM((TPW, 2 * LANES), jnp.float32),
            pltpu.VMEM((TPW,), jnp.int32),
            pltpu.VMEM((TPW,), jnp.int32),
            pltpu.VMEM((TPW, C), jnp.float32),
            pltpu.VMEM((TPW, C), jnp.float32),
            pltpu.SemaphoreType.DMA,
        ],
    )(ys, post, sbc)



@jax.jit
def kernel(x, Wr, br, W1, b1, W2, b2):
    x2d = x.reshape(N, C)
    logits, idx2, pos2, meta, sbc = _router(x2d, Wr, br.reshape(1, E))
    post = pos2.T
    xs_pad = _dispatch(x2d, post)
    ys = _ffn(meta, xs_pad, W1, b1.reshape(E, 1, H), W2, b2.reshape(E, 1, C))
    out2d = _combine(ys, post, sbc)
    return (logits.reshape(B, T, E), idx2.reshape(B, T, K),
            out2d.reshape(B, T, C))

# --- scband reference (transcript-rebuilt; emitter-appended) ---
"""Pipeline reference for scband-mo-e-58256936403623 (READ-ONLY COPY).

The authoritative reference and input builder live on the scoring server;
editing this copy changes nothing except your own understanding.
"""

import jax, jax.numpy as jnp
import numpy as np

B, T, C = 1, 2048, 768
E = 8
K = 2
H = 1024


def setup_inputs(seed: int = 0):
    key = jax.random.key(seed)
    ks = jax.random.split(key, 8)
    x = jax.random.normal(ks[0], (B, T, C), dtype=jnp.float32)
    Wr = jax.random.normal(ks[1], (C, E), dtype=jnp.float32) * (1.0 / np.sqrt(C))
    br = jnp.zeros((E,), dtype=jnp.float32)
    W1 = jax.random.normal(ks[2], (E, C, H), dtype=jnp.float32) * (1.0 / np.sqrt(C))
    b1 = jnp.zeros((E, H), dtype=jnp.float32)
    W2 = jax.random.normal(ks[3], (E, H, C), dtype=jnp.float32) * (1.0 / np.sqrt(H))
    b2 = jnp.zeros((E, C), dtype=jnp.float32)
    return {"x": x, "Wr": Wr, "br": br, "W1": W1, "b1": b1, "W2": W2, "b2": b2}


def reference(x, Wr, br, W1, b1, W2, b2):
    Bn, Tn, Cn = x.shape
    # router
    logits = jnp.einsum('btc,ce->bte', x, Wr) + br
    clean_logits = logits
    topk_vals, topk_idx = jax.lax.top_k(logits, K)
    router_scores = jax.nn.softmax(topk_vals, axis=-1)
    # flatten tokens
    x_flat = x.reshape(-1, Cn)
    idx_flat = topk_idx.reshape(-1, K)
    sc_flat = router_scores.reshape(-1, K)
    # compute every expert on every token (dense equivalent of the masked dispatch)
    h = jax.nn.relu(jnp.einsum('nc,ech->neh', x_flat, W1) + b1[None, :, :])
    expert_out = jnp.einsum('neh,ehc->nec', h, W2) + b2[None, :, :]
    # combine: output[n] = sum_i score[n,i] * expert_{idx[n,i]}(x[n])
    onehot = jax.nn.one_hot(idx_flat, E, dtype=x.dtype)  # [N, K, E]
    combine = jnp.einsum('nke,nk->ne', onehot, sc_flat)  # [N, E]
    out = jnp.einsum('nec,ne->nc', expert_out, combine).reshape(Bn, Tn, Cn)
    return (clean_logits, topk_idx, out)

if __name__ == "__main__":
    import jax
    _d = setup_inputs()
    print(jax.jit(kernel)(*tuple(_d.values())))

</pallas_src>

<mosaic_0001>
#map = affine_map<(d0, d1) -> (0, 0)>
module attributes {stable_mosaic.version = 14 : i64} {
  func.func @_dispatch_body(%arg0: i32, %arg1: i32, %arg2: memref<2048x768xf32, #tpu.memory_space<hbm>>, %arg3: memref<2x2048xi32, #tpu.memory_space<hbm>>, %arg4: memref<6144x768xf32, #tpu.memory_space<hbm>>, %arg5: memref<64xi32, #tpu.memory_space<vmem>>, %arg6: memref<64xi32, #tpu.memory_space<vmem>>, %arg7: memref<64x768xf32, #tpu.memory_space<vmem>>, %arg8: memref<!tpu.dma_semaphore, #tpu.memory_space<semaphore_mem>>) attributes {dimension_semantics = [#tpu.dimension_semantics<core_parallel>, #tpu.dimension_semantics<subcore_parallel>], iteration_bounds = array<i64: 2, 16>, scalar_prefetch = 0 : i64, scratch_operands = 4 : i64, tpu.core_type = #tpu.core_type<sc_vector_subcore>, window_params = [{transform_indices = #map}, {transform_indices = #map}, {transform_indices = #map}]} {
    %mul3A = arith.constant 2 : i32
    %mul3A_0 = arith.muli %arg1, %mul3A : i32
    %add3A = arith.addi %mul3A_0, %arg0 : i32
    %mul3A_1 = arith.constant 64 : i32
    %mul3A_2 = arith.muli %add3A, %mul3A_1 : i32
    %dma_start3A = arith.constant 0 : i32
    %dma_start3A_3 = tpu.memref_slice %arg2[%mul3A_2, %dma_start3A] : memref<2048x768xf32, #tpu.memory_space<hbm>> -> memref<64x768xf32, #tpu.memory_space<hbm>>
    %dma_start3A_4 = arith.constant 0 : i32
    %dma_start3A_5 = tpu.memref_slice %arg2[%mul3A_2, %dma_start3A_4] : memref<2048x768xf32, #tpu.memory_space<hbm>> -> memref<64x768xf32, #tpu.memory_space<hbm>>
    tpu.enqueue_dma source(%dma_start3A_5 : memref<64x768xf32, #tpu.memory_space<hbm>>) target(%arg7 : memref<64x768xf32, #tpu.memory_space<vmem>>) target_semaphore(%arg8 : memref<!tpu.dma_semaphore, #tpu.memory_space<semaphore_mem>>)
    %run_scoped3A = arith.constant 0 : i32
    "tpu.region"() ({
      %run_scoped3A_22 = tpu.sem_alloc : memref<!tpu.dma_semaphore, #tpu.memory_space<semaphore_mem>>
      %dma_start3A_23 = tpu.memref_slice %arg3[%run_scoped3A, %mul3A_2] : memref<2x2048xi32, #tpu.memory_space<hbm>> -> memref<1x64xi32, #tpu.memory_space<hbm>>
      %dma_start3A_24 = tpu.memref_squeeze %dma_start3A_23 : memref<1x64xi32, #tpu.memory_space<hbm>> -> memref<64xi32, #tpu.memory_space<hbm>>
      %dma_start3A_25 = tpu.memref_slice %arg3[%run_scoped3A, %mul3A_2] : memref<2x2048xi32, #tpu.memory_space<hbm>> -> memref<1x64xi32, #tpu.memory_space<hbm>>
      %dma_start3A_26 = tpu.memref_squeeze %dma_start3A_25 : memref<1x64xi32, #tpu.memory_space<hbm>> -> memref<64xi32, #tpu.memory_space<hbm>>
      tpu.enqueue_dma source(%dma_start3A_26 : memref<64xi32, #tpu.memory_space<hbm>>) target(%arg5 : memref<64xi32, #tpu.memory_space<vmem>>) target_semaphore(%run_scoped3A_22 : memref<!tpu.dma_semaphore, #tpu.memory_space<semaphore_mem>>)
      %dma_wait3A_27 = tpu.memref_slice %arg3[%run_scoped3A, %mul3A_2] : memref<2x2048xi32, #tpu.memory_space<hbm>> -> memref<1x64xi32, #tpu.memory_space<hbm>>
      %dma_wait3A_28 = tpu.memref_squeeze %dma_wait3A_27 : memref<1x64xi32, #tpu.memory_space<hbm>> -> memref<64xi32, #tpu.memory_space<hbm>>
      %dma_wait3A_29 = tpu.memref_slice %arg3[%run_scoped3A, %mul3A_2] : memref<2x2048xi32, #tpu.memory_space<hbm>> -> memref<1x64xi32, #tpu.memory_space<hbm>>
      %dma_wait3A_30 = tpu.memref_squeeze %dma_wait3A_29 : memref<1x64xi32, #tpu.memory_space<hbm>> -> memref<64xi32, #tpu.memory_space<hbm>>
      tpu.wait_dma2 semaphore(%run_scoped3A_22 : memref<!tpu.dma_semaphore, #tpu.memory_space<semaphore_mem>>) src(%dma_wait3A_30 : memref<64xi32, #tpu.memory_space<hbm>>) dst(%arg5 : memref<64xi32, #tpu.memory_space<vmem>>)
      tpu.yield
    }) : () -> ()
    %run_scoped3A_6 = arith.constant 1 : i32
    "tpu.region"() ({
      %run_scoped3A_22 = tpu.sem_alloc : memref<!tpu.dma_semaphore, #tpu.memory_space<semaphore_mem>>
      %dma_start3A_23 = tpu.memref_slice %arg3[%run_scoped3A_6, %mul3A_2] : memref<2x2048xi32, #tpu.memory_space<hbm>> -> memref<1x64xi32, #tpu.memory_space<hbm>>
      %dma_start3A_24 = tpu.memref_squeeze %dma_start3A_23 : memref<1x64xi32, #tpu.memory_space<hbm>> -> memref<64xi32, #tpu.memory_space<hbm>>
      %dma_start3A_25 = tpu.memref_slice %arg3[%run_scoped3A_6, %mul3A_2] : memref<2x2048xi32, #tpu.memory_space<hbm>> -> memref<1x64xi32, #tpu.memory_space<hbm>>
      %dma_start3A_26 = tpu.memref_squeeze %dma_start3A_25 : memref<1x64xi32, #tpu.memory_space<hbm>> -> memref<64xi32, #tpu.memory_space<hbm>>
      tpu.enqueue_dma source(%dma_start3A_26 : memref<64xi32, #tpu.memory_space<hbm>>) target(%arg6 : memref<64xi32, #tpu.memory_space<vmem>>) target_semaphore(%run_scoped3A_22 : memref<!tpu.dma_semaphore, #tpu.memory_space<semaphore_mem>>)
      %dma_wait3A_27 = tpu.memref_slice %arg3[%run_scoped3A_6, %mul3A_2] : memref<2x2048xi32, #tpu.memory_space<hbm>> -> memref<1x64xi32, #tpu.memory_space<hbm>>
      %dma_wait3A_28 = tpu.memref_squeeze %dma_wait3A_27 : memref<1x64xi32, #tpu.memory_space<hbm>> -> memref<64xi32, #tpu.memory_space<hbm>>
      %dma_wait3A_29 = tpu.memref_slice %arg3[%run_scoped3A_6, %mul3A_2] : memref<2x2048xi32, #tpu.memory_space<hbm>> -> memref<1x64xi32, #tpu.memory_space<hbm>>
      %dma_wait3A_30 = tpu.memref_squeeze %dma_wait3A_29 : memref<1x64xi32, #tpu.memory_space<hbm>> -> memref<64xi32, #tpu.memory_space<hbm>>
      tpu.wait_dma2 semaphore(%run_scoped3A_22 : memref<!tpu.dma_semaphore, #tpu.memory_space<semaphore_mem>>) src(%dma_wait3A_30 : memref<64xi32, #tpu.memory_space<hbm>>) dst(%arg6 : memref<64xi32, #tpu.memory_space<vmem>>)
      tpu.yield
    }) : () -> ()
    %dma_wait3A = arith.constant 0 : i32
    %dma_wait3A_7 = tpu.memref_slice %arg2[%mul3A_2, %dma_wait3A] : memref<2048x768xf32, #tpu.memory_space<hbm>> -> memref<64x768xf32, #tpu.memory_space<hbm>>
    %dma_wait3A_8 = arith.constant 0 : i32
    %dma_wait3A_9 = tpu.memref_slice %arg2[%mul3A_2, %dma_wait3A_8] : memref<2048x768xf32, #tpu.memory_space<hbm>> -> memref<64x768xf32, #tpu.memory_space<hbm>>
    tpu.wait_dma2 semaphore(%arg8 : memref<!tpu.dma_semaphore, #tpu.memory_space<semaphore_mem>>) src(%dma_wait3A_9 : memref<64x768xf32, #tpu.memory_space<hbm>>) dst(%arg7 : memref<64x768xf32, #tpu.memory_space<vmem>>)
    %dma_start3A_10 = arith.constant 0 : i32
    %dma_start3A_11 = arith.constant 0 : i32
    %dma_start3A_12 = tpu.memref_slice %arg4[%dma_start3A_10, %dma_start3A_11] : memref<6144x768xf32, #tpu.memory_space<hbm>> -> memref<6144x768xf32, #tpu.memory_space<hbm>>
    tpu.enqueue_indirect_dma source(%arg7 : memref<64x768xf32, #tpu.memory_space<vmem>>) target(%dma_start3A_12 : memref<6144x768xf32, #tpu.memory_space<hbm>>) offsets(%arg5 : memref<64xi32, #tpu.memory_space<vmem>>) semaphore(%arg8 : memref<!tpu.dma_semaphore, #tpu.memory_space<semaphore_mem>>)
    %dma_start3A_13 = arith.constant 0 : i32
    %dma_start3A_14 = arith.constant 0 : i32
    %dma_start3A_15 = tpu.memref_slice %arg4[%dma_start3A_13, %dma_start3A_14] : memref<6144x768xf32, #tpu.memory_space<hbm>> -> memref<6144x768xf32, #tpu.memory_space<hbm>>
    tpu.enqueue_indirect_dma source(%arg7 : memref<64x768xf32, #tpu.memory_space<vmem>>) target(%dma_start3A_15 : memref<6144x768xf32, #tpu.memory_space<hbm>>) offsets(%arg6 : memref<64xi32, #tpu.memory_space<vmem>>) semaphore(%arg8 : memref<!tpu.dma_semaphore, #tpu.memory_space<semaphore_mem>>)
    %dma_wait3A_16 = arith.constant 0 : i32
    %dma_wait3A_17 = arith.constant 0 : i32
    %dma_wait3A_18 = tpu.memref_slice %arg4[%dma_wait3A_16, %dma_wait3A_17] : memref<6144x768xf32, #tpu.memory_space<hbm>> -> memref<6144x768xf32, #tpu.memory_space<hbm>>
    tpu.wait_indirect_dma semaphore(%arg8 : memref<!tpu.dma_semaphore, #tpu.memory_space<semaphore_mem>>) src(%arg7 : memref<64x768xf32, #tpu.memory_space<vmem>>) dst(%dma_wait3A_18 : memref<6144x768xf32, #tpu.memory_space<hbm>>)
    %dma_wait3A_19 = arith.constant 0 : i32
    %dma_wait3A_20 = arith.constant 0 : i32
    %dma_wait3A_21 = tpu.memref_slice %arg4[%dma_wait3A_19, %dma_wait3A_20] : memref<6144x768xf32, #tpu.memory_space<hbm>> -> memref<6144x768xf32, #tpu.memory_space<hbm>>
    tpu.wait_indirect_dma semaphore(%arg8 : memref<!tpu.dma_semaphore, #tpu.memory_space<semaphore_mem>>) src(%arg7 : memref<64x768xf32, #tpu.memory_space<vmem>>) dst(%dma_wait3A_21 : memref<6144x768xf32, #tpu.memory_space<hbm>>)
    return
  }
}

#map = affine_map<(d0, d1) -> (0, 0)>
module attributes {stable_mosaic.version = 14 : i64} {
  func.func @_combine_body(%arg0: i32, %arg1: i32, %arg2: memref<6144x768xf32, #tpu.memory_space<hbm>>, %arg3: memref<2x2048xi32, #tpu.memory_space<hbm>>, %arg4: memref<2048x32xf32, #tpu.memory_space<hbm>>, %arg5: memref<2048x768xf32, #tpu.memory_space<hbm>>, %arg6: memref<64x32xf32, #tpu.memory_space<vmem>>, %arg7: memref<64xi32, #tpu.memory_space<vmem>>, %arg8: memref<64xi32, #tpu.memory_space<vmem>>, %arg9: memref<64x768xf32, #tpu.memory_space<vmem>>, %arg10: memref<64x768xf32, #tpu.memory_space<vmem>>, %arg11: memref<!tpu.dma_semaphore, #tpu.memory_space<semaphore_mem>>) attributes {dimension_semantics = [#tpu.dimension_semantics<core_parallel>, #tpu.dimension_semantics<subcore_parallel>], iteration_bounds = array<i64: 2, 16>, scalar_prefetch = 0 : i64, scratch_operands = 6 : i64, tpu.core_type = #tpu.core_type<sc_vector_subcore>, window_params = [{transform_indices = #map}, {transform_indices = #map}, {transform_indices = #map}, {transform_indices = #map}]} {
    %mul3A = arith.constant 2 : i32
    %mul3A_0 = arith.muli %arg1, %mul3A : i32
    %add3A = arith.addi %mul3A_0, %arg0 : i32
    %mul3A_1 = arith.constant 64 : i32
    %mul3A_2 = arith.muli %add3A, %mul3A_1 : i32
    %run_scoped3A = arith.constant 0 : i32
    "tpu.region"() ({
      %run_scoped3A_19 = tpu.sem_alloc : memref<!tpu.dma_semaphore, #tpu.memory_space<semaphore_mem>>
      %dma_start3A_20 = tpu.memref_slice %arg3[%run_scoped3A, %mul3A_2] : memref<2x2048xi32, #tpu.memory_space<hbm>> -> memref<1x64xi32, #tpu.memory_space<hbm>>
      %dma_start3A_21 = tpu.memref_squeeze %dma_start3A_20 : memref<1x64xi32, #tpu.memory_space<hbm>> -> memref<64xi32, #tpu.memory_space<hbm>>
      %dma_start3A_22 = tpu.memref_slice %arg3[%run_scoped3A, %mul3A_2] : memref<2x2048xi32, #tpu.memory_space<hbm>> -> memref<1x64xi32, #tpu.memory_space<hbm>>
      %dma_start3A_23 = tpu.memref_squeeze %dma_start3A_22 : memref<1x64xi32, #tpu.memory_space<hbm>> -> memref<64xi32, #tpu.memory_space<hbm>>
      tpu.enqueue_dma source(%dma_start3A_23 : memref<64xi32, #tpu.memory_space<hbm>>) target(%arg7 : memref<64xi32, #tpu.memory_space<vmem>>) target_semaphore(%run_scoped3A_19 : memref<!tpu.dma_semaphore, #tpu.memory_space<semaphore_mem>>)
      %dma_wait3A_24 = tpu.memref_slice %arg3[%run_scoped3A, %mul3A_2] : memref<2x2048xi32, #tpu.memory_space<hbm>> -> memref<1x64xi32, #tpu.memory_space<hbm>>
      %dma_wait3A_25 = tpu.memref_squeeze %dma_wait3A_24 : memref<1x64xi32, #tpu.memory_space<hbm>> -> memref<64xi32, #tpu.memory_space<hbm>>
      %dma_wait3A_26 = tpu.memref_slice %arg3[%run_scoped3A, %mul3A_2] : memref<2x2048xi32, #tpu.memory_space<hbm>> -> memref<1x64xi32, #tpu.memory_space<hbm>>
      %dma_wait3A_27 = tpu.memref_squeeze %dma_wait3A_26 : memref<1x64xi32, #tpu.memory_space<hbm>> -> memref<64xi32, #tpu.memory_space<hbm>>
      tpu.wait_dma2 semaphore(%run_scoped3A_19 : memref<!tpu.dma_semaphore, #tpu.memory_space<semaphore_mem>>) src(%dma_wait3A_27 : memref<64xi32, #tpu.memory_space<hbm>>) dst(%arg7 : memref<64xi32, #tpu.memory_space<vmem>>)
      tpu.yield
    }) : () -> ()
    %run_scoped3A_3 = arith.constant 1 : i32
    "tpu.region"() ({
      %run_scoped3A_19 = tpu.sem_alloc : memref<!tpu.dma_semaphore, #tpu.memory_space<semaphore_mem>>
      %dma_start3A_20 = tpu.memref_slice %arg3[%run_scoped3A_3, %mul3A_2] : memref<2x2048xi32, #tpu.memory_space<hbm>> -> memref<1x64xi32, #tpu.memory_space<hbm>>
      %dma_start3A_21 = tpu.memref_squeeze %dma_start3A_20 : memref<1x64xi32, #tpu.memory_space<hbm>> -> memref<64xi32, #tpu.memory_space<hbm>>
      %dma_start3A_22 = tpu.memref_slice %arg3[%run_scoped3A_3, %mul3A_2] : memref<2x2048xi32, #tpu.memory_space<hbm>> -> memref<1x64xi32, #tpu.memory_space<hbm>>
      %dma_start3A_23 = tpu.memref_squeeze %dma_start3A_22 : memref<1x64xi32, #tpu.memory_space<hbm>> -> memref<64xi32, #tpu.memory_space<hbm>>
      tpu.enqueue_dma source(%dma_start3A_23 : memref<64xi32, #tpu.memory_space<hbm>>) target(%arg8 : memref<64xi32, #tpu.memory_space<vmem>>) target_semaphore(%run_scoped3A_19 : memref<!tpu.dma_semaphore, #tpu.memory_space<semaphore_mem>>)
      %dma_wait3A_24 = tpu.memref_slice %arg3[%run_scoped3A_3, %mul3A_2] : memref<2x2048xi32, #tpu.memory_space<hbm>> -> memref<1x64xi32, #tpu.memory_space<hbm>>
      %dma_wait3A_25 = tpu.memref_squeeze %dma_wait3A_24 : memref<1x64xi32, #tpu.memory_space<hbm>> -> memref<64xi32, #tpu.memory_space<hbm>>
      %dma_wait3A_26 = tpu.memref_slice %arg3[%run_scoped3A_3, %mul3A_2] : memref<2x2048xi32, #tpu.memory_space<hbm>> -> memref<1x64xi32, #tpu.memory_space<hbm>>
      %dma_wait3A_27 = tpu.memref_squeeze %dma_wait3A_26 : memref<1x64xi32, #tpu.memory_space<hbm>> -> memref<64xi32, #tpu.memory_space<hbm>>
      tpu.wait_dma2 semaphore(%run_scoped3A_19 : memref<!tpu.dma_semaphore, #tpu.memory_space<semaphore_mem>>) src(%dma_wait3A_27 : memref<64xi32, #tpu.memory_space<hbm>>) dst(%arg8 : memref<64xi32, #tpu.memory_space<vmem>>)
      tpu.yield
    }) : () -> ()
    %dma_start3A = arith.constant 0 : i32
    %dma_start3A_4 = arith.constant 0 : i32
    %dma_start3A_5 = tpu.memref_slice %arg2[%dma_start3A, %dma_start3A_4] : memref<6144x768xf32, #tpu.memory_space<hbm>> -> memref<6144x768xf32, #tpu.memory_space<hbm>>
    tpu.enqueue_indirect_dma source(%dma_start3A_5 : memref<6144x768xf32, #tpu.memory_space<hbm>>) target(%arg9 : memref<64x768xf32, #tpu.memory_space<vmem>>) offsets(%arg7 : memref<64xi32, #tpu.memory_space<vmem>>) semaphore(%arg11 : memref<!tpu.dma_semaphore, #tpu.memory_space<semaphore_mem>>)
    %dma_start3A_6 = arith.constant 0 : i32
    %dma_start3A_7 = arith.constant 0 : i32
    %dma_start3A_8 = tpu.memref_slice %arg2[%dma_start3A_6, %dma_start3A_7] : memref<6144x768xf32, #tpu.memory_space<hbm>> -> memref<6144x768xf32, #tpu.memory_space<hbm>>
    tpu.enqueue_indirect_dma source(%dma_start3A_8 : memref<6144x768xf32, #tpu.memory_space<hbm>>) target(%arg10 : memref<64x768xf32, #tpu.memory_space<vmem>>) offsets(%arg8 : memref<64xi32, #tpu.memory_space<vmem>>) semaphore(%arg11 : memref<!tpu.dma_semaphore, #tpu.memory_space<semaphore_mem>>)
    "tpu.region"() ({
      %run_scoped3A_19 = tpu.sem_alloc : memref<!tpu.dma_semaphore, #tpu.memory_space<semaphore_mem>>
      %dma_start3A_20 = arith.constant 0 : i32
      %dma_start3A_21 = tpu.memref_slice %arg4[%mul3A_2, %dma_start3A_20] : memref<2048x32xf32, #tpu.memory_space<hbm>> -> memref<64x32xf32, #tpu.memory_space<hbm>>
      %dma_start3A_22 = arith.constant 0 : i32
      %dma_start3A_23 = tpu.memref_slice %arg4[%mul3A_2, %dma_start3A_22] : memref<2048x32xf32, #tpu.memory_space<hbm>> -> memref<64x32xf32, #tpu.memory_space<hbm>>
      tpu.enqueue_dma source(%dma_start3A_23 : memref<64x32xf32, #tpu.memory_space<hbm>>) target(%arg6 : memref<64x32xf32, #tpu.memory_space<vmem>>) target_semaphore(%run_scoped3A_19 : memref<!tpu.dma_semaphore, #tpu.memory_space<semaphore_mem>>)
      %dma_wait3A_24 = arith.constant 0 : i32
      %dma_wait3A_25 = tpu.memref_slice %arg4[%mul3A_2, %dma_wait3A_24] : memref<2048x32xf32, #tpu.memory_space<hbm>> -> memref<64x32xf32, #tpu.memory_space<hbm>>
      %dma_wait3A_26 = arith.constant 0 : i32
      %dma_wait3A_27 = tpu.memref_slice %arg4[%mul3A_2, %dma_wait3A_26] : memref<2048x32xf32, #tpu.memory_space<hbm>> -> memref<64x32xf32, #tpu.memory_space<hbm>>
      tpu.wait_dma2 semaphore(%run_scoped3A_19 : memref<!tpu.dma_semaphore, #tpu.memory_space<semaphore_mem>>) src(%dma_wait3A_27 : memref<64x32xf32, #tpu.memory_space<hbm>>) dst(%arg6 : memref<64x32xf32, #tpu.memory_space<vmem>>)
      tpu.yield
    }) : () -> ()
    %dma_wait3A = arith.constant 0 : i32
    %dma_wait3A_9 = arith.constant 0 : i32
    %dma_wait3A_10 = tpu.memref_slice %arg2[%dma_wait3A, %dma_wait3A_9] : memref<6144x768xf32, #tpu.memory_space<hbm>> -> memref<6144x768xf32, #tpu.memory_space<hbm>>
    tpu.wait_indirect_dma semaphore(%arg11 : memref<!tpu.dma_semaphore, #tpu.memory_space<semaphore_mem>>) src(%dma_wait3A_10 : memref<6144x768xf32, #tpu.memory_space<hbm>>) dst(%arg9 : memref<64x768xf32, #tpu.memory_space<vmem>>)
    %dma_wait3A_11 = arith.constant 0 : i32
    %dma_wait3A_12 = arith.constant 0 : i32
    %dma_wait3A_13 = tpu.memref_slice %arg2[%dma_wait3A_11, %dma_wait3A_12] : memref<6144x768xf32, #tpu.memory_space<hbm>> -> memref<6144x768xf32, #tpu.memory_space<hbm>>
    tpu.wait_indirect_dma semaphore(%arg11 : memref<!tpu.dma_semaphore, #tpu.memory_space<semaphore_mem>>) src(%dma_wait3A_13 : memref<6144x768xf32, #tpu.memory_space<hbm>>) dst(%arg10 : memref<64x768xf32, #tpu.memory_space<vmem>>)
    %scan3A = arith.constant 0 : i32
    %scan3A_14 = arith.constant 0 : i32
    %scan3A_15 = arith.constant 64 : i32
    %scan3A_16 = arith.addi %scan3A_14, %scan3A_15 : i32
    %scan3A_17 = arith.constant 1 : i32
    scf.for %scan3A_19 = %scan3A_14 to %scan3A_16 step %scan3A_17  : i32 {
      %get3A = arith.index_cast %scan3A_19 : i32 to index
      %get3A_20 = arith.constant 0 : index
      %get3A_21 = tpu.vector_load %arg6[%get3A, %get3A_20] {strides = array<i32>} : memref<64x32xf32, #tpu.memory_space<vmem>>, vector<1x16xf32>,
      %get3A_22 = vector.shape_cast %get3A_21 : vector<1x16xf32> to vector<16xf32>
      %get3A_23 = arith.index_cast %scan3A_19 : i32 to index
      %get3A_24 = arith.constant 16 : index
      %get3A_25 = tpu.vector_load %arg6[%get3A_23, %get3A_24] {strides = array<i32>} : memref<64x32xf32, #tpu.memory_space<vmem>>, vector<1x16xf32>,
      %get3A_26 = vector.shape_cast %get3A_25 : vector<1x16xf32> to vector<16xf32>
      %get3A_27 = arith.index_cast %scan3A_19 : i32 to index
      %get3A_28 = arith.constant 0 : index
      %get3A_29 = tpu.vector_load %arg9[%get3A_27, %get3A_28] {strides = array<i32>} : memref<64x768xf32, #tpu.memory_space<vmem>>, vector<1x16xf32>,
      %get3A_30 = vector.shape_cast %get3A_29 : vector<1x16xf32> to vector<16xf32>
      %get3A_31 = arith.index_cast %scan3A_19 : i32 to index
      %get3A_32 = arith.constant 0 : index
      %get3A_33 = tpu.vector_load %arg10[%get3A_31, %get3A_32] {strides = array<i32>} : memref<64x768xf32, #tpu.memory_space<vmem>>, vector<1x16xf32>,
      %get3A_34 = vector.shape_cast %get3A_33 : vector<1x16xf32> to vector<16xf32>
      %mul3A_35 = arith.mulf %get3A_30, %get3A_22 : vector<16xf32>
      %mul3A_36 = arith.mulf %get3A_34, %get3A_26 : vector<16xf32>
      %add3A_37 = arith.addf %mul3A_35, %mul3A_36 : vector<16xf32>
      %swap3A = arith.index_cast %scan3A_19 : i32 to index
      %swap3A_38 = arith.constant 0 : index
      %swap3A_39 = tpu.vector_load %arg9[%swap3A, %swap3A_38] {strides = array<i32>} : memref<64x768xf32, #tpu.memory_space<vmem>>, vector<1x16xf32>,
      %swap3A_40 = vector.shape_cast %swap3A_39 : vector<1x16xf32> to vector<16xf32>
      %swap3A_41 = vector.shape_cast %add3A_37 : vector<16xf32> to vector<1x16xf32>
      tpu.vector_store %arg9[%swap3A, %swap3A_38], %swap3A_41 {strides = array<i32>} : memref<64x768xf32, #tpu.memory_space<vmem>>, vector<1x16xf32>,
      %get3A_42 = arith.index_cast %scan3A_19 : i32 to index
      %get3A_43 = arith.constant 16 : index
      %get3A_44 = tpu.vector_load %arg9[%get3A_42, %get3A_43] {strides = array<i32>} : memref<64x768xf32, #tpu.memory_space<vmem>>, vector<1x16xf32>,
      %get3A_45 = vector.shape_cast %get3A_44 : vector<1x16xf32> to vector<16xf32>
      %get3A_46 = arith.index_cast %scan3A_19 : i32 to index
      %get3A_47 = arith.constant 16 : index
      %get3A_48 = tpu.vector_load %arg10[%get3A_46, %get3A_47] {strides = array<i32>} : memref<64x768xf32, #tpu.memory_space<vmem>>, vector<1x16xf32>,
      %get3A_49 = vector.shape_cast %get3A_48 : vector<1x16xf32> to vector<16xf32>
      %mul3A_50 = arith.mulf %get3A_45, %get3A_22 : vector<16xf32>
      %mul3A_51 = arith.mulf %get3A_49, %get3A_26 : vector<16xf32>
      %add3A_52 = arith.addf %mul3A_50, %mul3A_51 : vector<16xf32>
      %swap3A_53 = arith.index_cast %scan3A_19 : i32 to index
      %swap3A_54 = arith.constant 16 : index
      %swap3A_55 = tpu.vector_load %arg9[%swap3A_53, %swap3A_54] {strides = array<i32>} : memref<64x768xf32, #tpu.memory_space<vmem>>, vector<1x16xf32>,
      %swap3A_56 = vector.shape_cast %swap3A_55 : vector<1x16xf32> to vector<16xf32>
      %swap3A_57 = vector.shape_cast %add3A_52 : vector<16xf32> to vector<1x16xf32>
      tpu.vector_store %arg9[%swap3A_53, %swap3A_54], %swap3A_57 {strides = array<i32>} : memref<64x768xf32, #tpu.memory_space<vmem>>, vector<1x16xf32>,
      %get3A_58 = arith.index_cast %scan3A_19 : i32 to index
      %get3A_59 = arith.constant 32 : index
      %get3A_60 = tpu.vector_load %arg9[%get3A_58, %get3A_59] {strides = array<i32>} : memref<64x768xf32, #tpu.memory_space<vmem>>, vector<1x16xf32>,
      %get3A_61 = vector.shape_cast %get3A_60 : vector<1x16xf32> to vector<16xf32>
      %get3A_62 = arith.index_cast %scan3A_19 : i32 to index
      %get3A_63 = arith.constant 32 : index
      %get3A_64 = tpu.vector_load %arg10[%get3A_62, %get3A_63] {strides = array<i32>} : memref<64x768xf32, #tpu.memory_space<vmem>>, vector<1x16xf32>,
      %get3A_65 = vector.shape_cast %get3A_64 : vector<1x16xf32> to vector<16xf32>
      %mul3A_66 = arith.mulf %get3A_61, %get3A_22 : vector<16xf32>
      %mul3A_67 = arith.mulf %get3A_65, %get3A_26 : vector<16xf32>
      %add3A_68 = arith.addf %mul3A_66, %mul3A_67 : vector<16xf32>
      %swap3A_69 = arith.index_cast %scan3A_19 : i32 to index
      %swap3A_70 = arith.constant 32 : index
      %swap3A_71 = tpu.vector_load %arg9[%swap3A_69, %swap3A_70] {strides = array<i32>} : memref<64x768xf32, #tpu.memory_space<vmem>>, vector<1x16xf32>,
      %swap3A_72 = vector.shape_cast %swap3A_71 : vector<1x16xf32> to vector<16xf32>
      %swap3A_73 = vector.shape_cast %add3A_68 : vector<16xf32> to vector<1x16xf32>
      tpu.vector_store %arg9[%swap3A_69, %swap3A_70], %swap3A_73 {strides = array<i32>} : memref<64x768xf32, #tpu.memory_space<vmem>>, vector<1x16xf32>,
      %get3A_74 = arith.index_cast %scan3A_19 : i32 to index
      %get3A_75 = arith.constant 48 : index
      %get3A_76 = tpu.vector_load %arg9[%get3A_74, %get3A_75] {strides = array<i32>} : memref<64x768xf32, #tpu.memory_space<vmem>>, vector<1x16xf32>,
      %get3A_77 = vector.shape_cast %get3A_76 : vector<1x16xf32> to vector<16xf32>
      %get3A_78 = arith.index_cast %scan3A_19 : i32 to index
      %get3A_79 = arith.constant 48 : index
      %get3A_80 = tpu.vector_load %arg10[%get3A_78, %get3A_79] {strides = array<i32>} : memref<64x768xf32, #tpu.memory_space<vmem>>, vector<1x16xf32>,
      %get3A_81 = vector.shape_cast %get3A_80 : vector<1x16xf32> to vector<16xf32>
      %mul3A_82 = arith.mulf %get3A_77, %get3A_22 : vector<16xf32>
      %mul3A_83 = arith.mulf %get3A_81, %get3A_26 : vector<16xf32>
      %add3A_84 = arith.addf %mul3A_82, %mul3A_83 : vector<16xf32>
      %swap3A_85 = arith.index_cast %scan3A_19 : i32 to index
      %swap3A_86 = arith.constant 48 : index
      %swap3A_87 = tpu.vector_load %arg9[%swap3A_85, %swap3A_86] {strides = array<i32>} : memref<64x768xf32, #tpu.memory_space<vmem>>, vector<1x16xf32>,
      %swap3A_88 = vector.shape_cast %swap3A_87 : vector<1x16xf32> to vector<16xf32>
      %swap3A_89 = vector.shape_cast %add3A_84 : vector<16xf32> to vector<1x16xf32>
      tpu.vector_store %arg9[%swap3A_85, %swap3A_86], %swap3A_89 {strides = array<i32>} : memref<64x768xf32, #tpu.memory_space<vmem>>, vector<1x16xf32>,
      %get3A_90 = arith.index_cast %scan3A_19 : i32 to index
      %get3A_91 = arith.constant 64 : index
      %get3A_92 = tpu.vector_load %arg9[%get3A_90, %get3A_91] {strides = array<i32>} : memref<64x768xf32, #tpu.memory_space<vmem>>, vector<1x16xf32>,
      %get3A_93 = vector.shape_cast %get3A_92 : vector<1x16xf32> to vector<16xf32>
      %get3A_94 = arith.index_cast %scan3A_19 : i32 to index
      %get3A_95 = arith.constant 64 : index
      %get3A_96 = tpu.vector_load %arg10[%get3A_94, %get3A_95] {strides = array<i32>} : memref<64x768xf32, #tpu.memory_space<vmem>>, vector<1x16xf32>,
      %get3A_97 = vector.shape_cast %get3A_96 : vector<1x16xf32> to vector<16xf32>
      %mul3A_98 = arith.mulf %get3A_93, %get3A_22 : vector<16xf32>
      %mul3A_99 = arith.mulf %get3A_97, %get3A_26 : vector<16xf32>
      %add3A_100 = arith.addf %mul3A_98, %mul3A_99 : vector<16xf32>
      %swap3A_101 = arith.index_cast %scan3A_19 : i32 to index
      %swap3A_102 = arith.constant 64 : index
      %swap3A_103 = tpu.vector_load %arg9[%swap3A_101, %swap3A_102] {strides = array<i32>} : memref<64x768xf32, #tpu.memory_space<vmem>>, vector<1x16xf32>,
      %swap3A_104 = vector.shape_cast %swap3A_103 : vector<1x16xf32> to vector<16xf32>
      %swap3A_105 = vector.shape_cast %add3A_100 : vector<16xf32> to vector<1x16xf32>
      tpu.vector_store %arg9[%swap3A_101, %swap3A_102], %swap3A_105 {strides = array<i32>} : memref<64x768xf32, #tpu.memory_space<vmem>>, vector<1x16xf32>,
      %get3A_106 = arith.index_cast %scan3A_19 : i32 to index
      %get3A_107 = arith.constant 80 : index
      %get3A_108 = tpu.vector_load %arg9[%get3A_106, %get3A_107] {strides = array<i32>} : memref<64x768xf32, #tpu.memory_space<vmem>>, vector<1x16xf32>,
      %get3A_109 = vector.shape_cast %get3A_108 : vector<1x16xf32> to vector<16xf32>
      %get3A_110 = arith.index_cast %scan3A_19 : i32 to index
      %get3A_111 = arith.constant 80 : index
      %get3A_112 = tpu.vector_load %arg10[%get3A_110, %get3A_111] {strides = array<i32>} : memref<64x768xf32, #tpu.memory_space<vmem>>, vector<1x16xf32>,
      %get3A_113 = vector.shape_cast %get3A_112 : vector<1x16xf32> to vector<16xf32>
      %mul3A_114 = arith.mulf %get3A_109, %get3A_22 : vector<16xf32>
      %mul3A_115 = arith.mulf %get3A_113, %get3A_26 : vector<16xf32>
      %add3A_116 = arith.addf %mul3A_114, %mul3A_115 : vector<16xf32>
      %swap3A_117 = arith.index_cast %scan3A_19 : i32 to index
      %swap3A_118 = arith.constant 80 : index
      %swap3A_119 = tpu.vector_load %arg9[%swap3A_117, %swap3A_118] {strides = array<i32>} : memref<64x768xf32, #tpu.memory_space<vmem>>, vector<1x16xf32>,
      %swap3A_120 = vector.shape_cast %swap3A_119 : vector<1x16xf32> to vector<16xf32>
      %swap3A_121 = vector.shape_cast %add3A_116 : vector<16xf32> to vector<1x16xf32>
      tpu.vector_store %arg9[%swap3A_117, %swap3A_118], %swap3A_121 {strides = array<i32>} : memref<64x768xf32, #tpu.memory_space<vmem>>, vector<1x16xf32>,
      %get3A_122 = arith.index_cast %scan3A_19 : i32 to index
      %get3A_123 = arith.constant 96 : index
      %get3A_124 = tpu.vector_load %arg9[%get3A_122, %get3A_123] {strides = array<i32>} : memref<64x768xf32, #tpu.memory_space<vmem>>, vector<1x16xf32>,
      %get3A_125 = vector.shape_cast %get3A_124 : vector<1x16xf32> to vector<16xf32>
      %get3A_126 = arith.index_cast %scan3A_19 : i32 to index
      %get3A_127 = arith.constant 96 : index
      %get3A_128 = tpu.vector_load %arg10[%get3A_126, %get3A_127] {strides = array<i32>} : memref<64x768xf32, #tpu.memory_space<vmem>>, vector<1x16xf32>,
      %get3A_129 = vector.shape_cast %get3A_128 : vector<1x16xf32> to vector<16xf32>
      %mul3A_130 = arith.mulf %get3A_125, %get3A_22 : vector<16xf32>
      %mul3A_131 = arith.mulf %get3A_129, %get3A_26 : vector<16xf32>
      %add3A_132 = arith.addf %mul3A_130, %mul3A_131 : vector<16xf32>
      %swap3A_133 = arith.index_cast %scan3A_19 : i32 to index
      %swap3A_134 = arith.constant 96 : index
      %swap3A_135 = tpu.vector_load %arg9[%swap3A_133, %swap3A_134] {strides = array<i32>} : memref<64x768xf32, #tpu.memory_space<vmem>>, vector<1x16xf32>,
      %swap3A_136 = vector.shape_cast %swap3A_135 : vector<1x16xf32> to vector<16xf32>
      %swap3A_137 = vector.shape_cast %add3A_132 : vector<16xf32> to vector<1x16xf32>
      tpu.vector_store %arg9[%swap3A_133, %swap3A_134], %swap3A_137 {strides = array<i32>} : memref<64x768xf32, #tpu.memory_space<vmem>>, vector<1x16xf32>,
      %get3A_138 = arith.index_cast %scan3A_19 : i32 to index
      %get3A_139 = arith.constant 112 : index
      %get3A_140 = tpu.vector_load %arg9[%get3A_138, %get3A_139] {strides = array<i32>} : memref<64x768xf32, #tpu.memory_space<vmem>>, vector<1x16xf32>,
      %get3A_141 = vector.shape_cast %get3A_140 : vector<1x16xf32> to vector<16xf32>
      %get3A_142 = arith.index_cast %scan3A_19 : i32 to index
      %get3A_143 = arith.constant 112 : index
      %get3A_144 = tpu.vector_load %arg10[%get3A_142, %get3A_143] {strides = array<i32>} : memref<64x768xf32, #tpu.memory_space<vmem>>, vector<1x16xf32>,
      %get3A_145 = vector.shape_cast %get3A_144 : vector<1x16xf32> to vector<16xf32>
      %mul3A_146 = arith.mulf %get3A_141, %get3A_22 : vector<16xf32>
      %mul3A_147 = arith.mulf %get3A_145, %get3A_26 : vector<16xf32>
      %add3A_148 = arith.addf %mul3A_146, %mul3A_147 : vector<16xf32>
      %swap3A_149 = arith.index_cast %scan3A_19 : i32 to index
      %swap3A_150 = arith.constant 112 : index
      %swap3A_151 = tpu.vector_load %arg9[%swap3A_149, %swap3A_150] {strides = array<i32>} : memref<64x768xf32, #tpu.memory_space<vmem>>, vector<1x16xf32>,
      %swap3A_152 = vector.shape_cast %swap3A_151 : vector<1x16xf32> to vector<16xf32>
      %swap3A_153 = vector.shape_cast %add3A_148 : vector<16xf32> to vector<1x16xf32>
      tpu.vector_store %arg9[%swap3A_149, %swap3A_150], %swap3A_153 {strides = array<i32>} : memref<64x768xf32, #tpu.memory_space<vmem>>, vector<1x16xf32>,
      %get3A_154 = arith.index_cast %scan3A_19 : i32 to index
      %get3A_155 = arith.constant 128 : index
      %get3A_156 = tpu.vector_load %arg9[%get3A_154, %get3A_155] {strides = array<i32>} : memref<64x768xf32, #tpu.memory_space<vmem>>, vector<1x16xf32>,
      %get3A_157 = vector.shape_cast %get3A_156 : vector<1x16xf32> to vector<16xf32>
      %get3A_158 = arith.index_cast %scan3A_19 : i32 to index
      %get3A_159 = arith.constant 128 : index
      %get3A_160 = tpu.vector_load %arg10[%get3A_158, %get3A_159] {strides = array<i32>} : memref<64x768xf32, #tpu.memory_space<vmem>>, vector<1x16xf32>,
      %get3A_161 = vector.shape_cast %get3A_160 : vector<1x16xf32> to vector<16xf32>
      %mul3A_162 = arith.mulf %get3A_157, %get3A_22 : vector<16xf32>
      %mul3A_163 = arith.mulf %get3A_161, %get3A_26 : vector<16xf32>
      %add3A_164 = arith.addf %mul3A_162, %mul3A_163 : vector<16xf32>
      %swap3A_165 = arith.index_cast %scan3A_19 : i32 to index
      %swap3A_166 = arith.constant 128 : index
      %swap3A_167 = tpu.vector_load %arg9[%swap3A_165, %swap3A_166] {strides = array<i32>} : memref<64x768xf32, #tpu.memory_space<vmem>>, vector<1x16xf32>,
      %swap3A_168 = vector.shape_cast %swap3A_167 : vector<1x16xf32> to vector<16xf32>
      %swap3A_169 = vector.shape_cast %add3A_164 : vector<16xf32> to vector<1x16xf32>
      tpu.vector_store %arg9[%swap3A_165, %swap3A_166], %swap3A_169 {strides = array<i32>} : memref<64x768xf32, #tpu.memory_space<vmem>>, vector<1x16xf32>,
      %get3A_170 = arith.index_cast %scan3A_19 : i32 to index
      %get3A_171 = arith.constant 144 : index
      %get3A_172 = tpu.vector_load %arg9[%get3A_170, %get3A_171] {strides = array<i32>} : memref<64x768xf32, #tpu.memory_space<vmem>>, vector<1x16xf32>,
      %get3A_173 = vector.shape_cast %get3A_172 : vector<1x16xf32> to vector<16xf32>
      %get3A_174 = arith.index_cast %scan3A_19 : i32 to index
      %get3A_175 = arith.constant 144 : index
      %get3A_176 = tpu.vector_load %arg10[%get3A_174, %get3A_175] {strides = array<i32>} : memref<64x768xf32, #tpu.memory_space<vmem>>, vector<1x16xf32>,
      %get3A_177 = vector.shape_cast %get3A_176 : vector<1x16xf32> to vector<16xf32>
      %mul3A_178 = arith.mulf %get3A_173, %get3A_22 : vector<16xf32>
      %mul3A_179 = arith.mulf %get3A_177, %get3A_26 : vector<16xf32>
      %add3A_180 = arith.addf %mul3A_178, %mul3A_179 : vector<16xf32>
      %swap3A_181 = arith.index_cast %scan3A_19 : i32 to index
      %swap3A_182 = arith.constant 144 : index
      %swap3A_183 = tpu.vector_load %arg9[%swap3A_181, %swap3A_182] {strides = array<i32>} : memref<64x768xf32, #tpu.memory_space<vmem>>, vector<1x16xf32>,
      %swap3A_184 = vector.shape_cast %swap3A_183 : vector<1x16xf32> to vector<16xf32>
      %swap3A_185 = vector.shape_cast %add3A_180 : vector<16xf32> to vector<1x16xf32>
      tpu.vector_store %arg9[%swap3A_181, %swap3A_182], %swap3A_185 {strides = array<i32>} : memref<64x768xf32, #tpu.memory_space<vmem>>, vector<1x16xf32>,
      %get3A_186 = arith.index_cast %scan3A_19 : i32 to index
      %get3A_187 = arith.constant 160 : index
      %get3A_188 = tpu.vector_load %arg9[%get3A_186, %get3A_187] {strides = array<i32>} : memref<64x768xf32, #tpu.memory_space<vmem>>, vector<1x16xf32>,
      %get3A_189 = vector.shape_cast %get3A_188 : vector<1x16xf32> to vector<16xf32>
      %get3A_190 = arith.index_cast %scan3A_19 : i32 to index
      %get3A_191 = arith.constant 160 : index
      %get3A_192 = tpu.vector_load %arg10[%get3A_190, %get3A_191] {strides = array<i32>} : memref<64x768xf32, #tpu.memory_space<vmem>>, vector<1x16xf32>,
      %get3A_193 = vector.shape_cast %get3A_192 : vector<1x16xf32> to vector<16xf32>
      %mul3A_194 = arith.mulf %get3A_189, %get3A_22 : vector<16xf32>
      %mul3A_195 = arith.mulf %get3A_193, %get3A_26 : vector<16xf32>
      %add3A_196 = arith.addf %mul3A_194, %mul3A_195 : vector<16xf32>
      %swap3A_197 = arith.index_cast %scan3A_19 : i32 to index
      %swap3A_198 = arith.constant 160 : index
      %swap3A_199 = tpu.vector_load %arg9[%swap3A_197, %swap3A_198] {strides = array<i32>} : memref<64x768xf32, #tpu.memory_space<vmem>>, vector<1x16xf32>,
      %swap3A_200 = vector.shape_cast %swap3A_199 : vector<1x16xf32> to vector<16xf32>
      %swap3A_201 = vector.shape_cast %add3A_196 : vector<16xf32> to vector<1x16xf32>
      tpu.vector_store %arg9[%swap3A_197, %swap3A_198], %swap3A_201 {strides = array<i32>} : memref<64x768xf32, #tpu.memory_space<vmem>>, vector<1x16xf32>,
      %get3A_202 = arith.index_cast %scan3A_19 : i32 to index
      %get3A_203 = arith.constant 176 : index
      %get3A_204 = tpu.vector_load %arg9[%get3A_202, %get3A_203] {strides = array<i32>} : memref<64x768xf32, #tpu.memory_space<vmem>>, vector<1x16xf32>,
      %get3A_205 = vector.shape_cast %get3A_204 : vector<1x16xf32> to vector<16xf32>
      %get3A_206 = arith.index_cast %scan3A_19 : i32 to index
      %get3A_207 = arith.constant 176 : index
      %get3A_208 = tpu.vector_load %arg10[%get3A_206, %get3A_207] {strides = array<i32>} : memref<64x768xf32, #tpu.memory_space<vmem>>, vector<1x16xf32>,
      %get3A_209 = vector.shape_cast %get3A_208 : vector<1x16xf32> to vector<16xf32>
      %mul3A_210 = arith.mulf %get3A_205, %get3A_22 : vector<16xf32>
      %mul3A_211 = arith.mulf %get3A_209, %get3A_26 : vector<16xf32>
      %add3A_212 = arith.addf %mul3A_210, %mul3A_211 : vector<16xf32>
      %swap3A_213 = arith.index_cast %scan3A_19 : i32 to index
      %swap3A_214 = arith.constant 176 : index
      %swap3A_215 = tpu.vector_load %arg9[%swap3A_213, %swap3A_214] {strides = array<i32>} : memref<64x768xf32, #tpu.memory_space<vmem>>, vector<1x16xf32>,
      %swap3A_216 = vector.shape_cast %swap3A_215 : vector<1x16xf32> to vector<16xf32>
      %swap3A_217 = vector.shape_cast %add3A_212 : vector<16xf32> to vector<1x16xf32>
      tpu.vector_store %arg9[%swap3A_213, %swap3A_214], %swap3A_217 {strides = array<i32>} : memref<64x768xf32, #tpu.memory_space<vmem>>, vector<1x16xf32>,
      %get3A_218 = arith.index_cast %scan3A_19 : i32 to index
      %get3A_219 = arith.constant 192 : index
      %get3A_220 = tpu.vector_load %arg9[%get3A_218, %get3A_219] {strides = array<i32>} : memref<64x768xf32, #tpu.memory_space<vmem>>, vector<1x16xf32>,
      %get3A_221 = vector.shape_cast %get3A_220 : vector<1x16xf32> to vector<16xf32>
      %get3A_222 = arith.index_cast %scan3A_19 : i32 to index
      %get3A_223 = arith.constant 192 : index
      %get3A_224 = tpu.vector_load %arg10[%get3A_222, %get3A_223] {strides = array<i32>} : memref<64x768xf32, #tpu.memory_space<vmem>>, vector<1x16xf32>,
      %get3A_225 = vector.shape_cast %get3A_224 : vector<1x16xf32> to vector<16xf32>
      %mul3A_226 = arith.mulf %get3A_221, %get3A_22 : vector<16xf32>
      %mul3A_227 = arith.mulf %get3A_225, %get3A_26 : vector<16xf32>
      %add3A_228 = arith.addf %mul3A_226, %mul3A_227 : vector<16xf32>
      %swap3A_229 = arith.index_cast %scan3A_19 : i32 to index
      %swap3A_230 = arith.constant 192 : index
      %swap3A_231 = tpu.vector_load %arg9[%swap3A_229, %swap3A_230] {strides = array<i32>} : memref<64x768xf32, #tpu.memory_space<vmem>>, vector<1x16xf32>,
      %swap3A_232 = vector.shape_cast %swap3A_231 : vector<1x16xf32> to vector<16xf32>
      %swap3A_233 = vector.shape_cast %add3A_228 : vector<16xf32> to vector<1x16xf32>
      tpu.vector_store %arg9[%swap3A_229, %swap3A_230], %swap3A_233 {strides = array<i32>} : memref<64x768xf32, #tpu.memory_space<vmem>>, vector<1x16xf32>,
      %get3A_234 = arith.index_cast %scan3A_19 : i32 to index
      %get3A_235 = arith.constant 208 : index
      %get3A_236 = tpu.vector_load %arg9[%get3A_234, %get3A_235] {strides = array<i32>} : memref<64x768xf32, #tpu.memory_space<vmem>>, vector<1x16xf32>,
      %get3A_237 = vector.shape_cast %get3A_236 : vector<1x16xf32> to vector<16xf32>
      %get3A_238 = arith.index_cast %scan3A_19 : i32 to index
      %get3A_239 = arith.constant 208 : index
      %get3A_240 = tpu.vector_load %arg10[%get3A_238, %get3A_239] {strides = array<i32>} : memref<64x768xf32, #tpu.memory_space<vmem>>, vector<1x16xf32>,
      %get3A_241 = vector.shape_cast %get3A_240 : vector<1x16xf32> to vector<16xf32>
      %mul3A_242 = arith.mulf %get3A_237, %get3A_22 : vector<16xf32>
      %mul3A_243 = arith.mulf %get3A_241, %get3A_26 : vector<16xf32>
      %add3A_244 = arith.addf %mul3A_242, %mul3A_243 : vector<16xf32>
      %swap3A_245 = arith.index_cast %scan3A_19 : i32 to index
      %swap3A_246 = arith.constant 208 : index
      %swap3A_247 = tpu.vector_load %arg9[%swap3A_245, %swap3A_246] {strides = array<i32>} : memref<64x768xf32, #tpu.memory_space<vmem>>, vector<1x16xf32>,
      %swap3A_248 = vector.shape_cast %swap3A_247 : vector<1x16xf32> to vector<16xf32>
      %swap3A_249 = vector.shape_cast %add3A_244 : vector<16xf32> to vector<1x16xf32>
      tpu.vector_store %arg9[%swap3A_245, %swap3A_246], %swap3A_249 {strides = array<i32>} : memref<64x768xf32, #tpu.memory_space<vmem>>, vector<1x16xf32>,
      %get3A_250 = arith.index_cast %scan3A_19 : i32 to index
      %get3A_251 = arith.constant 224 : index
      %get3A_252 = tpu.vector_load %arg9[%get3A_250, %get3A_251] {strides = array<i32>} : memref<64x768xf32, #tpu.memory_space<vmem>>, vector<1x16xf32>,
      %get3A_253 = vector.shape_cast %get3A_252 : vector<1x16xf32> to vector<16xf32>
      %get3A_254 = arith.index_cast %scan3A_19 : i32 to index
      %get3A_255 = arith.constant 224 : index
      %get3A_256 = tpu.vector_load %arg10[%get3A_254, %get3A_255] {strides = array<i32>} : memref<64x768xf32, #tpu.memory_space<vmem>>, vector<1x16xf32>,
      %get3A_257 = vector.shape_cast %get3A_256 : vector<1x16xf32> to vector<16xf32>
      %mul3A_258 = arith.mulf %get3A_253, %get3A_22 : vector<16xf32>
      %mul3A_259 = arith.mulf %get3A_257, %get3A_26 : vector<16xf32>
      %add3A_260 = arith.addf %mul3A_258, %mul3A_259 : vector<16xf32>
      %swap3A_261 = arith.index_cast %scan3A_19 : i32 to index
      %swap3A_262 = arith.constant 224 : index
      %swap3A_263 = tpu.vector_load %arg9[%swap3A_261, %swap3A_262] {strides = array<i32>} : memref<64x768xf32, #tpu.memory_space<vmem>>, vector<1x16xf32>,
      %swap3A_264 = vector.shape_cast %swap3A_263 : vector<1x16xf32> to vector<16xf32>
      %swap3A_265 = vector.shape_cast %add3A_260 : vector<16xf32> to vector<1x16xf32>
      tpu.vector_store %arg9[%swap3A_261, %swap3A_262], %swap3A_265 {strides = array<i32>} : memref<64x768xf32, #tpu.memory_space<vmem>>, vector<1x16xf32>,
      %get3A_266 = arith.index_cast %scan3A_19 : i32 to index
      %get3A_267 = arith.constant 240 : index
      %get3A_268 = tpu.vector_load %arg9[%get3A_266, %get3A_267] {strides = array<i32>} : memref<64x768xf32, #tpu.memory_space<vmem>>, vector<1x16xf32>,
      %get3A_269 = vector.shape_cast %get3A_268 : vector<1x16xf32> to vector<16xf32>
      %get3A_270 = arith.index_cast %scan3A_19 : i32 to index
      %get3A_271 = arith.constant 240 : index
      %get3A_272 = tpu.vector_load %arg10[%get3A_270, %get3A_271] {strides = array<i32>} : memref<64x768xf32, #tpu.memory_space<vmem>>, vector<1x16xf32>,
      %get3A_273 = vector.shape_cast %get3A_272 : vector<1x16xf32> to vector<16xf32>
      %mul3A_274 = arith.mulf %get3A_269, %get3A_22 : vector<16xf32>
      %mul3A_275 = arith.mulf %get3A_273, %get3A_26 : vector<16xf32>
      %add3A_276 = arith.addf %mul3A_274, %mul3A_275 : vector<16xf32>
      %swap3A_277 = arith.index_cast %scan3A_19 : i32 to index
      %swap3A_278 = arith.constant 240 : index
      %swap3A_279 = tpu.vector_load %arg9[%swap3A_277, %swap3A_278] {strides = array<i32>} : memref<64x768xf32, #tpu.memory_space<vmem>>, vector<1x16xf32>,
      %swap3A_280 = vector.shape_cast %swap3A_279 : vector<1x16xf32> to vector<16xf32>
      %swap3A_281 = vector.shape_cast %add3A_276 : vector<16xf32> to vector<1x16xf32>
      tpu.vector_store %arg9[%swap3A_277, %swap3A_278], %swap3A_281 {strides = array<i32>} : memref<64x768xf32, #tpu.memory_space<vmem>>, vector<1x16xf32>,
      %get3A_282 = arith.index_cast %scan3A_19 : i32 to index
      %get3A_283 = arith.constant 256 : index
      %get3A_284 = tpu.vector_load %arg9[%get3A_282, %get3A_283] {strides = array<i32>} : memref<64x768xf32, #tpu.memory_space<vmem>>, vector<1x16xf32>,
      %get3A_285 = vector.shape_cast %get3A_284 : vector<1x16xf32> to vector<16xf32>
      %get3A_286 = arith.index_cast %scan3A_19 : i32 to index
      %get3A_287 = arith.constant 256 : index
      %get3A_288 = tpu.vector_load %arg10[%get3A_286, %get3A_287] {strides = array<i32>} : memref<64x768xf32, #tpu.memory_space<vmem>>, vector<1x16xf32>,
      %get3A_289 = vector.shape_cast %get3A_288 : vector<1x16xf32> to vector<16xf32>
      %mul3A_290 = arith.mulf %get3A_285, %get3A_22 : vector<16xf32>
      %mul3A_291 = arith.mulf %get3A_289, %get3A_26 : vector<16xf32>
      %add3A_292 = arith.addf %mul3A_290, %mul3A_291 : vector<16xf32>
      %swap3A_293 = arith.index_cast %scan3A_19 : i32 to index
      %swap3A_294 = arith.constant 256 : index
      %swap3A_295 = tpu.vector_load %arg9[%swap3A_293, %swap3A_294] {strides = array<i32>} : memref<64x768xf32, #tpu.memory_space<vmem>>, vector<1x16xf32>,
      %swap3A_296 = vector.shape_cast %swap3A_295 : vector<1x16xf32> to vector<16xf32>
      %swap3A_297 = vector.shape_cast %add3A_292 : vector<16xf32> to vector<1x16xf32>
      tpu.vector_store %arg9[%swap3A_293, %swap3A_294], %swap3A_297 {strides = array<i32>} : memref<64x768xf32, #tpu.memory_space<vmem>>, vector<1x16xf32>,
      %get3A_298 = arith.index_cast %scan3A_19 : i32 to index
      %get3A_299 = arith.constant 272 : index
      %get3A_300 = tpu.vector_load %arg9[%get3A_298, %get3A_299] {strides = array<i32>} : memref<64x768xf32, #tpu.memory_space<vmem>>, vector<1x16xf32>,
      %get3A_301 = vector.shape_cast %get3A_300 : vector<1x16xf32> to vector<16xf32>
      %get3A_302 = arith.index_cast %scan3A_19 : i32 to index
      %get3A_303 = arith.constant 272 : index
      %get3A_304 = tpu.vector_load %arg10[%get3A_302, %get3A_303] {strides = array<i32>} : memref<64x768xf32, #tpu.memory_space<vmem>>, vector<1x16xf32>,
      %get3A_305 = vector.shape_cast %get3A_304 : vector<1x16xf32> to vector<16xf32>
      %mul3A_306 = arith.mulf %get3A_301, %get3A_22 : vector<16xf32>
      %mul3A_307 = arith.mulf %get3A_305, %get3A_26 : vector<16xf32>
      %add3A_308 = arith.addf %mul3A_306, %mul3A_307 : vector<16xf32>
      %swap3A_309 = arith.index_cast %scan3A_19 : i32 to index
      %swap3A_310 = arith.constant 272 : index
      %swap3A_311 = tpu.vector_load %arg9[%swap3A_309, %swap3A_310] {strides = array<i32>} : memref<64x768xf32, #tpu.memory_space<vmem>>, vector<1x16xf32>,
      %swap3A_312 = vector.shape_cast %swap3A_311 : vector<1x16xf32> to vector<16xf32>
      %swap3A_313 = vector.shape_cast %add3A_308 : vector<16xf32> to vector<1x16xf32>
      tpu.vector_store %arg9[%swap3A_309, %swap3A_310], %swap3A_313 {strides = array<i32>} : memref<64x768xf32, #tpu.memory_space<vmem>>, vector<1x16xf32>,
      %get3A_314 = arith.index_cast %scan3A_19 : i32 to index
      %get3A_315 = arith.constant 288 : index
      %get3A_316 = tpu.vector_load %arg9[%get3A_314, %get3A_315] {strides = array<i32>} : memref<64x768xf32, #tpu.memory_space<vmem>>, vector<1x16xf32>,
      %get3A_317 = vector.shape_cast %get3A_316 : vector<1x16xf32> to vector<16xf32>
      %get3A_318 = arith.index_cast %scan3A_19 : i32 to index
      %get3A_319 = arith.constant 288 : index
      %get3A_320 = tpu.vector_load %arg10[%get3A_318, %get3A_319] {strides = array<i32>} : memref<64x768xf32, #tpu.memory_space<vmem>>, vector<1x16xf32>,
      %get3A_321 = vector.shape_cast %get3A_320 : vector<1x16xf32> to vector<16xf32>
      %mul3A_322 = arith.mulf %get3A_317, %get3A_22 : vector<16xf32>
      %mul3A_323 = arith.mulf %get3A_321, %get3A_26 : vector<16xf32>
      %add3A_324 = arith.addf %mul3A_322, %mul3A_323 : vector<16xf32>
      %swap3A_325 = arith.index_cast %scan3A_19 : i32 to index
      %swap3A_326 = arith.constant 288 : index
      %swap3A_327 = tpu.vector_load %arg9[%swap3A_325, %swap3A_326] {strides = array<i32>} : memref<64x768xf32, #tpu.memory_space<vmem>>, vector<1x16xf32>,
      %swap3A_328 = vector.shape_cast %swap3A_327 : vector<1x16xf32> to vector<16xf32>
      %swap3A_329 = vector.shape_cast %add3A_324 : vector<16xf32> to vector<1x16xf32>
      tpu.vector_store %arg9[%swap3A_325, %swap3A_326], %swap3A_329 {strides = array<i32>} : memref<64x768xf32, #tpu.memory_space<vmem>>, vector<1x16xf32>,
      %get3A_330 = arith.index_cast %scan3A_19 : i32 to index
      %get3A_331 = arith.constant 304 : index
      %get3A_332 = tpu.vector_load %arg9[%get3A_330, %get3A_331] {strides = array<i32>} : memref<64x768xf32, #tpu.memory_space<vmem>>, vector<1x16xf32>,
      %get3A_333 = vector.shape_cast %get3A_332 : vector<1x16xf32> to vector<16xf32>
      %get3A_334 = arith.index_cast %scan3A_19 : i32 to index
      %get3A_335 = arith.constant 304 : index
      %get3A_336 = tpu.vector_load %arg10[%get3A_334, %get3A_335] {strides = array<i32>} : memref<64x768xf32, #tpu.memory_space<vmem>>, vector<1x16xf32>,
      %get3A_337 = vector.shape_cast %get3A_336 : vector<1x16xf32> to vector<16xf32>
      %mul3A_338 = arith.mulf %get3A_333, %get3A_22 : vector<16xf32>
      %mul3A_339 = arith.mulf %get3A_337, %get3A_26 : vector<16xf32>
      %add3A_340 = arith.addf %mul3A_338, %mul3A_339 : vector<16xf32>
      %swap3A_341 = arith.index_cast %scan3A_19 : i32 to index
      %swap3A_342 = arith.constant 304 : index
      %swap3A_343 = tpu.vector_load %arg9[%swap3A_341, %swap3A_342] {strides = array<i32>} : memref<64x768xf32, #tpu.memory_space<vmem>>, vector<1x16xf32>,
      %swap3A_344 = vector.shape_cast %swap3A_343 : vector<1x16xf32> to vector<16xf32>
      %swap3A_345 = vector.shape_cast %add3A_340 : vector<16xf32> to vector<1x16xf32>
      tpu.vector_store %arg9[%swap3A_341, %swap3A_342], %swap3A_345 {strides = array<i32>} : memref<64x768xf32, #tpu.memory_space<vmem>>, vector<1x16xf32>,
      %get3A_346 = arith.index_cast %scan3A_19 : i32 to index
      %get3A_347 = arith.constant 320 : index
      %get3A_348 = tpu.vector_load %arg9[%get3A_346, %get3A_347] {strides = array<i32>} : memref<64x768xf32, #tpu.memory_space<vmem>>, vector<1x16xf32>,
      %get3A_349 = vector.shape_cast %get3A_348 : vector<1x16xf32> to vector<16xf32>
      %get3A_350 = arith.index_cast %scan3A_19 : i32 to index
      %get3A_351 = arith.constant 320 : index
      %get3A_352 = tpu.vector_load %arg10[%get3A_350, %get3A_351] {strides = array<i32>} : memref<64x768xf32, #tpu.memory_space<vmem>>, vector<1x16xf32>,
      %get3A_353 = vector.shape_cast %get3A_352 : vector<1x16xf32> to vector<16xf32>
      %mul3A_354 = arith.mulf %get3A_349, %get3A_22 : vector<16xf32>
      %mul3A_355 = arith.mulf %get3A_353, %get3A_26 : vector<16xf32>
      %add3A_356 = arith.addf %mul3A_354, %mul3A_355 : vector<16xf32>
      %swap3A_357 = arith.index_cast %scan3A_19 : i32 to index
      %swap3A_358 = arith.constant 320 : index
      %swap3A_359 = tpu.vector_load %arg9[%swap3A_357, %swap3A_358] {strides = array<i32>} : memref<64x768xf32, #tpu.memory_space<vmem>>, vector<1x16xf32>,
      %swap3A_360 = vector.shape_cast %swap3A_359 : vector<1x16xf32> to vector<16xf32>
      %swap3A_361 = vector.shape_cast %add3A_356 : vector<16xf32> to vector<1x16xf32>
      tpu.vector_store %arg9[%swap3A_357, %swap3A_358], %swap3A_361 {strides = array<i32>} : memref<64x768xf32, #tpu.memory_space<vmem>>, vector<1x16xf32>,
      %get3A_362 = arith.index_cast %scan3A_19 : i32 to index
      %get3A_363 = arith.constant 336 : index
      %get3A_364 = tpu.vector_load %arg9[%get3A_362, %get3A_363] {strides = array<i32>} : memref<64x768xf32, #tpu.memory_space<vmem>>, vector<1x16xf32>,
      %get3A_365 = vector.shape_cast %get3A_364 : vector<1x16xf32> to vector<16xf32>
      %get3A_366 = arith.index_cast %scan3A_19 : i32 to index
      %get3A_367 = arith.constant 336 : index
      %get3A_368 = tpu.vector_load %arg10[%get3A_366, %get3A_367] {strides = array<i32>} : memref<64x768xf32, #tpu.memory_space<vmem>>, vector<1x16xf32>,
      %get3A_369 = vector.shape_cast %get3A_368 : vector<1x16xf32> to vector<16xf32>
      %mul3A_370 = arith.mulf %get3A_365, %get3A_22 : vector<16xf32>
      %mul3A_371 = arith.mulf %get3A_369, %get3A_26 : vector<16xf32>
      %add3A_372 = arith.addf %mul3A_370, %mul3A_371 : vector<16xf32>
      %swap3A_373 = arith.index_cast %scan3A_19 : i32 to index
      %swap3A_374 = arith.constant 336 : index
      %swap3A_375 = tpu.vector_load %arg9[%swap3A_373, %swap3A_374] {strides = array<i32>} : memref<64x768xf32, #tpu.memory_space<vmem>>, vector<1x16xf32>,
      %swap3A_376 = vector.shape_cast %swap3A_375 : vector<1x16xf32> to vector<16xf32>
      %swap3A_377 = vector.shape_cast %add3A_372 : vector<16xf32> to vector<1x16xf32>
      tpu.vector_store %arg9[%swap3A_373, %swap3A_374], %swap3A_377 {strides = array<i32>} : memref<64x768xf32, #tpu.memory_space<vmem>>, vector<1x16xf32>,
      %get3A_378 = arith.index_cast %scan3A_19 : i32 to index
      %get3A_379 = arith.constant 352 : index
      %get3A_380 = tpu.vector_load %arg9[%get3A_378, %get3A_379] {strides = array<i32>} : memref<64x768xf32, #tpu.memory_space<vmem>>, vector<1x16xf32>,
      %get3A_381 = vector.shape_cast %get3A_380 : vector<1x16xf32> to vector<16xf32>
      %get3A_382 = arith.index_cast %scan3A_19 : i32 to index
      %get3A_383 = arith.constant 352 : index
      %get3A_384 = tpu.vector_load %arg10[%get3A_382, %get3A_383] {strides = array<i32>} : memref<64x768xf32, #tpu.memory_space<vmem>>, vector<1x16xf32>,
      %get3A_385 = vector.shape_cast %get3A_384 : vector<1x16xf32> to vector<16xf32>
      %mul3A_386 = arith.mulf %get3A_381, %get3A_22 : vector<16xf32>
      %mul3A_387 = arith.mulf %get3A_385, %get3A_26 : vector<16xf32>
      %add3A_388 = arith.addf %mul3A_386, %mul3A_387 : vector<16xf32>
      %swap3A_389 = arith.index_cast %scan3A_19 : i32 to index
      %swap3A_390 = arith.constant 352 : index
      %swap3A_391 = tpu.vector_load %arg9[%swap3A_389, %swap3A_390] {strides = array<i32>} : memref<64x768xf32, #tpu.memory_space<vmem>>, vector<1x16xf32>,
      %swap3A_392 = vector.shape_cast %swap3A_391 : vector<1x16xf32> to vector<16xf32>
      %swap3A_393 = vector.shape_cast %add3A_388 : vector<16xf32> to vector<1x16xf32>
      tpu.vector_store %arg9[%swap3A_389, %swap3A_390], %swap3A_393 {strides = array<i32>} : memref<64x768xf32, #tpu.memory_space<vmem>>, vector<1x16xf32>,
      %get3A_394 = arith.index_cast %scan3A_19 : i32 to index
      %get3A_395 = arith.constant 368 : index
      %get3A_396 = tpu.vector_load %arg9[%get3A_394, %get3A_395] {strides = array<i32>} : memref<64x768xf32, #tpu.memory_space<vmem>>, vector<1x16xf32>,
      %get3A_397 = vector.shape_cast %get3A_396 : vector<1x16xf32> to vector<16xf32>
      %get3A_398 = arith.index_cast %scan3A_19 : i32 to index
      %get3A_399 = arith.constant 368 : index
      %get3A_400 = tpu.vector_load %arg10[%get3A_398, %get3A_399] {strides = array<i32>} : memref<64x768xf32, #tpu.memory_space<vmem>>, vector<1x16xf32>,
      %get3A_401 = vector.shape_cast %get3A_400 : vector<1x16xf32> to vector<16xf32>
      %mul3A_402 = arith.mulf %get3A_397, %get3A_22 : vector<16xf32>
      %mul3A_403 = arith.mulf %get3A_401, %get3A_26 : vector<16xf32>
      %add3A_404 = arith.addf %mul3A_402, %mul3A_403 : vector<16xf32>
      %swap3A_405 = arith.index_cast %scan3A_19 : i32 to index
      %swap3A_406 = arith.constant 368 : index
      %swap3A_407 = tpu.vector_load %arg9[%swap3A_405, %swap3A_406] {strides = array<i32>} : memref<64x768xf32, #tpu.memory_space<vmem>>, vector<1x16xf32>,
      %swap3A_408 = vector.shape_cast %swap3A_407 : vector<1x16xf32> to vector<16xf32>
      %swap3A_409 = vector.shape_cast %add3A_404 : vector<16xf32> to vector<1x16xf32>
      tpu.vector_store %arg9[%swap3A_405, %swap3A_406], %swap3A_409 {strides = array<i32>} : memref<64x768xf32, #tpu.memory_space<vmem>>, vector<1x16xf32>,
      %get3A_410 = arith.index_cast %scan3A_19 : i32 to index
      %get3A_411 = arith.constant 384 : index
      %get3A_412 = tpu.vector_load %arg9[%get3A_410, %get3A_411] {strides = array<i32>} : memref<64x768xf32, #tpu.memory_space<vmem>>, vector<1x16xf32>,
      %get3A_413 = vector.shape_cast %get3A_412 : vector<1x16xf32> to vector<16xf32>
      %get3A_414 = arith.index_cast %scan3A_19 : i32 to index
      %get3A_415 = arith.constant 384 : index
      %get3A_416 = tpu.vector_load %arg10[%get3A_414, %get3A_415] {strides = array<i32>} : memref<64x768xf32, #tpu.memory_space<vmem>>, vector<1x16xf32>,
      %get3A_417 = vector.shape_cast %get3A_416 : vector<1x16xf32> to vector<16xf32>
      %mul3A_418 = arith.mulf %get3A_413, %get3A_22 : vector<16xf32>
      %mul3A_419 = arith.mulf %get3A_417, %get3A_26 : vector<16xf32>
      %add3A_420 = arith.addf %mul3A_418, %mul3A_419 : vector<16xf32>
      %swap3A_421 = arith.index_cast %scan3A_19 : i32 to index
      %swap3A_422 = arith.constant 384 : index
      %swap3A_423 = tpu.vector_load %arg9[%swap3A_421, %swap3A_422] {strides = array<i32>} : memref<64x768xf32, #tpu.memory_space<vmem>>, vector<1x16xf32>,
      %swap3A_424 = vector.shape_cast %swap3A_423 : vector<1x16xf32> to vector<16xf32>
      %swap3A_425 = vector.shape_cast %add3A_420 : vector<16xf32> to vector<1x16xf32>
      tpu.vector_store %arg9[%swap3A_421, %swap3A_422], %swap3A_425 {strides = array<i32>} : memref<64x768xf32, #tpu.memory_space<vmem>>, vector<1x16xf32>,
      %get3A_426 = arith.index_cast %scan3A_19 : i32 to index
      %get3A_427 = arith.constant 400 : index
      %get3A_428 = tpu.vector_load %arg9[%get3A_426, %get3A_427] {strides = array<i32>} : memref<64x768xf32, #tpu.memory_space<vmem>>, vector<1x16xf32>,
      %get3A_429 = vector.shape_cast %get3A_428 : vector<1x16xf32> to vector<16xf32>
      %get3A_430 = arith.index_cast %scan3A_19 : i32 to index
      %get3A_431 = arith.constant 400 : index
      %get3A_432 = tpu.vector_load %arg10[%get3A_430, %get3A_431] {strides = array<i32>} : memref<64x768xf32, #tpu.memory_space<vmem>>, vector<1x16xf32>,
      %get3A_433 = vector.shape_cast %get3A_432 : vector<1x16xf32> to vector<16xf32>
      %mul3A_434 = arith.mulf %get3A_429, %get3A_22 : vector<16xf32>
      %mul3A_435 = arith.mulf %get3A_433, %get3A_26 : vector<16xf32>
      %add3A_436 = arith.addf %mul3A_434, %mul3A_435 : vector<16xf32>
      %swap3A_437 = arith.index_cast %scan3A_19 : i32 to index
      %swap3A_438 = arith.constant 400 : index
      %swap3A_439 = tpu.vector_load %arg9[%swap3A_437, %swap3A_438] {strides = array<i32>} : memref<64x768xf32, #tpu.memory_space<vmem>>, vector<1x16xf32>,
      %swap3A_440 = vector.shape_cast %swap3A_439 : vector<1x16xf32> to vector<16xf32>
      %swap3A_441 = vector.shape_cast %add3A_436 : vector<16xf32> to vector<1x16xf32>
      tpu.vector_store %arg9[%swap3A_437, %swap3A_438], %swap3A_441 {strides = array<i32>} : memref<64x768xf32, #tpu.memory_space<vmem>>, vector<1x16xf32>,
      %get3A_442 = arith.index_cast %scan3A_19 : i32 to index
      %get3A_443 = arith.constant 416 : index
      %get3A_444 = tpu.vector_load %arg9[%get3A_442, %get3A_443] {strides = array<i32>} : memref<64x768xf32, #tpu.memory_space<vmem>>, vector<1x16xf32>,
      %get3A_445 = vector.shape_cast %get3A_444 : vector<1x16xf32> to vector<16xf32>
      %get3A_446 = arith.index_cast %scan3A_19 : i32 to index
      %get3A_447 = arith.constant 416 : index
      %get3A_448 = tpu.vector_load %arg10[%get3A_446, %get3A_447] {strides = array<i32>} : memref<64x768xf32, #tpu.memory_space<vmem>>, vector<1x16xf32>,
      %get3A_449 = vector.shape_cast %get3A_448 : vector<1x16xf32> to vector<16xf32>
      %mul3A_450 = arith.mulf %get3A_445, %get3A_22 : vector<16xf32>
      %mul3A_451 = arith.mulf %get3A_449, %get3A_26 : vector<16xf32>
      %add3A_452 = arith.addf %mul3A_450, %mul3A_451 : vector<16xf32>
      %swap3A_453 = arith.index_cast %scan3A_19 : i32 to index
      %swap3A_454 = arith.constant 416 : index
      %swap3A_455 = tpu.vector_load %arg9[%swap3A_453, %swap3A_454] {strides = array<i32>} : memref<64x768xf32, #tpu.memory_space<vmem>>, vector<1x16xf32>,
      %swap3A_456 = vector.shape_cast %swap3A_455 : vector<1x16xf32> to vector<16xf32>
      %swap3A_457 = vector.shape_cast %add3A_452 : vector<16xf32> to vector<1x16xf32>
      tpu.vector_store %arg9[%swap3A_453, %swap3A_454], %swap3A_457 {strides = array<i32>} : memref<64x768xf32, #tpu.memory_space<vmem>>, vector<1x16xf32>,
      %get3A_458 = arith.index_cast %scan3A_19 : i32 to index
      %get3A_459 = arith.constant 432 : index
      %get3A_460 = tpu.vector_load %arg9[%get3A_458, %get3A_459] {strides = array<i32>} : memref<64x768xf32, #tpu.memory_space<vmem>>, vector<1x16xf32>,
      %get3A_461 = vector.shape_cast %get3A_460 : vector<1x16xf32> to vector<16xf32>
      %get3A_462 = arith.index_cast %scan3A_19 : i32 to index
      %get3A_463 = arith.constant 432 : index
      %get3A_464 = tpu.vector_load %arg10[%get3A_462, %get3A_463] {strides = array<i32>} : memref<64x768xf32, #tpu.memory_space<vmem>>, vector<1x16xf32>,
      %get3A_465 = vector.shape_cast %get3A_464 : vector<1x16xf32> to vector<16xf32>
      %mul3A_466 = arith.mulf %get3A_461, %get3A_22 : vector<16xf32>
      %mul3A_467 = arith.mulf %get3A_465, %get3A_26 : vector<16xf32>
      %add3A_468 = arith.addf %mul3A_466, %mul3A_467 : vector<16xf32>
      %swap3A_469 = arith.index_cast %scan3A_19 : i32 to index
      %swap3A_470 = arith.constant 432 : index
      %swap3A_471 = tpu.vector_load %arg9[%swap3A_469, %swap3A_470] {strides = array<i32>} : memref<64x768xf32, #tpu.memory_space<vmem>>, vector<1x16xf32>,
      %swap3A_472 = vector.shape_cast %swap3A_471 : vector<1x16xf32> to vector<16xf32>
      %swap3A_473 = vector.shape_cast %add3A_468 : vector<16xf32> to vector<1x16xf32>
      tpu.vector_store %arg9[%swap3A_469, %swap3A_470], %swap3A_473 {strides = array<i32>} : memref<64x768xf32, #tpu.memory_space<vmem>>, vector<1x16xf32>,
      %get3A_474 = arith.index_cast %scan3A_19 : i32 to index
      %get3A_475 = arith.constant 448 : index
      %get3A_476 = tpu.vector_load %arg9[%get3A_474, %get3A_475] {strides = array<i32>} : memref<64x768xf32, #tpu.memory_space<vmem>>, vector<1x16xf32>,
      %get3A_477 = vector.shape_cast %get3A_476 : vector<1x16xf32> to vector<16xf32>
      %get3A_478 = arith.index_cast %scan3A_19 : i32 to index
      %get3A_479 = arith.constant 448 : index
      %get3A_480 = tpu.vector_load %arg10[%get3A_478, %get3A_479] {strides = array<i32>} : memref<64x768xf32, #tpu.memory_space<vmem>>, vector<1x16xf32>,
      %get3A_481 = vector.shape_cast %get3A_480 : vector<1x16xf32> to vector<16xf32>
      %mul3A_482 = arith.mulf %get3A_477, %get3A_22 : vector<16xf32>
      %mul3A_483 = arith.mulf %get3A_481, %get3A_26 : vector<16xf32>
      %add3A_484 = arith.addf %mul3A_482, %mul3A_483 : vector<16xf32>
      %swap3A_485 = arith.index_cast %scan3A_19 : i32 to index
      %swap3A_486 = arith.constant 448 : index
      %swap3A_487 = tpu.vector_load %arg9[%swap3A_485, %swap3A_486] {strides = array<i32>} : memref<64x768xf32, #tpu.memory_space<vmem>>, vector<1x16xf32>,
      %swap3A_488 = vector.shape_cast %swap3A_487 : vector<1x16xf32> to vector<16xf32>
      %swap3A_489 = vector.shape_cast %add3A_484 : vector<16xf32> to vector<1x16xf32>
      tpu.vector_store %arg9[%swap3A_485, %swap3A_486], %swap3A_489 {strides = array<i32>} : memref<64x768xf32, #tpu.memory_space<vmem>>, vector<1x16xf32>,
      %get3A_490 = arith.index_cast %scan3A_19 : i32 to index
      %get3A_491 = arith.constant 464 : index
      %get3A_492 = tpu.vector_load %arg9[%get3A_490, %get3A_491] {strides = array<i32>} : memref<64x768xf32, #tpu.memory_space<vmem>>, vector<1x16xf32>,
      %get3A_493 = vector.shape_cast %get3A_492 : vector<1x16xf32> to vector<16xf32>
      %get3A_494 = arith.index_cast %scan3A_19 : i32 to index
      %get3A_495 = arith.constant 464 : index
      %get3A_496 = tpu.vector_load %arg10[%get3A_494, %get3A_495] {strides = array<i32>} : memref<64x768xf32, #tpu.memory_space<vmem>>, vector<1x16xf32>,
      %get3A_497 = vector.shape_cast %get3A_496 : vector<1x16xf32> to vector<16xf32>
      %mul3A_498 = arith.mulf %get3A_493, %get3A_22 : vector<16xf32>
      %mul3A_499 = arith.mulf %get3A_497, %get3A_26 : vector<16xf32>
      %add3A_500 = arith.addf %mul3A_498, %mul3A_499 : vector<16xf32>
      %swap3A_501 = arith.index_cast %scan3A_19 : i32 to index
      %swap3A_502 = arith.constant 464 : index
      %swap3A_503 = tpu.vector_load %arg9[%swap3A_501, %swap3A_502] {strides = array<i32>} : memref<64x768xf32, #tpu.memory_space<vmem>>, vector<1x16xf32>,
      %swap3A_504 = vector.shape_cast %swap3A_503 : vector<1x16xf32> to vector<16xf32>
      %swap3A_505 = vector.shape_cast %add3A_500 : vector<16xf32> to vector<1x16xf32>
      tpu.vector_store %arg9[%swap3A_501, %swap3A_502], %swap3A_505 {strides = array<i32>} : memref<64x768xf32, #tpu.memory_space<vmem>>, vector<1x16xf32>,
      %get3A_506 = arith.index_cast %scan3A_19 : i32 to index
      %get3A_507 = arith.constant 480 : index
      %get3A_508 = tpu.vector_load %arg9[%get3A_506, %get3A_507] {strides = array<i32>} : memref<64x768xf32, #tpu.memory_space<vmem>>, vector<1x16xf32>,
      %get3A_509 = vector.shape_cast %get3A_508 : vector<1x16xf32> to vector<16xf32>
      %get3A_510 = arith.index_cast %scan3A_19 : i32 to index
      %get3A_511 = arith.constant 480 : index
      %get3A_512 = tpu.vector_load %arg10[%get3A_510, %get3A_511] {strides = array<i32>} : memref<64x768xf32, #tpu.memory_space<vmem>>, vector<1x16xf32>,
      %get3A_513 = vector.shape_cast %get3A_512 : vector<1x16xf32> to vector<16xf32>
      %mul3A_514 = arith.mulf %get3A_509, %get3A_22 : vector<16xf32>
      %mul3A_515 = arith.mulf %get3A_513, %get3A_26 : vector<16xf32>
      %add3A_516 = arith.addf %mul3A_514, %mul3A_515 : vector<16xf32>
      %swap3A_517 = arith.index_cast %scan3A_19 : i32 to index
      %swap3A_518 = arith.constant 480 : index
      %swap3A_519 = tpu.vector_load %arg9[%swap3A_517, %swap3A_518] {strides = array<i32>} : memref<64x768xf32, #tpu.memory_space<vmem>>, vector<1x16xf32>,
      %swap3A_520 = vector.shape_cast %swap3A_519 : vector<1x16xf32> to vector<16xf32>
      %swap3A_521 = vector.shape_cast %add3A_516 : vector<16xf32> to vector<1x16xf32>
      tpu.vector_store %arg9[%swap3A_517, %swap3A_518], %swap3A_521 {strides = array<i32>} : memref<64x768xf32, #tpu.memory_space<vmem>>, vector<1x16xf32>,
      %get3A_522 = arith.index_cast %scan3A_19 : i32 to index
      %get3A_523 = arith.constant 496 : index
      %get3A_524 = tpu.vector_load %arg9[%get3A_522, %get3A_523] {strides = array<i32>} : memref<64x768xf32, #tpu.memory_space<vmem>>, vector<1x16xf32>,
      %get3A_525 = vector.shape_cast %get3A_524 : vector<1x16xf32> to vector<16xf32>
      %get3A_526 = arith.index_cast %scan3A_19 : i32 to index
      %get3A_527 = arith.constant 496 : index
      %get3A_528 = tpu.vector_load %arg10[%get3A_526, %get3A_527] {strides = array<i32>} : memref<64x768xf32, #tpu.memory_space<vmem>>, vector<1x16xf32>,
      %get3A_529 = vector.shape_cast %get3A_528 : vector<1x16xf32> to vector<16xf32>
      %mul3A_530 = arith.mulf %get3A_525, %get3A_22 : vector<16xf32>
      %mul3A_531 = arith.mulf %get3A_529, %get3A_26 : vector<16xf32>
      %add3A_532 = arith.addf %mul3A_530, %mul3A_531 : vector<16xf32>
      %swap3A_533 = arith.index_cast %scan3A_19 : i32 to index
      %swap3A_534 = arith.constant 496 : index
      %swap3A_535 = tpu.vector_load %arg9[%swap3A_533, %swap3A_534] {strides = array<i32>} : memref<64x768xf32, #tpu.memory_space<vmem>>, vector<1x16xf32>,
      %swap3A_536 = vector.shape_cast %swap3A_535 : vector<1x16xf32> to vector<16xf32>
      %swap3A_537 = vector.shape_cast %add3A_532 : vector<16xf32> to vector<1x16xf32>
      tpu.vector_store %arg9[%swap3A_533, %swap3A_534], %swap3A_537 {strides = array<i32>} : memref<64x768xf32, #tpu.memory_space<vmem>>, vector<1x16xf32>,
      %get3A_538 = arith.index_cast %scan3A_19 : i32 to index
      %get3A_539 = arith.constant 512 : index
      %get3A_540 = tpu.vector_load %arg9[%get3A_538, %get3A_539] {strides = array<i32>} : memref<64x768xf32, #tpu.memory_space<vmem>>, vector<1x16xf32>,
      %get3A_541 = vector.shape_cast %get3A_540 : vector<1x16xf32> to vector<16xf32>
      %get3A_542 = arith.index_cast %scan3A_19 : i32 to index
      %get3A_543 = arith.constant 512 : index
      %get3A_544 = tpu.vector_load %arg10[%get3A_542, %get3A_543] {strides = array<i32>} : memref<64x768xf32, #tpu.memory_space<vmem>>, vector<1x16xf32>,
      %get3A_545 = vector.shape_cast %get3A_544 : vector<1x16xf32> to vector<16xf32>
      %mul3A_546 = arith.mulf %get3A_541, %get3A_22 : vector<16xf32>
      %mul3A_547 = arith.mulf %get3A_545, %get3A_26 : vector<16xf32>
      %add3A_548 = arith.addf %mul3A_546, %mul3A_547 : vector<16xf32>
      %swap3A_549 = arith.index_cast %scan3A_19 : i32 to index
      %swap3A_550 = arith.constant 512 : index
      %swap3A_551 = tpu.vector_load %arg9[%swap3A_549, %swap3A_550] {strides = array<i32>} : memref<64x768xf32, #tpu.memory_space<vmem>>, vector<1x16xf32>,
      %swap3A_552 = vector.shape_cast %swap3A_551 : vector<1x16xf32> to vector<16xf32>
      %swap3A_553 = vector.shape_cast %add3A_548 : vector<16xf32> to vector<1x16xf32>
      tpu.vector_store %arg9[%swap3A_549, %swap3A_550], %swap3A_553 {strides = array<i32>} : memref<64x768xf32, #tpu.memory_space<vmem>>, vector<1x16xf32>,
      %get3A_554 = arith.index_cast %scan3A_19 : i32 to index
      %get3A_555 = arith.constant 528 : index
      %get3A_556 = tpu.vector_load %arg9[%get3A_554, %get3A_555] {strides = array<i32>} : memref<64x768xf32, #tpu.memory_space<vmem>>, vector<1x16xf32>,
      %get3A_557 = vector.shape_cast %get3A_556 : vector<1x16xf32> to vector<16xf32>
      %get3A_558 = arith.index_cast %scan3A_19 : i32 to index
      %get3A_559 = arith.constant 528 : index
      %get3A_560 = tpu.vector_load %arg10[%get3A_558, %get3A_559] {strides = array<i32>} : memref<64x768xf32, #tpu.memory_space<vmem>>, vector<1x16xf32>,
      %get3A_561 = vector.shape_cast %get3A_560 : vector<1x16xf32> to vector<16xf32>
      %mul3A_562 = arith.mulf %get3A_557, %get3A_22 : vector<16xf32>
      %mul3A_563 = arith.mulf %get3A_561, %get3A_26 : vector<16xf32>
      %add3A_564 = arith.addf %mul3A_562, %mul3A_563 : vector<16xf32>
      %swap3A_565 = arith.index_cast %scan3A_19 : i32 to index
      %swap3A_566 = arith.constant 528 : index
      %swap3A_567 = tpu.vector_load %arg9[%swap3A_565, %swap3A_566] {strides = array<i32>} : memref<64x768xf32, #tpu.memory_space<vmem>>, vector<1x16xf32>,
      %swap3A_568 = vector.shape_cast %swap3A_567 : vector<1x16xf32> to vector<16xf32>
      %swap3A_569 = vector.shape_cast %add3A_564 : vector<16xf32> to vector<1x16xf32>
      tpu.vector_store %arg9[%swap3A_565, %swap3A_566], %swap3A_569 {strides = array<i32>} : memref<64x768xf32, #tpu.memory_space<vmem>>, vector<1x16xf32>,
      %get3A_570 = arith.index_cast %scan3A_19 : i32 to index
      %get3A_571 = arith.constant 544 : index
      %get3A_572 = tpu.vector_load %arg9[%get3A_570, %get3A_571] {strides = array<i32>} : memref<64x768xf32, #tpu.memory_space<vmem>>, vector<1x16xf32>,
      %get3A_573 = vector.shape_cast %get3A_572 : vector<1x16xf32> to vector<16xf32>
      %get3A_574 = arith.index_cast %scan3A_19 : i32 to index
      %get3A_575 = arith.constant 544 : index
      %get3A_576 = tpu.vector_load %arg10[%get3A_574, %get3A_575] {strides = array<i32>} : memref<64x768xf32, #tpu.memory_space<vmem>>, vector<1x16xf32>,
      %get3A_577 = vector.shape_cast %get3A_576 : vector<1x16xf32> to vector<16xf32>
      %mul3A_578 = arith.mulf %get3A_573, %get3A_22 : vector<16xf32>
      %mul3A_579 = arith.mulf %get3A_577, %get3A_26 : vector<16xf32>
      %add3A_580 = arith.addf %mul3A_578, %mul3A_579 : vector<16xf32>
      %swap3A_581 = arith.index_cast %scan3A_19 : i32 to index
      %swap3A_582 = arith.constant 544 : index
      %swap3A_583 = tpu.vector_load %arg9[%swap3A_581, %swap3A_582] {strides = array<i32>} : memref<64x768xf32, #tpu.memory_space<vmem>>, vector<1x16xf32>,
      %swap3A_584 = vector.shape_cast %swap3A_583 : vector<1x16xf32> to vector<16xf32>
      %swap3A_585 = vector.shape_cast %add3A_580 : vector<16xf32> to vector<1x16xf32>
      tpu.vector_store %arg9[%swap3A_581, %swap3A_582], %swap3A_585 {strides = array<i32>} : memref<64x768xf32, #tpu.memory_space<vmem>>, vector<1x16xf32>,
      %get3A_586 = arith.index_cast %scan3A_19 : i32 to index
      %get3A_587 = arith.constant 560 : index
      %get3A_588 = tpu.vector_load %arg9[%get3A_586, %get3A_587] {strides = array<i32>} : memref<64x768xf32, #tpu.memory_space<vmem>>, vector<1x16xf32>,
      %get3A_589 = vector.shape_cast %get3A_588 : vector<1x16xf32> to vector<16xf32>
      %get3A_590 = arith.index_cast %scan3A_19 : i32 to index
      %get3A_591 = arith.constant 560 : index
      %get3A_592 = tpu.vector_load %arg10[%get3A_590, %get3A_591] {strides = array<i32>} : memref<64x768xf32, #tpu.memory_space<vmem>>, vector<1x16xf32>,
      %get3A_593 = vector.shape_cast %get3A_592 : vector<1x16xf32> to vector<16xf32>
      %mul3A_594 = arith.mulf %get3A_589, %get3A_22 : vector<16xf32>
      %mul3A_595 = arith.mulf %get3A_593, %get3A_26 : vector<16xf32>
      %add3A_596 = arith.addf %mul3A_594, %mul3A_595 : vector<16xf32>
      %swap3A_597 = arith.index_cast %scan3A_19 : i32 to index
      %swap3A_598 = arith.constant 560 : index
      %swap3A_599 = tpu.vector_load %arg9[%swap3A_597, %swap3A_598] {strides = array<i32>} : memref<64x768xf32, #tpu.memory_space<vmem>>, vector<1x16xf32>,
      %swap3A_600 = vector.shape_cast %swap3A_599 : vector<1x16xf32> to vector<16xf32>
      %swap3A_601 = vector.shape_cast %add3A_596 : vector<16xf32> to vector<1x16xf32>
      tpu.vector_store %arg9[%swap3A_597, %swap3A_598], %swap3A_601 {strides = array<i32>} : memref<64x768xf32, #tpu.memory_space<vmem>>, vector<1x16xf32>,
      %get3A_602 = arith.index_cast %scan3A_19 : i32 to index
      %get3A_603 = arith.constant 576 : index
      %get3A_604 = tpu.vector_load %arg9[%get3A_602, %get3A_603] {strides = array<i32>} : memref<64x768xf32, #tpu.memory_space<vmem>>, vector<1x16xf32>,
      %get3A_605 = vector.shape_cast %get3A_604 : vector<1x16xf32> to vector<16xf32>
      %get3A_606 = arith.index_cast %scan3A_19 : i32 to index
      %get3A_607 = arith.constant 576 : index
      %get3A_608 = tpu.vector_load %arg10[%get3A_606, %get3A_607] {strides = array<i32>} : memref<64x768xf32, #tpu.memory_space<vmem>>, vector<1x16xf32>,
      %get3A_609 = vector.shape_cast %get3A_608 : vector<1x16xf32> to vector<16xf32>
      %mul3A_610 = arith.mulf %get3A_605, %get3A_22 : vector<16xf32>
      %mul3A_611 = arith.mulf %get3A_609, %get3A_26 : vector<16xf32>
      %add3A_612 = arith.addf %mul3A_610, %mul3A_611 : vector<16xf32>
      %swap3A_613 = arith.index_cast %scan3A_19 : i32 to index
      %swap3A_614 = arith.constant 576 : index
      %swap3A_615 = tpu.vector_load %arg9[%swap3A_613, %swap3A_614] {strides = array<i32>} : memref<64x768xf32, #tpu.memory_space<vmem>>, vector<1x16xf32>,
      %swap3A_616 = vector.shape_cast %swap3A_615 : vector<1x16xf32> to vector<16xf32>
      %swap3A_617 = vector.shape_cast %add3A_612 : vector<16xf32> to vector<1x16xf32>
      tpu.vector_store %arg9[%swap3A_613, %swap3A_614], %swap3A_617 {strides = array<i32>} : memref<64x768xf32, #tpu.memory_space<vmem>>, vector<1x16xf32>,
      %get3A_618 = arith.index_cast %scan3A_19 : i32 to index
      %get3A_619 = arith.constant 592 : index
      %get3A_620 = tpu.vector_load %arg9[%get3A_618, %get3A_619] {strides = array<i32>} : memref<64x768xf32, #tpu.memory_space<vmem>>, vector<1x16xf32>,
      %get3A_621 = vector.shape_cast %get3A_620 : vector<1x16xf32> to vector<16xf32>
      %get3A_622 = arith.index_cast %scan3A_19 : i32 to index
      %get3A_623 = arith.constant 592 : index
      %get3A_624 = tpu.vector_load %arg10[%get3A_622, %get3A_623] {strides = array<i32>} : memref<64x768xf32, #tpu.memory_space<vmem>>, vector<1x16xf32>,
      %get3A_625 = vector.shape_cast %get3A_624 : vector<1x16xf32> to vector<16xf32>
      %mul3A_626 = arith.mulf %get3A_621, %get3A_22 : vector<16xf32>
      %mul3A_627 = arith.mulf %get3A_625, %get3A_26 : vector<16xf32>
      %add3A_628 = arith.addf %mul3A_626, %mul3A_627 : vector<16xf32>
      %swap3A_629 = arith.index_cast %scan3A_19 : i32 to index
      %swap3A_630 = arith.constant 592 : index
      %swap3A_631 = tpu.vector_load %arg9[%swap3A_629, %swap3A_630] {strides = array<i32>} : memref<64x768xf32, #tpu.memory_space<vmem>>, vector<1x16xf32>,
      %swap3A_632 = vector.shape_cast %swap3A_631 : vector<1x16xf32> to vector<16xf32>
      %swap3A_633 = vector.shape_cast %add3A_628 : vector<16xf32> to vector<1x16xf32>
      tpu.vector_store %arg9[%swap3A_629, %swap3A_630], %swap3A_633 {strides = array<i32>} : memref<64x768xf32, #tpu.memory_space<vmem>>, vector<1x16xf32>,
      %get3A_634 = arith.index_cast %scan3A_19 : i32 to index
      %get3A_635 = arith.constant 608 : index
      %get3A_636 = tpu.vector_load %arg9[%get3A_634, %get3A_635] {strides = array<i32>} : memref<64x768xf32, #tpu.memory_space<vmem>>, vector<1x16xf32>,
      %get3A_637 = vector.shape_cast %get3A_636 : vector<1x16xf32> to vector<16xf32>
      %get3A_638 = arith.index_cast %scan3A_19 : i32 to index
      %get3A_639 = arith.constant 608 : index
      %get3A_640 = tpu.vector_load %arg10[%get3A_638, %get3A_639] {strides = array<i32>} : memref<64x768xf32, #tpu.memory_space<vmem>>, vector<1x16xf32>,
      %get3A_641 = vector.shape_cast %get3A_640 : vector<1x16xf32> to vector<16xf32>
      %mul3A_642 = arith.mulf %get3A_637, %get3A_22 : vector<16xf32>
      %mul3A_643 = arith.mulf %get3A_641, %get3A_26 : vector<16xf32>
      %add3A_644 = arith.addf %mul3A_642, %mul3A_643 : vector<16xf32>
      %swap3A_645 = arith.index_cast %scan3A_19 : i32 to index
      %swap3A_646 = arith.constant 608 : index
      %swap3A_647 = tpu.vector_load %arg9[%swap3A_645, %swap3A_646] {strides = array<i32>} : memref<64x768xf32, #tpu.memory_space<vmem>>, vector<1x16xf32>,
      %swap3A_648 = vector.shape_cast %swap3A_647 : vector<1x16xf32> to vector<16xf32>
      %swap3A_649 = vector.shape_cast %add3A_644 : vector<16xf32> to vector<1x16xf32>
      tpu.vector_store %arg9[%swap3A_645, %swap3A_646], %swap3A_649 {strides = array<i32>} : memref<64x768xf32, #tpu.memory_space<vmem>>, vector<1x16xf32>,
      %get3A_650 = arith.index_cast %scan3A_19 : i32 to index
      %get3A_651 = arith.constant 624 : index
      %get3A_652 = tpu.vector_load %arg9[%get3A_650, %get3A_651] {strides = array<i32>} : memref<64x768xf32, #tpu.memory_space<vmem>>, vector<1x16xf32>,
      %get3A_653 = vector.shape_cast %get3A_652 : vector<1x16xf32> to vector<16xf32>
      %get3A_654 = arith.index_cast %scan3A_19 : i32 to index
      %get3A_655 = arith.constant 624 : index
      %get3A_656 = tpu.vector_load %arg10[%get3A_654, %get3A_655] {strides = array<i32>} : memref<64x768xf32, #tpu.memory_space<vmem>>, vector<1x16xf32>,
      %get3A_657 = vector.shape_cast %get3A_656 : vector<1x16xf32> to vector<16xf32>
      %mul3A_658 = arith.mulf %get3A_653, %get3A_22 : vector<16xf32>
      %mul3A_659 = arith.mulf %get3A_657, %get3A_26 : vector<16xf32>
      %add3A_660 = arith.addf %mul3A_658, %mul3A_659 : vector<16xf32>
      %swap3A_661 = arith.index_cast %scan3A_19 : i32 to index
      %swap3A_662 = arith.constant 624 : index
      %swap3A_663 = tpu.vector_load %arg9[%swap3A_661, %swap3A_662] {strides = array<i32>} : memref<64x768xf32, #tpu.memory_space<vmem>>, vector<1x16xf32>,
      %swap3A_664 = vector.shape_cast %swap3A_663 : vector<1x16xf32> to vector<16xf32>
      %swap3A_665 = vector.shape_cast %add3A_660 : vector<16xf32> to vector<1x16xf32>
      tpu.vector_store %arg9[%swap3A_661, %swap3A_662], %swap3A_665 {strides = array<i32>} : memref<64x768xf32, #tpu.memory_space<vmem>>, vector<1x16xf32>,
      %get3A_666 = arith.index_cast %scan3A_19 : i32 to index
      %get3A_667 = arith.constant 640 : index
      %get3A_668 = tpu.vector_load %arg9[%get3A_666, %get3A_667] {strides = array<i32>} : memref<64x768xf32, #tpu.memory_space<vmem>>, vector<1x16xf32>,
      %get3A_669 = vector.shape_cast %get3A_668 : vector<1x16xf32> to vector<16xf32>
      %get3A_670 = arith.index_cast %scan3A_19 : i32 to index
      %get3A_671 = arith.constant 640 : index
      %get3A_672 = tpu.vector_load %arg10[%get3A_670, %get3A_671] {strides = array<i32>} : memref<64x768xf32, #tpu.memory_space<vmem>>, vector<1x16xf32>,
      %get3A_673 = vector.shape_cast %get3A_672 : vector<1x16xf32> to vector<16xf32>
      %mul3A_674 = arith.mulf %get3A_669, %get3A_22 : vector<16xf32>
      %mul3A_675 = arith.mulf %get3A_673, %get3A_26 : vector<16xf32>
      %add3A_676 = arith.addf %mul3A_674, %mul3A_675 : vector<16xf32>
      %swap3A_677 = arith.index_cast %scan3A_19 : i32 to index
      %swap3A_678 = arith.constant 640 : index
      %swap3A_679 = tpu.vector_load %arg9[%swap3A_677, %swap3A_678] {strides = array<i32>} : memref<64x768xf32, #tpu.memory_space<vmem>>, vector<1x16xf32>,
      %swap3A_680 = vector.shape_cast %swap3A_679 : vector<1x16xf32> to vector<16xf32>
      %swap3A_681 = vector.shape_cast %add3A_676 : vector<16xf32> to vector<1x16xf32>
      tpu.vector_store %arg9[%swap3A_677, %swap3A_678], %swap3A_681 {strides = array<i32>} : memref<64x768xf32, #tpu.memory_space<vmem>>, vector<1x16xf32>,
      %get3A_682 = arith.index_cast %scan3A_19 : i32 to index
      %get3A_683 = arith.constant 656 : index
      %get3A_684 = tpu.vector_load %arg9[%get3A_682, %get3A_683] {strides = array<i32>} : memref<64x768xf32, #tpu.memory_space<vmem>>, vector<1x16xf32>,
      %get3A_685 = vector.shape_cast %get3A_684 : vector<1x16xf32> to vector<16xf32>
      %get3A_686 = arith.index_cast %scan3A_19 : i32 to index
      %get3A_687 = arith.constant 656 : index
      %get3A_688 = tpu.vector_load %arg10[%get3A_686, %get3A_687] {strides = array<i32>} : memref<64x768xf32, #tpu.memory_space<vmem>>, vector<1x16xf32>,
      %get3A_689 = vector.shape_cast %get3A_688 : vector<1x16xf32> to vector<16xf32>
      %mul3A_690 = arith.mulf %get3A_685, %get3A_22 : vector<16xf32>
      %mul3A_691 = arith.mulf %get3A_689, %get3A_26 : vector<16xf32>
      %add3A_692 = arith.addf %mul3A_690, %mul3A_691 : vector<16xf32>
      %swap3A_693 = arith.index_cast %scan3A_19 : i32 to index
      %swap3A_694 = arith.constant 656 : index
      %swap3A_695 = tpu.vector_load %arg9[%swap3A_693, %swap3A_694] {strides = array<i32>} : memref<64x768xf32, #tpu.memory_space<vmem>>, vector<1x16xf32>,
      %swap3A_696 = vector.shape_cast %swap3A_695 : vector<1x16xf32> to vector<16xf32>
      %swap3A_697 = vector.shape_cast %add3A_692 : vector<16xf32> to vector<1x16xf32>
      tpu.vector_store %arg9[%swap3A_693, %swap3A_694], %swap3A_697 {strides = array<i32>} : memref<64x768xf32, #tpu.memory_space<vmem>>, vector<1x16xf32>,
      %get3A_698 = arith.index_cast %scan3A_19 : i32 to index
      %get3A_699 = arith.constant 672 : index
      %get3A_700 = tpu.vector_load %arg9[%get3A_698, %get3A_699] {strides = array<i32>} : memref<64x768xf32, #tpu.memory_space<vmem>>, vector<1x16xf32>,
      %get3A_701 = vector.shape_cast %get3A_700 : vector<1x16xf32> to vector<16xf32>
      %get3A_702 = arith.index_cast %scan3A_19 : i32 to index
      %get3A_703 = arith.constant 672 : index
      %get3A_704 = tpu.vector_load %arg10[%get3A_702, %get3A_703] {strides = array<i32>} : memref<64x768xf32, #tpu.memory_space<vmem>>, vector<1x16xf32>,
      %get3A_705 = vector.shape_cast %get3A_704 : vector<1x16xf32> to vector<16xf32>
      %mul3A_706 = arith.mulf %get3A_701, %get3A_22 : vector<16xf32>
      %mul3A_707 = arith.mulf %get3A_705, %get3A_26 : vector<16xf32>
      %add3A_708 = arith.addf %mul3A_706, %mul3A_707 : vector<16xf32>
      %swap3A_709 = arith.index_cast %scan3A_19 : i32 to index
      %swap3A_710 = arith.constant 672 : index
      %swap3A_711 = tpu.vector_load %arg9[%swap3A_709, %swap3A_710] {strides = array<i32>} : memref<64x768xf32, #tpu.memory_space<vmem>>, vector<1x16xf32>,
      %swap3A_712 = vector.shape_cast %swap3A_711 : vector<1x16xf32> to vector<16xf32>
      %swap3A_713 = vector.shape_cast %add3A_708 : vector<16xf32> to vector<1x16xf32>
      tpu.vector_store %arg9[%swap3A_709, %swap3A_710], %swap3A_713 {strides = array<i32>} : memref<64x768xf32, #tpu.memory_space<vmem>>, vector<1x16xf32>,
      %get3A_714 = arith.index_cast %scan3A_19 : i32 to index
      %get3A_715 = arith.constant 688 : index
      %get3A_716 = tpu.vector_load %arg9[%get3A_714, %get3A_715] {strides = array<i32>} : memref<64x768xf32, #tpu.memory_space<vmem>>, vector<1x16xf32>,
      %get3A_717 = vector.shape_cast %get3A_716 : vector<1x16xf32> to vector<16xf32>
      %get3A_718 = arith.index_cast %scan3A_19 : i32 to index
      %get3A_719 = arith.constant 688 : index
      %get3A_720 = tpu.vector_load %arg10[%get3A_718, %get3A_719] {strides = array<i32>} : memref<64x768xf32, #tpu.memory_space<vmem>>, vector<1x16xf32>,
      %get3A_721 = vector.shape_cast %get3A_720 : vector<1x16xf32> to vector<16xf32>
      %mul3A_722 = arith.mulf %get3A_717, %get3A_22 : vector<16xf32>
      %mul3A_723 = arith.mulf %get3A_721, %get3A_26 : vector<16xf32>
      %add3A_724 = arith.addf %mul3A_722, %mul3A_723 : vector<16xf32>
      %swap3A_725 = arith.index_cast %scan3A_19 : i32 to index
      %swap3A_726 = arith.constant 688 : index
      %swap3A_727 = tpu.vector_load %arg9[%swap3A_725, %swap3A_726] {strides = array<i32>} : memref<64x768xf32, #tpu.memory_space<vmem>>, vector<1x16xf32>,
      %swap3A_728 = vector.shape_cast %swap3A_727 : vector<1x16xf32> to vector<16xf32>
      %swap3A_729 = vector.shape_cast %add3A_724 : vector<16xf32> to vector<1x16xf32>
      tpu.vector_store %arg9[%swap3A_725, %swap3A_726], %swap3A_729 {strides = array<i32>} : memref<64x768xf32, #tpu.memory_space<vmem>>, vector<1x16xf32>,
      %get3A_730 = arith.index_cast %scan3A_19 : i32 to index
      %get3A_731 = arith.constant 704 : index
      %get3A_732 = tpu.vector_load %arg9[%get3A_730, %get3A_731] {strides = array<i32>} : memref<64x768xf32, #tpu.memory_space<vmem>>, vector<1x16xf32>,
      %get3A_733 = vector.shape_cast %get3A_732 : vector<1x16xf32> to vector<16xf32>
      %get3A_734 = arith.index_cast %scan3A_19 : i32 to index
      %get3A_735 = arith.constant 704 : index
      %get3A_736 = tpu.vector_load %arg10[%get3A_734, %get3A_735] {strides = array<i32>} : memref<64x768xf32, #tpu.memory_space<vmem>>, vector<1x16xf32>,
      %get3A_737 = vector.shape_cast %get3A_736 : vector<1x16xf32> to vector<16xf32>
      %mul3A_738 = arith.mulf %get3A_733, %get3A_22 : vector<16xf32>
      %mul3A_739 = arith.mulf %get3A_737, %get3A_26 : vector<16xf32>
      %add3A_740 = arith.addf %mul3A_738, %mul3A_739 : vector<16xf32>
      %swap3A_741 = arith.index_cast %scan3A_19 : i32 to index
      %swap3A_742 = arith.constant 704 : index
      %swap3A_743 = tpu.vector_load %arg9[%swap3A_741, %swap3A_742] {strides = array<i32>} : memref<64x768xf32, #tpu.memory_space<vmem>>, vector<1x16xf32>,
      %swap3A_744 = vector.shape_cast %swap3A_743 : vector<1x16xf32> to vector<16xf32>
      %swap3A_745 = vector.shape_cast %add3A_740 : vector<16xf32> to vector<1x16xf32>
      tpu.vector_store %arg9[%swap3A_741, %swap3A_742], %swap3A_745 {strides = array<i32>} : memref<64x768xf32, #tpu.memory_space<vmem>>, vector<1x16xf32>,
      %get3A_746 = arith.index_cast %scan3A_19 : i32 to index
      %get3A_747 = arith.constant 720 : index
      %get3A_748 = tpu.vector_load %arg9[%get3A_746, %get3A_747] {strides = array<i32>} : memref<64x768xf32, #tpu.memory_space<vmem>>, vector<1x16xf32>,
      %get3A_749 = vector.shape_cast %get3A_748 : vector<1x16xf32> to vector<16xf32>
      %get3A_750 = arith.index_cast %scan3A_19 : i32 to index
      %get3A_751 = arith.constant 720 : index
      %get3A_752 = tpu.vector_load %arg10[%get3A_750, %get3A_751] {strides = array<i32>} : memref<64x768xf32, #tpu.memory_space<vmem>>, vector<1x16xf32>,
      %get3A_753 = vector.shape_cast %get3A_752 : vector<1x16xf32> to vector<16xf32>
      %mul3A_754 = arith.mulf %get3A_749, %get3A_22 : vector<16xf32>
      %mul3A_755 = arith.mulf %get3A_753, %get3A_26 : vector<16xf32>
      %add3A_756 = arith.addf %mul3A_754, %mul3A_755 : vector<16xf32>
      %swap3A_757 = arith.index_cast %scan3A_19 : i32 to index
      %swap3A_758 = arith.constant 720 : index
      %swap3A_759 = tpu.vector_load %arg9[%swap3A_757, %swap3A_758] {strides = array<i32>} : memref<64x768xf32, #tpu.memory_space<vmem>>, vector<1x16xf32>,
      %swap3A_760 = vector.shape_cast %swap3A_759 : vector<1x16xf32> to vector<16xf32>
      %swap3A_761 = vector.shape_cast %add3A_756 : vector<16xf32> to vector<1x16xf32>
      tpu.vector_store %arg9[%swap3A_757, %swap3A_758], %swap3A_761 {strides = array<i32>} : memref<64x768xf32, #tpu.memory_space<vmem>>, vector<1x16xf32>,
      %get3A_762 = arith.index_cast %scan3A_19 : i32 to index
      %get3A_763 = arith.constant 736 : index
      %get3A_764 = tpu.vector_load %arg9[%get3A_762, %get3A_763] {strides = array<i32>} : memref<64x768xf32, #tpu.memory_space<vmem>>, vector<1x16xf32>,
      %get3A_765 = vector.shape_cast %get3A_764 : vector<1x16xf32> to vector<16xf32>
      %get3A_766 = arith.index_cast %scan3A_19 : i32 to index
      %get3A_767 = arith.constant 736 : index
      %get3A_768 = tpu.vector_load %arg10[%get3A_766, %get3A_767] {strides = array<i32>} : memref<64x768xf32, #tpu.memory_space<vmem>>, vector<1x16xf32>,
      %get3A_769 = vector.shape_cast %get3A_768 : vector<1x16xf32> to vector<16xf32>
      %mul3A_770 = arith.mulf %get3A_765, %get3A_22 : vector<16xf32>
      %mul3A_771 = arith.mulf %get3A_769, %get3A_26 : vector<16xf32>
      %add3A_772 = arith.addf %mul3A_770, %mul3A_771 : vector<16xf32>
      %swap3A_773 = arith.index_cast %scan3A_19 : i32 to index
      %swap3A_774 = arith.constant 736 : index
      %swap3A_775 = tpu.vector_load %arg9[%swap3A_773, %swap3A_774] {strides = array<i32>} : memref<64x768xf32, #tpu.memory_space<vmem>>, vector<1x16xf32>,
      %swap3A_776 = vector.shape_cast %swap3A_775 : vector<1x16xf32> to vector<16xf32>
      %swap3A_777 = vector.shape_cast %add3A_772 : vector<16xf32> to vector<1x16xf32>
      tpu.vector_store %arg9[%swap3A_773, %swap3A_774], %swap3A_777 {strides = array<i32>} : memref<64x768xf32, #tpu.memory_space<vmem>>, vector<1x16xf32>,
      %get3A_778 = arith.index_cast %scan3A_19 : i32 to index
      %get3A_779 = arith.constant 752 : index
      %get3A_780 = tpu.vector_load %arg9[%get3A_778, %get3A_779] {strides = array<i32>} : memref<64x768xf32, #tpu.memory_space<vmem>>, vector<1x16xf32>,
      %get3A_781 = vector.shape_cast %get3A_780 : vector<1x16xf32> to vector<16xf32>
      %get3A_782 = arith.index_cast %scan3A_19 : i32 to index
      %get3A_783 = arith.constant 752 : index
      %get3A_784 = tpu.vector_load %arg10[%get3A_782, %get3A_783] {strides = array<i32>} : memref<64x768xf32, #tpu.memory_space<vmem>>, vector<1x16xf32>,
      %get3A_785 = vector.shape_cast %get3A_784 : vector<1x16xf32> to vector<16xf32>
      %mul3A_786 = arith.mulf %get3A_781, %get3A_22 : vector<16xf32>
      %mul3A_787 = arith.mulf %get3A_785, %get3A_26 : vector<16xf32>
      %add3A_788 = arith.addf %mul3A_786, %mul3A_787 : vector<16xf32>
      %swap3A_789 = arith.index_cast %scan3A_19 : i32 to index
      %swap3A_790 = arith.constant 752 : index
      %swap3A_791 = tpu.vector_load %arg9[%swap3A_789, %swap3A_790] {strides = array<i32>} : memref<64x768xf32, #tpu.memory_space<vmem>>, vector<1x16xf32>,
      %swap3A_792 = vector.shape_cast %swap3A_791 : vector<1x16xf32> to vector<16xf32>
      %swap3A_793 = vector.shape_cast %add3A_788 : vector<16xf32> to vector<1x16xf32>
      tpu.vector_store %arg9[%swap3A_789, %swap3A_790], %swap3A_793 {strides = array<i32>} : memref<64x768xf32, #tpu.memory_space<vmem>>, vector<1x16xf32>,
    }
    %scan3A_18 = arith.constant 64 : i32
    "tpu.region"() ({
      %run_scoped3A_19 = tpu.sem_alloc : memref<!tpu.dma_semaphore, #tpu.memory_space<semaphore_mem>>
      %dma_start3A_20 = arith.constant 0 : i32
      %dma_start3A_21 = tpu.memref_slice %arg5[%mul3A_2, %dma_start3A_20] : memref<2048x768xf32, #tpu.memory_space<hbm>> -> memref<64x768xf32, #tpu.memory_space<hbm>>
      %dma_start3A_22 = arith.constant 0 : i32
      %dma_start3A_23 = tpu.memref_slice %arg5[%mul3A_2, %dma_start3A_22] : memref<2048x768xf32, #tpu.memory_space<hbm>> -> memref<64x768xf32, #tpu.memory_space<hbm>>
      tpu.enqueue_dma source(%arg9 : memref<64x768xf32, #tpu.memory_space<vmem>>) target(%dma_start3A_23 : memref<64x768xf32, #tpu.memory_space<hbm>>) target_semaphore(%run_scoped3A_19 : memref<!tpu.dma_semaphore, #tpu.memory_space<semaphore_mem>>)
      %dma_wait3A_24 = arith.constant 0 : i32
      %dma_wait3A_25 = tpu.memref_slice %arg5[%mul3A_2, %dma_wait3A_24] : memref<2048x768xf32, #tpu.memory_space<hbm>> -> memref<64x768xf32, #tpu.memory_space<hbm>>
      %dma_wait3A_26 = arith.constant 0 : i32
      %dma_wait3A_27 = tpu.memref_slice %arg5[%mul3A_2, %dma_wait3A_26] : memref<2048x768xf32, #tpu.memory_space<hbm>> -> memref<64x768xf32, #tpu.memory_space<hbm>>
      tpu.wait_dma2 semaphore(%run_scoped3A_19 : memref<!tpu.dma_semaphore, #tpu.memory_space<semaphore_mem>>) src(%arg9 : memref<64x768xf32, #tpu.memory_space<vmem>>) dst(%dma_wait3A_27 : memref<64x768xf32, #tpu.memory_space<hbm>>)
      tpu.yield
    }) : () -> ()
    return
  }
}

module attributes {stable_mosaic.version = 14 : i64} {
  func.func @_ffn_body(%arg0: i32, %arg1: memref<128x8xi32, #tpu.memory_space<smem>>, %arg2: memref<256x768xf32, #tpu.memory_space<vmem>>, %arg3: memref<1x768x1024xf32, #tpu.memory_space<vmem>>, %arg4: memref<1x768x1024xf32, #tpu.memory_space<vmem>>, %arg5: memref<1x1x1024xf32, #tpu.memory_space<vmem>>, %arg6: memref<1x1024x768xf32, #tpu.memory_space<vmem>>, %arg7: memref<1x1024x768xf32, #tpu.memory_space<vmem>>, %arg8: memref<1x1x768xf32, #tpu.memory_space<vmem>>, %arg9: memref<256x768xf32, #tpu.memory_space<vmem>>) attributes {dimension_semantics = [#tpu.dimension_semantics<arbitrary>], iteration_bounds = array<i64: 24>, scalar_prefetch = 1 : i64, scratch_operands = 0 : i64, tpu.core_type = #tpu.core_type<tc>, window_params = [{transform_indices = @transform_0, window_bounds = array<i64: 256, 768>}, {transform_indices = @transform_1, window_bounds = array<i64: 1, 768, 1024>}, {transform_indices = @transform_2, window_bounds = array<i64: 1, 768, 1024>}, {transform_indices = @transform_3, window_bounds = array<i64: 1, 1, 1024>}, {transform_indices = @transform_4, window_bounds = array<i64: 1, 1024, 768>}, {transform_indices = @transform_5, window_bounds = array<i64: 1, 1024, 768>}, {transform_indices = @transform_6, window_bounds = array<i64: 1, 1, 768>}, {transform_indices = @transform_7, window_bounds = array<i64: 256, 768>}]} {
    %get3A = arith.index_cast %arg0 : i32 to index
    %get3A_0 = arith.constant 1 : index
    %get3A_1 = memref.load %arg1[%get3A, %get3A_0] : memref<128x8xi32, #tpu.memory_space<smem>>
    %eq3A = arith.constant 1 : i32
    %eq3A_2 = arith.cmpi eq, %get3A_1, %eq3A : i32
    %get3A_3 = arith.index_cast %arg0 : i32 to index
    %get3A_4 = arith.constant 0 : index
    %get3A_5 = memref.load %arg1[%get3A_3, %get3A_4] : memref<128x8xi32, #tpu.memory_space<smem>>
    %and3A = arith.constant 1 : i32
    %and3A_6 = arith.andi %get3A_5, %and3A : i32
    %eq3A_7 = arith.constant 0 : i32
    %eq3A_8 = arith.cmpi eq, %and3A_6, %eq3A_7 : i32
    %and3A_9 = arith.andi %eq3A_2, %eq3A_8 : i1
    %convert_element_type3A = arith.extui %and3A_9 : i1 to i32
    %cond3A = arith.constant 0 : i32
    %cond3A_10 = arith.cmpi ne, %convert_element_type3A, %cond3A : i32
    scf.if %cond3A_10 {
      %get3A_17 = arith.constant 0 : index
      %get3A_18 = arith.constant 0 : index
      %get3A_19 = vector.load %arg2[%get3A_17, %get3A_18] : memref<256x768xf32, #tpu.memory_space<vmem>>, vector<256x768xf32>
      %convert_element_type3A_20 = arith.truncf %get3A_19 : vector<256x768xf32> to vector<256x768xbf16>
      %get3A_21 = arith.constant 0 : index
      %get3A_22 = arith.constant 0 : index
      %get3A_23 = arith.constant 0 : index
      %get3A_24 = vector.load %arg3[%get3A_21, %get3A_22, %get3A_23] : memref<1x768x1024xf32, #tpu.memory_space<vmem>>, vector<1x768x1024xf32>
      %get3A_25 = vector.shape_cast %get3A_24 : vector<1x768x1024xf32> to vector<768x1024xf32>
      %convert_element_type3A_26 = arith.truncf %get3A_25 : vector<768x1024xf32> to vector<768x1024xbf16>
      %dot_general3A = arith.constant dense<0.000000e+00> : vector<256x1024xf32>
      %dot_general3A_27 = tpu.matmul %convert_element_type3A_20, %convert_element_type3A_26, %dot_general3A {dimension_numbers = #tpu.dot_dimension_numbers<[1], [0], [0], [1], [0, 0, 1, 1], [], []>, transpose_lhs_hint = false} : vector<256x768xbf16>, vector<768x1024xbf16>, vector<256x1024xf32> -> vector<256x1024xf32>
      %get3A_28 = arith.constant 0 : index
      %get3A_29 = arith.constant 0 : index
      %get3A_30 = arith.constant 0 : index
      %get3A_31 = vector.load %arg5[%get3A_28, %get3A_29, %get3A_30] : memref<1x1x1024xf32, #tpu.memory_space<vmem>>, vector<1x1x1024xf32>
      %get3A_32 = vector.shape_cast %get3A_31 : vector<1x1x1024xf32> to vector<1x1024xf32>
      %add3A = vector.broadcast %get3A_32 : vector<1x1024xf32> to vector<256x1024xf32>
      %add3A_33 = arith.addf %dot_general3A_27, %add3A : vector<256x1024xf32>
      %max3A = arith.constant 0.000000e+00 : f32
      %max3A_34 = vector.broadcast %max3A : f32 to vector<256x1024xf32>
      %max3A_35 = arith.maximumf %add3A_33, %max3A_34 : vector<256x1024xf32>
      %convert_element_type3A_36 = arith.truncf %max3A_35 : vector<256x1024xf32> to vector<256x1024xbf16>
      %get3A_37 = arith.constant 0 : index
      %get3A_38 = arith.constant 0 : index
      %get3A_39 = arith.constant 0 : index
      %get3A_40 = vector.load %arg6[%get3A_37, %get3A_38, %get3A_39] : memref<1x1024x768xf32, #tpu.memory_space<vmem>>, vector<1x1024x768xf32>
      %get3A_41 = vector.shape_cast %get3A_40 : vector<1x1024x768xf32> to vector<1024x768xf32>
      %convert_element_type3A_42 = arith.truncf %get3A_41 : vector<1024x768xf32> to vector<1024x768xbf16>
      %dot_general3A_43 = arith.constant dense<0.000000e+00> : vector<256x768xf32>
      %dot_general3A_44 = tpu.matmul %convert_element_type3A_36, %convert_element_type3A_42, %dot_general3A_43 {dimension_numbers = #tpu.dot_dimension_numbers<[1], [0], [0], [1], [0, 0, 1, 1], [], []>, transpose_lhs_hint = false} : vector<256x1024xbf16>, vector<1024x768xbf16>, vector<256x768xf32> -> vector<256x768xf32>
      %get3A_45 = arith.constant 0 : index
      %get3A_46 = arith.constant 0 : index
      %get3A_47 = arith.constant 0 : index
      %get3A_48 = vector.load %arg8[%get3A_45, %get3A_46, %get3A_47] : memref<1x1x768xf32, #tpu.memory_space<vmem>>, vector<1x1x768xf32>
      %get3A_49 = vector.shape_cast %get3A_48 : vector<1x1x768xf32> to vector<1x768xf32>
      %add3A_50 = vector.broadcast %get3A_49 : vector<1x768xf32> to vector<256x768xf32>
      %add3A_51 = arith.addf %dot_general3A_44, %add3A_50 : vector<256x768xf32>
      %swap3A = arith.constant 0 : index
      %swap3A_52 = arith.constant 0 : index
      %swap3A_53 = vector.load %arg9[%swap3A, %swap3A_52] : memref<256x768xf32, #tpu.memory_space<vmem>>, vector<256x768xf32>
      tpu.vector_store %arg9[%swap3A, %swap3A_52], %add3A_51 {strides = array<i32>} : memref<256x768xf32, #tpu.memory_space<vmem>>, vector<256x768xf32>,
    } else {
    }
    %eq3A_11 = arith.constant 1 : i32
    %eq3A_12 = arith.cmpi eq, %and3A_6, %eq3A_11 : i32
    %and3A_13 = arith.andi %eq3A_2, %eq3A_12 : i1
    %convert_element_type3A_14 = arith.extui %and3A_13 : i1 to i32
    %cond3A_15 = arith.constant 0 : i32
    %cond3A_16 = arith.cmpi ne, %convert_element_type3A_14, %cond3A_15 : i32
    scf.if %cond3A_16 {
      %get3A_17 = arith.constant 0 : index
      %get3A_18 = arith.constant 0 : index
      %get3A_19 = vector.load %arg2[%get3A_17, %get3A_18] : memref<256x768xf32, #tpu.memory_space<vmem>>, vector<256x768xf32>
      %convert_element_type3A_20 = arith.truncf %get3A_19 : vector<256x768xf32> to vector<256x768xbf16>
      %get3A_21 = arith.constant 0 : index
      %get3A_22 = arith.constant 0 : index
      %get3A_23 = arith.constant 0 : index
      %get3A_24 = vector.load %arg4[%get3A_21, %get3A_22, %get3A_23] : memref<1x768x1024xf32, #tpu.memory_space<vmem>>, vector<1x768x1024xf32>
      %get3A_25 = vector.shape_cast %get3A_24 : vector<1x768x1024xf32> to vector<768x1024xf32>
      %convert_element_type3A_26 = arith.truncf %get3A_25 : vector<768x1024xf32> to vector<768x1024xbf16>
      %dot_general3A = arith.constant dense<0.000000e+00> : vector<256x1024xf32>
      %dot_general3A_27 = tpu.matmul %convert_element_type3A_20, %convert_element_type3A_26, %dot_general3A {dimension_numbers = #tpu.dot_dimension_numbers<[1], [0], [0], [1], [0, 0, 1, 1], [], []>, transpose_lhs_hint = false} : vector<256x768xbf16>, vector<768x1024xbf16>, vector<256x1024xf32> -> vector<256x1024xf32>
      %get3A_28 = arith.constant 0 : index
      %get3A_29 = arith.constant 0 : index
      %get3A_30 = arith.constant 0 : index
      %get3A_31 = vector.load %arg5[%get3A_28, %get3A_29, %get3A_30] : memref<1x1x1024xf32, #tpu.memory_space<vmem>>, vector<1x1x1024xf32>
      %get3A_32 = vector.shape_cast %get3A_31 : vector<1x1x1024xf32> to vector<1x1024xf32>
      %add3A = vector.broadcast %get3A_32 : vector<1x1024xf32> to vector<256x1024xf32>
      %add3A_33 = arith.addf %dot_general3A_27, %add3A : vector<256x1024xf32>
      %max3A = arith.constant 0.000000e+00 : f32
      %max3A_34 = vector.broadcast %max3A : f32 to vector<256x1024xf32>
      %max3A_35 = arith.maximumf %add3A_33, %max3A_34 : vector<256x1024xf32>
      %convert_element_type3A_36 = arith.truncf %max3A_35 : vector<256x1024xf32> to vector<256x1024xbf16>
      %get3A_37 = arith.constant 0 : index
      %get3A_38 = arith.constant 0 : index
      %get3A_39 = arith.constant 0 : index
      %get3A_40 = vector.load %arg7[%get3A_37, %get3A_38, %get3A_39] : memref<1x1024x768xf32, #tpu.memory_space<vmem>>, vector<1x1024x768xf32>
      %get3A_41 = vector.shape_cast %get3A_40 : vector<1x1024x768xf32> to vector<1024x768xf32>
      %convert_element_type3A_42 = arith.truncf %get3A_41 : vector<1024x768xf32> to vector<1024x768xbf16>
      %dot_general3A_43 = arith.constant dense<0.000000e+00> : vector<256x768xf32>
      %dot_general3A_44 = tpu.matmul %convert_element_type3A_36, %convert_element_type3A_42, %dot_general3A_43 {dimension_numbers = #tpu.dot_dimension_numbers<[1], [0], [0], [1], [0, 0, 1, 1], [], []>, transpose_lhs_hint = false} : vector<256x1024xbf16>, vector<1024x768xbf16>, vector<256x768xf32> -> vector<256x768xf32>
      %get3A_45 = arith.constant 0 : index
      %get3A_46 = arith.constant 0 : index
      %get3A_47 = arith.constant 0 : index
      %get3A_48 = vector.load %arg8[%get3A_45, %get3A_46, %get3A_47] : memref<1x1x768xf32, #tpu.memory_space<vmem>>, vector<1x1x768xf32>
      %get3A_49 = vector.shape_cast %get3A_48 : vector<1x1x768xf32> to vector<1x768xf32>
      %add3A_50 = vector.broadcast %get3A_49 : vector<1x768xf32> to vector<256x768xf32>
      %add3A_51 = arith.addf %dot_general3A_44, %add3A_50 : vector<256x768xf32>
      %swap3A = arith.constant 0 : index
      %swap3A_52 = arith.constant 0 : index
      %swap3A_53 = vector.load %arg9[%swap3A, %swap3A_52] : memref<256x768xf32, #tpu.memory_space<vmem>>, vector<256x768xf32>
      tpu.vector_store %arg9[%swap3A, %swap3A_52], %add3A_51 {strides = array<i32>} : memref<256x768xf32, #tpu.memory_space<vmem>>, vector<256x768xf32>,
    } else {
    }
    return
  }
  func.func @transform_0(%arg0: i32, %arg1: memref<128x8xi32, #tpu.memory_space<smem>>) -> (i32, i32) {
    %c0_i32 = arith.constant 0 : i32
    %c0_i32_0 = arith.constant 0 : i32
    return %arg0, %c0_i32 : i32, i32
  }
  func.func @transform_1(%arg0: i32, %arg1: memref<128x8xi32, #tpu.memory_space<smem>>) -> (i32, i32, i32) {
    %get3A = arith.index_cast %arg0 : i32 to index
    %get3A_0 = arith.constant 2 : index
    %get3A_1 = memref.load %arg1[%get3A, %get3A_0] : memref<128x8xi32, #tpu.memory_space<smem>>
    %c0_i32 = arith.constant 0 : i32
    %c0_i32_2 = arith.constant 0 : i32
    %c0_i32_3 = arith.constant 0 : i32
    return %get3A_1, %c0_i32, %c0_i32_2 : i32, i32, i32
  }
  func.func @transform_2(%arg0: i32, %arg1: memref<128x8xi32, #tpu.memory_space<smem>>) -> (i32, i32, i32) {
    %get3A = arith.index_cast %arg0 : i32 to index
    %get3A_0 = arith.constant 3 : index
    %get3A_1 = memref.load %arg1[%get3A, %get3A_0] : memref<128x8xi32, #tpu.memory_space<smem>>
    %c0_i32 = arith.constant 0 : i32
    %c0_i32_2 = arith.constant 0 : i32
    %c0_i32_3 = arith.constant 0 : i32
    return %get3A_1, %c0_i32, %c0_i32_2 : i32, i32, i32
  }
  func.func @transform_3(%arg0: i32, %arg1: memref<128x8xi32, #tpu.memory_space<smem>>) -> (i32, i32, i32) {
    %get3A = arith.index_cast %arg0 : i32 to index
    %get3A_0 = arith.constant 0 : index
    %get3A_1 = memref.load %arg1[%get3A, %get3A_0] : memref<128x8xi32, #tpu.memory_space<smem>>
    %c0_i32 = arith.constant 0 : i32
    %c0_i32_2 = arith.constant 0 : i32
    %c0_i32_3 = arith.constant 0 : i32
    return %get3A_1, %c0_i32, %c0_i32_2 : i32, i32, i32
  }
  func.func @transform_4(%arg0: i32, %arg1: memref<128x8xi32, #tpu.memory_space<smem>>) -> (i32, i32, i32) {
    %get3A = arith.index_cast %arg0 : i32 to index
    %get3A_0 = arith.constant 2 : index
    %get3A_1 = memref.load %arg1[%get3A, %get3A_0] : memref<128x8xi32, #tpu.memory_space<smem>>
    %c0_i32 = arith.constant 0 : i32
    %c0_i32_2 = arith.constant 0 : i32
    %c0_i32_3 = arith.constant 0 : i32
    return %get3A_1, %c0_i32, %c0_i32_2 : i32, i32, i32
  }
  func.func @transform_5(%arg0: i32, %arg1: memref<128x8xi32, #tpu.memory_space<smem>>) -> (i32, i32, i32) {
    %get3A = arith.index_cast %arg0 : i32 to index
    %get3A_0 = arith.constant 3 : index
    %get3A_1 = memref.load %arg1[%get3A, %get3A_0] : memref<128x8xi32, #tpu.memory_space<smem>>
    %c0_i32 = arith.constant 0 : i32
    %c0_i32_2 = arith.constant 0 : i32
    %c0_i32_3 = arith.constant 0 : i32
    return %get3A_1, %c0_i32, %c0_i32_2 : i32, i32, i32
  }
  func.func @transform_6(%arg0: i32, %arg1: memref<128x8xi32, #tpu.memory_space<smem>>) -> (i32, i32, i32) {
    %get3A = arith.index_cast %arg0 : i32 to index
    %get3A_0 = arith.constant 0 : index
    %get3A_1 = memref.load %arg1[%get3A, %get3A_0] : memref<128x8xi32, #tpu.memory_space<smem>>
    %c0_i32 = arith.constant 0 : i32
    %c0_i32_2 = arith.constant 0 : i32
    %c0_i32_3 = arith.constant 0 : i32
    return %get3A_1, %c0_i32, %c0_i32_2 : i32, i32, i32
  }
  func.func @transform_7(%arg0: i32, %arg1: memref<128x8xi32, #tpu.memory_space<smem>>) -> (i32, i32) {
    %c0_i32 = arith.constant 0 : i32
    %c0_i32_0 = arith.constant 0 : i32
    return %arg0, %c0_i32 : i32, i32
  }
}

module attributes {stable_mosaic.version = 14 : i64} {
  func.func @_router_body(%arg0: memref<2048x768xf32, #tpu.memory_space<vmem>>, %arg1: memref<768x8xf32, #tpu.memory_space<vmem>>, %arg2: memref<1x8xf32, #tpu.memory_space<vmem>>, %arg3: memref<2048x8xf32, #tpu.memory_space<vmem>>, %arg4: memref<2048x2xi32, #tpu.memory_space<vmem>>, %arg5: memref<2048x2xi32, #tpu.memory_space<vmem>>, %arg6: memref<128x8xi32, #tpu.memory_space<vmem>>, %arg7: memref<2048x32xf32, #tpu.memory_space<vmem>>) attributes {dimension_semantics = [], scalar_prefetch = 0 : i64, scratch_operands = 0 : i64, tpu.core_type = #tpu.core_type<tc>} {
    %get3A = arith.constant 0 : index
    %get3A_0 = arith.constant 0 : index
    %get3A_1 = vector.load %arg0[%get3A, %get3A_0] : memref<2048x768xf32, #tpu.memory_space<vmem>>, vector<2048x768xf32>
    %get3A_2 = arith.constant 0 : index
    %get3A_3 = arith.constant 0 : index
    %get3A_4 = vector.load %arg1[%get3A_2, %get3A_3] : memref<768x8xf32, #tpu.memory_space<vmem>>, vector<768x8xf32>
    %dot_general3A = arith.constant dense<0.000000e+00> : vector<2048x8xf32>
    %dot_general3A_5 = tpu.matmul %get3A_1, %get3A_4, %dot_general3A {dimension_numbers = #tpu.dot_dimension_numbers<[1], [0], [0], [1], [0, 0, 1, 1], [], []>, transpose_lhs_hint = false} : vector<2048x768xf32>, vector<768x8xf32>, vector<2048x8xf32> -> vector<2048x8xf32>
    %get3A_6 = arith.constant 0 : index
    %get3A_7 = arith.constant 0 : index
    %get3A_8 = vector.load %arg2[%get3A_6, %get3A_7] : memref<1x8xf32, #tpu.memory_space<vmem>>, vector<1x8xf32>
    %add3A = vector.broadcast %get3A_8 : vector<1x8xf32> to vector<2048x8xf32>
    %add3A_9 = arith.addf %dot_general3A_5, %add3A : vector<2048x8xf32>
    %swap3A = arith.constant 0 : index
    %swap3A_10 = arith.constant 0 : index
    %swap3A_11 = vector.load %arg3[%swap3A, %swap3A_10] : memref<2048x8xf32, #tpu.memory_space<vmem>>, vector<2048x8xf32>
    tpu.vector_store %arg3[%swap3A, %swap3A_10], %add3A_9 {strides = array<i32>} : memref<2048x8xf32, #tpu.memory_space<vmem>>, vector<2048x8xf32>,
    %iota3A = tpu.iota {dimensions = array<i32: 1>} : vector<2048x8xi32>
    %reduce_max3A = arith.constant dense<0xFF800000> : vector<2048xf32>
    %reduce_max3A_12 = vector.multi_reduction <maximumf>, %add3A_9, %reduce_max3A [1] : vector<2048x8xf32> to vector<2048xf32>
    %broadcast_in_dim3A = vector.shape_cast %reduce_max3A_12 : vector<2048xf32> to vector<2048x1xf32>
    %argmax3A = tpu.reduce_index %add3A_9 {axis = 1 : i32, kind = #tpu.reduction_kind<arg_max>} : vector<2048x8xf32> -> vector<2048xi32>
    %reshape3A = vector.shape_cast %argmax3A : vector<2048xi32> to vector<2048x1xi32>
    %eq3A = vector.broadcast %reshape3A : vector<2048x1xi32> to vector<2048x8xi32>
    %eq3A_13 = arith.cmpi eq, %iota3A, %eq3A : vector<2048x8xi32>
    %jit3A = arith.constant -1.000000e+30 : f32
    %broadcast_in_dim3A_14 = vector.broadcast %jit3A : f32 to vector<2048x8xf32>
    %select_n3A = arith.select %eq3A_13, %broadcast_in_dim3A_14, %add3A_9 : vector<2048x8xi1>, vector<2048x8xf32>
    %reduce_max3A_15 = arith.constant dense<0xFF800000> : vector<2048xf32>
    %reduce_max3A_16 = vector.multi_reduction <maximumf>, %select_n3A, %reduce_max3A_15 [1] : vector<2048x8xf32> to vector<2048xf32>
    %broadcast_in_dim3A_17 = vector.shape_cast %reduce_max3A_16 : vector<2048xf32> to vector<2048x1xf32>
    %argmax3A_18 = tpu.reduce_index %select_n3A {axis = 1 : i32, kind = #tpu.reduction_kind<arg_max>} : vector<2048x8xf32> -> vector<2048xi32>
    %reshape3A_19 = vector.shape_cast %argmax3A_18 : vector<2048xi32> to vector<2048x1xi32>
    %sub3A = arith.subf %broadcast_in_dim3A_17, %broadcast_in_dim3A : vector<2048x1xf32>
    %exp3A = math.exp %sub3A : vector<2048x1xf32>
    %add3A_20 = arith.constant 1.000000e+00 : f32
    %add3A_21 = vector.broadcast %add3A_20 : f32 to vector<2048x1xf32>
    %add3A_22 = arith.addf %add3A_21, %exp3A : vector<2048x1xf32>
    %div3A = arith.constant 1.000000e+00 : f32
    %div3A_23 = vector.broadcast %div3A : f32 to vector<2048x1xf32>
    %div3A_24 = arith.divf %div3A_23, %add3A_22 : vector<2048x1xf32>
    %sub3A_25 = arith.constant 1.000000e+00 : f32
    %sub3A_26 = vector.broadcast %sub3A_25 : f32 to vector<2048x1xf32>
    %sub3A_27 = arith.subf %sub3A_26, %div3A_24 : vector<2048x1xf32>
    %iota3A_28 = tpu.iota {dimensions = array<i32: 1>} : vector<2048x2xi32>
    %eq3A_29 = arith.constant 0 : i32
    %eq3A_30 = vector.broadcast %eq3A_29 : i32 to vector<2048x2xi32>
    %eq3A_31 = arith.cmpi eq, %iota3A_28, %eq3A_30 : vector<2048x2xi32>
    %broadcast_in_dim3A_32 = vector.shape_cast %reshape3A : vector<2048x1xi32> to vector<2048x1xi32>
    %broadcast_in_dim3A_33 = vector.broadcast %broadcast_in_dim3A_32 : vector<2048x1xi32> to vector<2048x2xi32>
    %broadcast_in_dim3A_34 = vector.shape_cast %reshape3A_19 : vector<2048x1xi32> to vector<2048x1xi32>
    %broadcast_in_dim3A_35 = vector.broadcast %broadcast_in_dim3A_34 : vector<2048x1xi32> to vector<2048x2xi32>
    %select_n3A_36 = arith.select %eq3A_31, %broadcast_in_dim3A_33, %broadcast_in_dim3A_35 : vector<2048x2xi1>, vector<2048x2xi32>
    %swap3A_37 = arith.constant 0 : index
    %swap3A_38 = arith.constant 0 : index
    %swap3A_39 = vector.load %arg4[%swap3A_37, %swap3A_38] : memref<2048x2xi32, #tpu.memory_space<vmem>>, vector<2048x2xi32>
    tpu.vector_store %arg4[%swap3A_37, %swap3A_38], %select_n3A_36 {strides = array<i32>} : memref<2048x2xi32, #tpu.memory_space<vmem>>, vector<2048x2xi32>,
    %iota3A_40 = tpu.iota {dimensions = array<i32: 1>} : vector<2048x32xi32>
    %lt3A = arith.constant 16 : i32
    %lt3A_41 = vector.broadcast %lt3A : i32 to vector<2048x32xi32>
    %lt3A_42 = arith.cmpi slt, %iota3A_40, %lt3A_41 : vector<2048x32xi32>
    %broadcast_in_dim3A_43 = vector.shape_cast %div3A_24 : vector<2048x1xf32> to vector<2048x1xf32>
    %broadcast_in_dim3A_44 = vector.broadcast %broadcast_in_dim3A_43 : vector<2048x1xf32> to vector<2048x32xf32>
    %broadcast_in_dim3A_45 = vector.shape_cast %sub3A_27 : vector<2048x1xf32> to vector<2048x1xf32>
    %broadcast_in_dim3A_46 = vector.broadcast %broadcast_in_dim3A_45 : vector<2048x1xf32> to vector<2048x32xf32>
    %select_n3A_47 = arith.select %lt3A_42, %broadcast_in_dim3A_44, %broadcast_in_dim3A_46 : vector<2048x32xi1>, vector<2048x32xf32>
    %swap3A_48 = arith.constant 0 : index
    %swap3A_49 = arith.constant 0 : index
    %swap3A_50 = vector.load %arg7[%swap3A_48, %swap3A_49] : memref<2048x32xf32, #tpu.memory_space<vmem>>, vector<2048x32xf32>
    tpu.vector_store %arg7[%swap3A_48, %swap3A_49], %select_n3A_47 {strides = array<i32>} : memref<2048x32xf32, #tpu.memory_space<vmem>>, vector<2048x32xf32>,
    %eq3A_51 = vector.broadcast %reshape3A : vector<2048x1xi32> to vector<2048x8xi32>
    %eq3A_52 = arith.cmpi eq, %iota3A, %eq3A_51 : vector<2048x8xi32>
    %convert_element_type3A = arith.extui %eq3A_52 : vector<2048x8xi1> to vector<2048x8xi32>
    %convert_element_type3A_53 = arith.sitofp %convert_element_type3A : vector<2048x8xi32> to vector<2048x8xf32>
    %eq3A_54 = vector.broadcast %reshape3A_19 : vector<2048x1xi32> to vector<2048x8xi32>
    %eq3A_55 = arith.cmpi eq, %iota3A, %eq3A_54 : vector<2048x8xi32>
    %convert_element_type3A_56 = arith.extui %eq3A_55 : vector<2048x8xi1> to vector<2048x8xi32>
    %convert_element_type3A_57 = arith.sitofp %convert_element_type3A_56 : vector<2048x8xi32> to vector<2048x8xf32>
    %add3A_58 = arith.addf %convert_element_type3A_53, %convert_element_type3A_57 : vector<2048x8xf32>
    %broadcast_in_dim3A_59 = arith.constant 0.000000e+00 : f32
    %broadcast_in_dim3A_60 = vector.broadcast %broadcast_in_dim3A_59 : f32 to vector<1x8xf32>
    %slice3A = vector.extract_strided_slice %add3A_58 {offsets = [0, 0], sizes = [2047, 8], strides = [1, 1]} : vector<2048x8xf32> to vector<2047x8xf32>
    %concatenate3A = tpu.concatenate %broadcast_in_dim3A_60, %slice3A in 0 : vector<1x8xf32>, vector<2047x8xf32> -> vector<2048x8xf32>
    %add3A_61 = arith.addf %add3A_58, %concatenate3A : vector<2048x8xf32>
    %broadcast_in_dim3A_62 = arith.constant 0.000000e+00 : f32
    %broadcast_in_dim3A_63 = vector.broadcast %broadcast_in_dim3A_62 : f32 to vector<2x8xf32>
    %slice3A_64 = vector.extract_strided_slice %add3A_61 {offsets = [0, 0], sizes = [2046, 8], strides = [1, 1]} : vector<2048x8xf32> to vector<2046x8xf32>
    %concatenate3A_65 = tpu.concatenate %broadcast_in_dim3A_63, %slice3A_64 in 0 : vector<2x8xf32>, vector<2046x8xf32> -> vector<2048x8xf32>
    %add3A_66 = arith.addf %add3A_61, %concatenate3A_65 : vector<2048x8xf32>
    %broadcast_in_dim3A_67 = arith.constant 0.000000e+00 : f32
    %broadcast_in_dim3A_68 = vector.broadcast %broadcast_in_dim3A_67 : f32 to vector<4x8xf32>
    %slice3A_69 = vector.extract_strided_slice %add3A_66 {offsets = [0, 0], sizes = [2044, 8], strides = [1, 1]} : vector<2048x8xf32> to vector<2044x8xf32>
    %concatenate3A_70 = tpu.concatenate %broadcast_in_dim3A_68, %slice3A_69 in 0 : vector<4x8xf32>, vector<2044x8xf32> -> vector<2048x8xf32>
    %add3A_71 = arith.addf %add3A_66, %concatenate3A_70 : vector<2048x8xf32>
    %broadcast_in_dim3A_72 = arith.constant 0.000000e+00 : f32
    %broadcast_in_dim3A_73 = vector.broadcast %broadcast_in_dim3A_72 : f32 to vector<8x8xf32>
    %slice3A_74 = vector.extract_strided_slice %add3A_71 {offsets = [0, 0], sizes = [2040, 8], strides = [1, 1]} : vector<2048x8xf32> to vector<2040x8xf32>
    %concatenate3A_75 = tpu.concatenate %broadcast_in_dim3A_73, %slice3A_74 in 0 : vector<8x8xf32>, vector<2040x8xf32> -> vector<2048x8xf32>
    %add3A_76 = arith.addf %add3A_71, %concatenate3A_75 : vector<2048x8xf32>
    %broadcast_in_dim3A_77 = arith.constant 0.000000e+00 : f32
    %broadcast_in_dim3A_78 = vector.broadcast %broadcast_in_dim3A_77 : f32 to vector<16x8xf32>
    %slice3A_79 = vector.extract_strided_slice %add3A_76 {offsets = [0, 0], sizes = [2032, 8], strides = [1, 1]} : vector<2048x8xf32> to vector<2032x8xf32>
    %concatenate3A_80 = tpu.concatenate %broadcast_in_dim3A_78, %slice3A_79 in 0 : vector<16x8xf32>, vector<2032x8xf32> -> vector<2048x8xf32>
    %add3A_81 = arith.addf %add3A_76, %concatenate3A_80 : vector<2048x8xf32>
    %broadcast_in_dim3A_82 = arith.constant 0.000000e+00 : f32
    %broadcast_in_dim3A_83 = vector.broadcast %broadcast_in_dim3A_82 : f32 to vector<32x8xf32>
    %slice3A_84 = vector.extract_strided_slice %add3A_81 {offsets = [0, 0], sizes = [2016, 8], strides = [1, 1]} : vector<2048x8xf32> to vector<2016x8xf32>
    %concatenate3A_85 = tpu.concatenate %broadcast_in_dim3A_83, %slice3A_84 in 0 : vector<32x8xf32>, vector<2016x8xf32> -> vector<2048x8xf32>
    %add3A_86 = arith.addf %add3A_81, %concatenate3A_85 : vector<2048x8xf32>
    %broadcast_in_dim3A_87 = arith.constant 0.000000e+00 : f32
    %broadcast_in_dim3A_88 = vector.broadcast %broadcast_in_dim3A_87 : f32 to vector<64x8xf32>
    %slice3A_89 = vector.extract_strided_slice %add3A_86 {offsets = [0, 0], sizes = [1984, 8], strides = [1, 1]} : vector<2048x8xf32> to vector<1984x8xf32>
    %concatenate3A_90 = tpu.concatenate %broadcast_in_dim3A_88, %slice3A_89 in 0 : vector<64x8xf32>, vector<1984x8xf32> -> vector<2048x8xf32>
    %add3A_91 = arith.addf %add3A_86, %concatenate3A_90 : vector<2048x8xf32>
    %broadcast_in_dim3A_92 = arith.constant 0.000000e+00 : f32
    %broadcast_in_dim3A_93 = vector.broadcast %broadcast_in_dim3A_92 : f32 to vector<128x8xf32>
    %slice3A_94 = vector.extract_strided_slice %add3A_91 {offsets = [0, 0], sizes = [1920, 8], strides = [1, 1]} : vector<2048x8xf32> to vector<1920x8xf32>
    %concatenate3A_95 = tpu.concatenate %broadcast_in_dim3A_93, %slice3A_94 in 0 : vector<128x8xf32>, vector<1920x8xf32> -> vector<2048x8xf32>
    %add3A_96 = arith.addf %add3A_91, %concatenate3A_95 : vector<2048x8xf32>
    %broadcast_in_dim3A_97 = arith.constant 0.000000e+00 : f32
    %broadcast_in_dim3A_98 = vector.broadcast %broadcast_in_dim3A_97 : f32 to vector<256x8xf32>
    %slice3A_99 = vector.extract_strided_slice %add3A_96 {offsets = [0, 0], sizes = [1792, 8], strides = [1, 1]} : vector<2048x8xf32> to vector<1792x8xf32>
    %concatenate3A_100 = tpu.concatenate %broadcast_in_dim3A_98, %slice3A_99 in 0 : vector<256x8xf32>, vector<1792x8xf32> -> vector<2048x8xf32>
    %add3A_101 = arith.addf %add3A_96, %concatenate3A_100 : vector<2048x8xf32>
    %broadcast_in_dim3A_102 = arith.constant 0.000000e+00 : f32
    %broadcast_in_dim3A_103 = vector.broadcast %broadcast_in_dim3A_102 : f32 to vector<512x8xf32>
    %slice3A_104 = vector.extract_strided_slice %add3A_101 {offsets = [0, 0], sizes = [1536, 8], strides = [1, 1]} : vector<2048x8xf32> to vector<1536x8xf32>
    %concatenate3A_105 = tpu.concatenate %broadcast_in_dim3A_103, %slice3A_104 in 0 : vector<512x8xf32>, vector<1536x8xf32> -> vector<2048x8xf32>
    %add3A_106 = arith.addf %add3A_101, %concatenate3A_105 : vector<2048x8xf32>
    %broadcast_in_dim3A_107 = arith.constant 0.000000e+00 : f32
    %broadcast_in_dim3A_108 = vector.broadcast %broadcast_in_dim3A_107 : f32 to vector<1024x8xf32>
    %slice3A_109 = vector.extract_strided_slice %add3A_106 {offsets = [0, 0], sizes = [1024, 8], strides = [1, 1]} : vector<2048x8xf32> to vector<1024x8xf32>
    %concatenate3A_110 = tpu.concatenate %broadcast_in_dim3A_108, %slice3A_109 in 0 : vector<1024x8xf32>, vector<1024x8xf32> -> vector<2048x8xf32>
    %add3A_111 = arith.addf %add3A_106, %concatenate3A_110 : vector<2048x8xf32>
    %sub3A_112 = arith.subf %add3A_111, %add3A_58 : vector<2048x8xf32>
    %reduce_sum3A = arith.constant dense<0.000000e+00> : vector<8xf32>
    %reduce_sum3A_113 = vector.multi_reduction <add>, %add3A_58, %reduce_sum3A [0] : vector<2048x8xf32> to vector<8xf32>
    %broadcast_in_dim3A_114 = vector.shape_cast %reduce_sum3A_113 : vector<8xf32> to vector<1x8xf32>
    %add3A_115 = arith.constant 2.550000e+02 : f32
    %add3A_116 = vector.broadcast %add3A_115 : f32 to vector<1x8xf32>
    %add3A_117 = arith.addf %broadcast_in_dim3A_114, %add3A_116 : vector<1x8xf32>
    %div3A_118 = arith.constant 2.560000e+02 : f32
    %div3A_119 = vector.broadcast %div3A_118 : f32 to vector<1x8xf32>
    %div3A_120 = arith.divf %add3A_117, %div3A_119 : vector<1x8xf32>
    %floor3A = math.floor %div3A_120 : vector<1x8xf32>
    %mul3A = arith.constant 2.560000e+02 : f32
    %mul3A_121 = vector.broadcast %mul3A : f32 to vector<1x8xf32>
    %mul3A_122 = arith.mulf %floor3A, %mul3A_121 : vector<1x8xf32>
    %iota3A_123 = tpu.iota {dimensions = array<i32: 0>} : vector<8x8xi32>
    %iota3A_124 = tpu.iota {dimensions = array<i32: 1>} : vector<8x8xi32>
    %lt3A_125 = arith.cmpi slt, %iota3A_123, %iota3A_124 : vector<8x8xi32>
    %convert_element_type3A_126 = arith.extui %lt3A_125 : vector<8x8xi1> to vector<8x8xi32>
    %convert_element_type3A_127 = arith.sitofp %convert_element_type3A_126 : vector<8x8xi32> to vector<8x8xf32>
    %dot_general3A_128 = arith.constant dense<0.000000e+00> : vector<1x8xf32>
    %dot_general3A_129 = tpu.matmul %mul3A_122, %convert_element_type3A_127, %dot_general3A_128 {dimension_numbers = #tpu.dot_dimension_numbers<[1], [0], [0], [1], [0, 0, 1, 1], [], []>, transpose_lhs_hint = false} : vector<1x8xf32>, vector<8x8xf32>, vector<1x8xf32> -> vector<1x8xf32>
    %add3A_130 = arith.addf %dot_general3A_129, %mul3A_122 : vector<1x8xf32>
    %reduce_sum3A_131 = arith.constant dense<0.000000e+00> : vector<1xf32>
    %reduce_sum3A_132 = vector.multi_reduction <add>, %mul3A_122, %reduce_sum3A_131 [1] : vector<1x8xf32> to vector<1xf32>
    %broadcast_in_dim3A_133 = vector.shape_cast %reduce_sum3A_132 : vector<1xf32> to vector<1x1xf32>
    %mul3A_134 = arith.mulf %convert_element_type3A_53, %sub3A_112 : vector<2048x8xf32>
    %reduce_sum3A_135 = arith.constant dense<0.000000e+00> : vector<2048xf32>
    %reduce_sum3A_136 = vector.multi_reduction <add>, %mul3A_134, %reduce_sum3A_135 [1] : vector<2048x8xf32> to vector<2048xf32>
    %broadcast_in_dim3A_137 = vector.shape_cast %reduce_sum3A_136 : vector<2048xf32> to vector<2048x1xf32>
    %add3A_138 = arith.addf %sub3A_112, %convert_element_type3A_53 : vector<2048x8xf32>
    %mul3A_139 = arith.mulf %convert_element_type3A_57, %add3A_138 : vector<2048x8xf32>
    %reduce_sum3A_140 = arith.constant dense<0.000000e+00> : vector<2048xf32>
    %reduce_sum3A_141 = vector.multi_reduction <add>, %mul3A_139, %reduce_sum3A_140 [1] : vector<2048x8xf32> to vector<2048xf32>
    %broadcast_in_dim3A_142 = vector.shape_cast %reduce_sum3A_141 : vector<2048xf32> to vector<2048x1xf32>
    %mul3A_143 = vector.broadcast %dot_general3A_129 : vector<1x8xf32> to vector<2048x8xf32>
    %mul3A_144 = arith.mulf %convert_element_type3A_53, %mul3A_143 : vector<2048x8xf32>
    %reduce_sum3A_145 = arith.constant dense<0.000000e+00> : vector<2048xf32>
    %reduce_sum3A_146 = vector.multi_reduction <add>, %mul3A_144, %reduce_sum3A_145 [1] : vector<2048x8xf32> to vector<2048xf32>
    %broadcast_in_dim3A_147 = vector.shape_cast %reduce_sum3A_146 : vector<2048xf32> to vector<2048x1xf32>
    %mul3A_148 = vector.broadcast %dot_general3A_129 : vector<1x8xf32> to vector<2048x8xf32>
    %mul3A_149 = arith.mulf %convert_element_type3A_57, %mul3A_148 : vector<2048x8xf32>
    %reduce_sum3A_150 = arith.constant dense<0.000000e+00> : vector<2048xf32>
    %reduce_sum3A_151 = vector.multi_reduction <add>, %mul3A_149, %reduce_sum3A_150 [1] : vector<2048x8xf32> to vector<2048xf32>
    %broadcast_in_dim3A_152 = vector.shape_cast %reduce_sum3A_151 : vector<2048xf32> to vector<2048x1xf32>
    %add3A_153 = arith.addf %broadcast_in_dim3A_147, %broadcast_in_dim3A_137 : vector<2048x1xf32>
    %add3A_154 = arith.addf %broadcast_in_dim3A_152, %broadcast_in_dim3A_142 : vector<2048x1xf32>
    %iota3A_155 = tpu.iota {dimensions = array<i32: 1>} : vector<2048x2xi32>
    %eq3A_156 = arith.constant 0 : i32
    %eq3A_157 = vector.broadcast %eq3A_156 : i32 to vector<2048x2xi32>
    %eq3A_158 = arith.cmpi eq, %iota3A_155, %eq3A_157 : vector<2048x2xi32>
    %broadcast_in_dim3A_159 = vector.shape_cast %add3A_153 : vector<2048x1xf32> to vector<2048x1xf32>
    %broadcast_in_dim3A_160 = vector.broadcast %broadcast_in_dim3A_159 : vector<2048x1xf32> to vector<2048x2xf32>
    %broadcast_in_dim3A_161 = vector.shape_cast %add3A_154 : vector<2048x1xf32> to vector<2048x1xf32>
    %broadcast_in_dim3A_162 = vector.broadcast %broadcast_in_dim3A_161 : vector<2048x1xf32> to vector<2048x2xf32>
    %select_n3A_163 = arith.select %eq3A_158, %broadcast_in_dim3A_160, %broadcast_in_dim3A_162 : vector<2048x2xi1>, vector<2048x2xf32>
    %convert_element_type3A_164 = arith.fptosi %select_n3A_163 : vector<2048x2xf32> to vector<2048x2xi32>
    %swap3A_165 = arith.constant 0 : index
    %swap3A_166 = arith.constant 0 : index
    %swap3A_167 = vector.load %arg5[%swap3A_165, %swap3A_166] : memref<2048x2xi32, #tpu.memory_space<vmem>>, vector<2048x2xi32>
    tpu.vector_store %arg5[%swap3A_165, %swap3A_166], %convert_element_type3A_164 {strides = array<i32>} : memref<2048x2xi32, #tpu.memory_space<vmem>>, vector<2048x2xi32>,
    %iota3A_168 = tpu.iota {dimensions = array<i32: 0>} : vector<128x8xi32>
    %mul3A_169 = arith.constant 256 : i32
    %mul3A_170 = vector.broadcast %mul3A_169 : i32 to vector<128x8xi32>
    %mul3A_171 = arith.muli %iota3A_168, %mul3A_170 : vector<128x8xi32>
    %convert_element_type3A_172 = arith.fptosi %add3A_130 : vector<1x8xf32> to vector<1x8xi32>
    %broadcast_in_dim3A_173 = vector.shape_cast %convert_element_type3A_172 : vector<1x8xi32> to vector<1x8xi32>
    %broadcast_in_dim3A_174 = vector.broadcast %broadcast_in_dim3A_173 : vector<1x8xi32> to vector<128x8xi32>
    %le3A = arith.cmpi sle, %broadcast_in_dim3A_174, %mul3A_171 : vector<128x8xi32>
    %convert_element_type3A_175 = arith.extui %le3A : vector<128x8xi1> to vector<128x8xi32>
    %reduce_sum3A_176 = arith.constant dense<0> : vector<128xi32>
    %reduce_sum3A_177 = vector.multi_reduction <add>, %convert_element_type3A_175, %reduce_sum3A_176 [1] : vector<128x8xi32> to vector<128xi32>
    %broadcast_in_dim3A_178 = vector.shape_cast %reduce_sum3A_177 : vector<128xi32> to vector<128x1xi32>
    %min3A = arith.constant 7 : i32
    %min3A_179 = vector.broadcast %min3A : i32 to vector<128x1xi32>
    %min3A_180 = arith.minsi %broadcast_in_dim3A_178, %min3A_179 : vector<128x1xi32>
    %slice3A_181 = vector.extract_strided_slice %mul3A_171 {offsets = [0, 0], sizes = [128, 1], strides = [1, 1]} : vector<128x8xi32> to vector<128x1xi32>
    %convert_element_type3A_182 = arith.fptosi %broadcast_in_dim3A_133 : vector<1x1xf32> to vector<1x1xi32>
    %lt3A_183 = vector.broadcast %convert_element_type3A_182 : vector<1x1xi32> to vector<128x1xi32>
    %lt3A_184 = arith.cmpi slt, %slice3A_181, %lt3A_183 : vector<128x1xi32>
    %convert_element_type3A_185 = arith.extui %lt3A_184 : vector<128x1xi1> to vector<128x1xi32>
    %and3A = arith.constant 1 : i32
    %and3A_186 = vector.broadcast %and3A : i32 to vector<128x1xi32>
    %and3A_187 = arith.andi %min3A_180, %and3A_186 : vector<128x1xi32>
    %add3A_188 = arith.addi %min3A_180, %and3A_187 : vector<128x1xi32>
    %min3A_189 = arith.constant 6 : i32
    %min3A_190 = vector.broadcast %min3A_189 : i32 to vector<128x1xi32>
    %min3A_191 = arith.minsi %add3A_188, %min3A_190 : vector<128x1xi32>
    %add3A_192 = arith.constant 1 : i32
    %add3A_193 = vector.broadcast %add3A_192 : i32 to vector<128x1xi32>
    %add3A_194 = arith.addi %min3A_180, %add3A_193 : vector<128x1xi32>
    %sub3A_195 = arith.subi %add3A_194, %and3A_187 : vector<128x1xi32>
    %min3A_196 = arith.constant 7 : i32
    %min3A_197 = vector.broadcast %min3A_196 : i32 to vector<128x1xi32>
    %min3A_198 = arith.minsi %sub3A_195, %min3A_197 : vector<128x1xi32>
    %iota3A_199 = tpu.iota {dimensions = array<i32: 1>} : vector<128x8xi32>
    %eq3A_200 = arith.constant 0 : i32
    %eq3A_201 = vector.broadcast %eq3A_200 : i32 to vector<128x8xi32>
    %eq3A_202 = arith.cmpi eq, %iota3A_199, %eq3A_201 : vector<128x8xi32>
    %eq3A_203 = arith.constant 1 : i32
    %eq3A_204 = vector.broadcast %eq3A_203 : i32 to vector<128x8xi32>
    %eq3A_205 = arith.cmpi eq, %iota3A_199, %eq3A_204 : vector<128x8xi32>
    %eq3A_206 = arith.constant 2 : i32
    %eq3A_207 = vector.broadcast %eq3A_206 : i32 to vector<128x8xi32>
    %eq3A_208 = arith.cmpi eq, %iota3A_199, %eq3A_207 : vector<128x8xi32>
    %broadcast_in_dim3A_209 = vector.shape_cast %min3A_191 : vector<128x1xi32> to vector<128x1xi32>
    %broadcast_in_dim3A_210 = vector.broadcast %broadcast_in_dim3A_209 : vector<128x1xi32> to vector<128x8xi32>
    %broadcast_in_dim3A_211 = vector.shape_cast %min3A_198 : vector<128x1xi32> to vector<128x1xi32>
    %broadcast_in_dim3A_212 = vector.broadcast %broadcast_in_dim3A_211 : vector<128x1xi32> to vector<128x8xi32>
    %select_n3A_213 = arith.select %eq3A_208, %broadcast_in_dim3A_210, %broadcast_in_dim3A_212 : vector<128x8xi1>, vector<128x8xi32>
    %broadcast_in_dim3A_214 = vector.shape_cast %convert_element_type3A_185 : vector<128x1xi32> to vector<128x1xi32>
    %broadcast_in_dim3A_215 = vector.broadcast %broadcast_in_dim3A_214 : vector<128x1xi32> to vector<128x8xi32>
    %select_n3A_216 = arith.select %eq3A_205, %broadcast_in_dim3A_215, %select_n3A_213 : vector<128x8xi1>, vector<128x8xi32>
    %broadcast_in_dim3A_217 = vector.shape_cast %min3A_180 : vector<128x1xi32> to vector<128x1xi32>
    %broadcast_in_dim3A_218 = vector.broadcast %broadcast_in_dim3A_217 : vector<128x1xi32> to vector<128x8xi32>
    %select_n3A_219 = arith.select %eq3A_202, %broadcast_in_dim3A_218, %select_n3A_216 : vector<128x8xi1>, vector<128x8xi32>
    %swap3A_220 = arith.constant 0 : index
    %swap3A_221 = arith.constant 0 : index
    %swap3A_222 = vector.load %arg6[%swap3A_220, %swap3A_221] : memref<128x8xi32, #tpu.memory_space<vmem>>, vector<128x8xi32>
    tpu.vector_store %arg6[%swap3A_220, %swap3A_221], %select_n3A_219 {strides = array<i32>} : memref<128x8xi32, #tpu.memory_space<vmem>>, vector<128x8xi32>,
    return
  }
}

</mosaic_0001>

<sc_bundles>
// kernel: kernel.6.cloned.1.call-start
scs
__scs_entry_jumppad:
0x0: {  	(pc) =	sbr.rel $0x88, $3  }
0x1: {  	(tag) =	ssettag $0x0;
	lr =	simm.s32 $0x1  }
0x2: {  	[smem:$0x3F9A] =	sst lr;
	_ =	strace $0xD0000000  }
0x3: {  	_ = 	snop  }
0x4: {  	_ = 	snop  }
0x5: {  	_ = 	snop  }
0x6: {  	_ = 	snop  }
0x7: {  	_ = 	snop  }
__scs_overlays_trampoline_lowered:
0x8: {  	[smem:$0x3FA9] =	sst s0  }
0x9: {  	[smem:$0x3FAA] =	sst s1  }
0xa: {  	[smem:$0x3FAB] =	sst s2  }
0xb: {  	[smem:$0x3FAC] =	sst s3  }
0xc: {  	[smem:$0x3FAD] =	sst s4  }
0xd: {  	[smem:$0x3FAE] =	sst s5  }
0xe: {  	[smem:$0x3FAF] =	sst s6  }
0xf: {  	[smem:$0x3FB0] =	sst s7  }
0x10: {  	[smem:$0x3FB1] =	sst s8  }
0x11: {  	[smem:$0x3FB2] =	sst s9;
	s0 =	simm.s32 @!p0 $0x0  }
0x12: {  	s1 =	sld [smem:$0x3F98];
	s0 =	simm.s32 @p0 $0x1  }
0x13: {  	[smem:$0x3FB3] =	sst s0;
	s0 =	simm.s32 @!p1 $0x0  }
0x14: {  	s2 =	sld [smem:$0x3F97];
	s0 =	simm.s32 @p1 $0x1  }
0x15: {  	[smem:$0x3FB4] =	sst s0;
	s0 =	simm.s32 @!p2 $0x0  }
0x16: {  	s3 =	sld [smem:$0x3FDB];
	s0 =	simm.s32 @p2 $0x1  }
0x17: {  	s4 =	simm.s32 $0x1BF5;
	[smem:$0x3FB6] =	sst s0  }
0x18: {  	s0 =	sld [smem:$0x3F99];
	_ =	swait.ge [sflag:s4], $0x0  }
0x19: {  	s7 =	sld [smem:$0x3F9A]  }
0x1a: {  	s8 =	sadd.s32 $0xFFFFE003, lr  }
0x1b: {  	s9 =	sadd.s32 $0xFFFFFEF7, lr;
	s5 =	simm.s32 $0xFFFFFFFF;
	p2 =	slt.u32 s8, $0xFFFFF086  }
0x1c: {  	p1 =	slt.u32 s9, $0xF7A;
	s5 =	simm.s32 @!p2 $0x0  }
0x1d: {  	s5 =	simm.s32 @p1 $0x1;
	p0 =	seq.s32 s7, s2  }
0x1e: {  	s7 =	smul.u32 @!p0 $0xF7A, s2;
	p2 =	seq.s32 @!p0 s5, $0x0  }
0x1f: {  	s9 =	smul.u32 $0xF7A, s1;
	s8 =	simm.s32 @!p0 $0x1BF5;
	p2 =	por !p2, p0  }
0x20: {  	[sflag:s8] =	ssyncset.s32 @!p0 $0xFFFFF086;
	s6 =	sadd.s32 @!p0 s3, s7;
	s7 =	simm.s32 @!p0 $0x108  }
0x21: {  	s3 =	sadd.s32 s3, s9;
	s6 =	sadd.s32 @!p0 $0x88, s6;
	s7 =	simm.s32 @p2 $0x1082  }
0x22: {  	[simem:s7], [sflag:s8] =	dma.local @!p0 [hbm:s6], $0xF7A  }
0x23: {  	s9 =	sor.u32 $0xD0000000, s2;
	s6 =	simm.s32 $0x108;
	_ =	swait.ge @!p0 [sflag:s8], $0x0  }
0x24: {  	s3 =	sadd.s32 $0x88, s3;
	s6 =	simm.s32 @!p1 $0x1082;
	[sflag:s4] =	ssyncset.s32 $0xFFFFF086  }
0x25: {  	[simem:s6], [sflag:s4] =	dma.local [hbm:s3], $0xF7A  }
0x26: {  	[smem:$0x3F9A] =	sst s1;
	(tag) =	ssettag s2;
	_ =	strace s9  }
0x27: {  	s1 =	sld [smem:$0x3FAA]  }
0x28: {  	s2 =	sld [smem:$0x3FAB]  }
0x29: {  	s4 =	sld [smem:$0x3FAD]  }
0x2a: {  	p0 =	seq.s32 s5, $0x0;
	s5 =	sld [smem:$0x3FAE]  }
0x2b: {  	s6 =	sld [smem:$0x3FAF]  }
0x2c: {  	s7 =	sld [smem:$0x3FB0]  }
0x2d: {  	s3 =	simm.s32 $0x108;
	s8 =	sld [smem:$0x3FB1]  }
0x2e: {  	s3 =	simm.s32 @!p0 $0x1082;
	s9 =	sld [smem:$0x3FB2]  }
0x2f: {  	lr =	sadd.s32 s0, s3;
	s0 =	sld [smem:$0x3FA9]  }
0x30: {  	s3 =	sld [smem:$0x3FAC]  }
0x31: {  	[smem:$0x3FB5] =	sst s10  }
0x32: {  	s10 =	sld [smem:$0x3FB3];
	_ =	sdelay $0x3  }
0x33: {  	p0 =	seq.s32 s10, $0x1;
	s10 =	sld [smem:$0x3FB5];
	_ =	sdelay $0x3  }
0x34: {  	[smem:$0x3FB5] =	sst s10  }
0x35: {  	s10 =	sld [smem:$0x3FB4];
	_ =	sdelay $0x3  }
0x36: {  	p1 =	seq.s32 s10, $0x1;
	s10 =	sld [smem:$0x3FB5];
	_ =	sdelay $0x3  }
0x37: {  	[smem:$0x3FB5] =	sst s10  }
0x38: {  	s10 =	sld [smem:$0x3FB6]  }
0x39: {  	_ = 	snop;
	(pc) =	sbr.ind lr, $3  }
0x3a: {  	_ = 	snop  }
0x3b: {  	_ = 	snop  }
0x3c: {  	p2 =	seq.s32 s10, $0x1;
	s10 =	sld [smem:$0x3FB5]  }
0x3d: {  	_ =	shalt  }
0x3e: {  	_ =	shalt  }
0x3f: {  	_ =	shalt  }
0x40: {  	_ =	shalt  }
0x41: {  	_ =	shalt  }
0x42: {  	_ =	shalt  }
0x43: {  	_ =	shalt  }
0x44: {  	_ =	shalt  }
0x45: {  	_ =	shalt  }
0x46: {  	_ =	shalt  }
0x47: {  	_ =	shalt  }
0x48: {  	_ =	shalt  }
0x49: {  	_ =	shalt  }
0x4a: {  	_ =	shalt  }
0x4b: {  	_ =	shalt  }
0x4c: {  	_ =	shalt  }
0x4d: {  	_ =	shalt  }
0x4e: {  	_ =	shalt  }
0x4f: {  	_ =	shalt  }
0x50: {  	_ =	shalt  }
0x51: {  	_ =	shalt  }
0x52: {  	_ =	shalt  }
0x53: {  	_ =	shalt  }
0x54: {  	_ =	shalt  }
0x55: {  	_ =	shalt  }
0x56: {  	_ =	shalt  }
0x57: {  	_ =	shalt  }
0x58: {  	_ =	shalt  }
0x59: {  	_ =	shalt  }
0x5a: {  	_ =	shalt  }
0x5b: {  	_ =	shalt  }
0x5c: {  	_ =	shalt  }
0x5d: {  	_ =	shalt  }
0x5e: {  	_ =	shalt  }
0x5f: {  	_ =	shalt  }
0x60: {  	_ =	shalt  }
0x61: {  	_ =	shalt  }
0x62: {  	_ =	shalt  }
0x63: {  	_ =	shalt  }
0x64: {  	_ =	shalt  }
0x65: {  	_ =	shalt  }
0x66: {  	_ =	shalt  }
0x67: {  	_ =	shalt  }
0x68: {  	_ =	shalt  }
0x69: {  	_ =	shalt  }
0x6a: {  	_ =	shalt  }
0x6b: {  	_ =	shalt  }
0x6c: {  	_ =	shalt  }
0x6d: {  	_ =	shalt  }
0x6e: {  	_ =	shalt  }
0x6f: {  	_ =	shalt  }
0x70: {  	_ =	shalt  }
0x71: {  	_ =	shalt  }
0x72: {  	_ =	shalt  }
0x73: {  	_ =	shalt  }
0x74: {  	_ =	shalt  }
0x75: {  	_ =	shalt  }
0x76: {  	_ =	shalt  }
0x77: {  	_ =	shalt  }
0x78: {  	_ =	shalt  }
0x79: {  	_ =	shalt  }
0x7a: {  	_ =	shalt  }
0x7b: {  	_ =	shalt  }
0x7c: {  	_ =	shalt  }
0x7d: {  	_ =	shalt  }
0x7e: {  	_ =	shalt  }
0x7f: {  	_ =	shalt  }
0x80: {  	_ =	shalt  }
0x81: {  	_ =	shalt  }
0x82: {  	_ =	shalt  }
0x83: {  	_ =	shalt  }
0x84: {  	_ =	shalt  }
0x85: {  	_ =	shalt  }
0x86: {  	_ =	shalt  }
0x87: {  	_ =	shalt  }
.Lfunc_end0:
.L_simem_size_0:
called_computation_lowered:
.L_overlay_start_0:
0x88: {  	s2 =	sld [smem:$0x3FD9]  }
0x89: {  	s3 =	sld [smem:$0x3FFE];
	_ =	sdelay $0x1  }
0x8a: {  	s1 =	srdreg.scid  }
0x8b: {  	s0 =	sand.u32 $0x1, s1  }
0x8c: {  	s17 =	sshll.u32 s0, $0xA;
	s2 =	sadd.s32 s3, s2  }
0x8d: {  	s2 =	sadd.s32 s2, s17  }
0x8e: {  	[smem:$0x3FC1] =	sst s2  }
0x8f: {  	_ = 	snop  }
0x90: {  	s2 =	sld [smem:$0x3FC9];
	(tm) =	ssettm $0x1  }
0x91: {  	s18 =	sld [smem:$0x3FFB];
	_ =	sdelay $0x3  }
0x92: {  	_ =	strace s18  }
0x93: {  	s3 =	sld [smem:$0x3FFC];
	_ =	sdelay $0x3  }
0x94: {  	_ =	strace s3  }
0x95: {  	s3 =	sld [smem:$0x3FFD];
	_ =	sdelay $0x3  }
0x96: {  	_ =	strace s3  }
0x97: {  	_ =	strace $0x8FFFFFFF  }
0x98: {  	s19 =	sld [smem:$0x3FDB];
	_ =	sdelay $0x1  }
0x99: {  	s4 =	simm.s32 $_scs_section_size  }
0x9a: {  	s5 =	simm.s32 $_size__tile_overlayer_lowered;
	s6 =	simm.s32 $_tile_overlayer_lowered  }
0x9b: {  	s22 =	simm.s32 $0x1BFF;
	s21 =	sshll.u32 s6, $0x1;
	s3 =	sadd.s32 s4, s19  }
0x9c: {  	s7 =	simm.s32 $0x0;
	s20 =	sshll.u32 s5, $0x1;
	s5 =	sadd.s32 s21, s3  }
0x9d: {  	[timem:s7], [sflag:s22] =	dma.local [hbm:s5], s20  }
0x9e: {  	_ =	swait.ge [sflag:s22], s20  }
0x9f: {  	s4 =	ssub.s32 $0x0, s20;
	[sflag:s22] =	ssyncset.done $0x0  }
0xa0: {  	[sflag:s22] =	ssyncadd.s32 s4;
	_ =	sdelay $0x1  }
0xa1: {  	s23 =	simm.s32 $0x1B8B  }
0xa2: {  	_ =	swait.ge [sflag:s23], $0x1  }
0xa3: {  	[sflag:s23] =	ssyncset.done $0x0  }
0xa4: {  	s25 =	simm.s32 $0x1B8E;
	s24 =	sld [smem:$0x3FFE];
	[sflag:s23] =	ssyncadd.s32 $0xFFFFFFFF  }
0xa5: {  	s26 =	simm.s32 $execute0_lowered;
	[smem:$0x3FD2] =	sst s25  }
0xa6: {  	s5 =	sshll.u32 s26, $0x1;
	_ =	strace $0x80000046;
	[dreg:$0x1] =	wrdreg $0xFFFFFFFF  }
0xa7: {  	s28 =	simm.s32 $_size_execute0_lowered;
	s3 =	sadd.s32 s3, s5;
	[dreg:$0x0] =	wrdreg $0x0  }
0xa8: {  	s5 =	sshll.u32 s28, $0x1;
	[dreg:$0x2] =	wrdreg s3  }
0xa9: {  	[dreg:$0x3] =	wrdreg s5  }
0xaa: {  	[dreg:$0x4] =	wrdreg $0xC0  }
0xab: {  	_ =	task [dreg:s7], $0x5FFFF  }
0xac: {  	[dreg:$0x1] =	wrdreg $0xFFFFFFFF  }
0xad: {  	[dreg:$0x0] =	wrdreg $0x60  }
0xae: {  	[dreg:$0x2] =	wrdreg s2  }
0xaf: {  	[dreg:$0x3] =	wrdreg s24  }
0xb0: {  	[dreg:$0x4] =	wrdreg $0x9  }
0xb1: {  	_ =	task.clear_ibuf [dreg:s7], $0x5FFFF;
	_ =	strace $0x90000046  }
0xb2: {  	s29 =	simm.s32 $0x9;
	_ =	strace $0x80000048  }
0xb3: {  	_ =	swait.ge [sflag:s29], $0x1  }
0xb4: {  	[sflag:s29] =	ssyncadd.s32 $0xFFFFFFFF  }
0xb5: {  	_ =	strace $0x90000048  }
0xb6: {  	_ =	sfence  }
0xb7: {  	s30 =	sld [smem:$0x0];
	_ =	sdelay $0x2  }
0xb8: {  	s31 =	sshll.u32 s1, $0xD;
	s1 =	sshrl.u32 s1, $0x2  }
0xb9: {  	s3 =	sand.u32 $0x4000, s31;
	s1 =	sadd.s32 s1, s30  }
0xba: {  	s0 =	sor.u32 s3, s0;
	s1 =	sshll.u32 s1, $0x11  }
0xbb: {  	s0 =	sor.u32 s1, s0  }
0xbc: {  	s0 =	sadd.s32 $0x8F2B, s0  }
0xbd: {  	[sflag:s0] =	ssyncadd.remote.s32 $0x1  }
0xbe: {  	_ =	sfence.sel $0xFFFF  }
0xbf: {  	[dreg:$0x0] =	wrdreg $0xFFFFFFFF;
	(pc) =	sbr.abs _section_cstart, $3  }
0xc0: {  	[dreg:$0x1] =	wrdreg $0xFFFFFFFF  }
0xc1: {  	_ =	task.clear_ibuf [dreg:s7], $0x2FFFF;
	_ =	strace $0x9FFFFFFF  }
0xc2: {  	(tm) =	ssettm $0x7FFFFFFF  }
0xc3: {  	_ =	shalt  }
tec
execute0_lowered:
.L_overlay_start_1:
0x0: {  	(tag) =	ssettag $0x1  }
0x1: {  	s0 =	rddreg [dreg:$0x0]  }
0x2: {  	s1 =	rddreg [dreg:$0x1];
	s3 =	srdreg.scid  }
0x3: {  	s2 =	simm.s32 $0x0;
	s5 =	stileid.u32;
	s26 =	simm.s32 $0x80  }
0x4: {  	s12 =	simm.s32 $0x1900;
	s13 =	simm.s32 $0x2100;
	s14 =	simm.s32 $0x2900  }
0x5: {  	s15 =	simm.s32 $0x3100;
	s16 =	simm.s32 $0x3900;
	s17 =	simm.s32 $0x4100  }
0x6: {  	s18 =	simm.s32 $0x4900;
	s28 =	simm.s32 $0x9100;
	s29 =	simm.s32 $0x9900  }
0x7: {  	s30 =	simm.s32 $0xA100;
	s31 =	simm.s32 $0xA900;
	s4 =	sand.u32 $0x1, s3  }
0x8: {  	[smem:$0x7FF] =	sst s2;
	s19 =	sshll.u32 s5, $0x7;
	s6 =	sadd.s32 $0x9600, s1  }
0x9: {  	s20 =	sshll.u32 s4, $0x6;
	_ =	strace $0x80000047;
	s4 =	ssub.s32 $0x2, s4  }
0xa: {  	[dreg:$0x6] =	wrdreg s26;
	s26 =	simm.s32 $0x8900;
	s3 =	sor.u32 s20, s19  }
0xb: {  	s23 =	sshrl.u32 s4, $0x1;
	s19 =	simm.s32 $0x5100;
	s7 =	sshrl.u32 s3, $0x3  }
0xc: {  	s8 =	sshll.u32 s3, $0x1;
	s3 =	sadd.s32 $0x9800, s1;
	s25 =	ssub.s32 s4, s23  }
0xd: {  	s4 =	sadd.s32 $0x9900, s1;
	s23 =	simm.s32 $0x7100;
	s7 =	smul.u32 $0x300, s7  }
0xe: {  	s9 =	sand.u32 $0xF00, s8;
	s5 =	sor.u32 s20, s8;
	s8 =	simm.s32 $0x2  }
0xf: {  	s9 =	sor.u32 s20, s9;
	s5 =	sshrl.u32 s5, $0x3;
	s20 =	simm.s32 $0x5900  }
0x10: {  	s0 =	sadd.s32 s0, s7;
	s21 =	sshrl.u32 s9, $0x3;
	s5 =	sor.u32 $0x10, s5  }
0x11: {  	s7 =	simm.s32 $0x100;
	s9 =	simm.s32 $0x1;
	[dreg:$0x3] =	wrdreg s0  }
0x12: {  	s22 =	sadd.s32 s6, s21;
	s24 =	sadd.s32 s6, s5;
	s5 =	sadd.s32 $0x9A00, s1  }
0x13: {  	v2 =	vlaneseq.u32;
	s6 =	smax.u32 s25, $0x1;
	s21 =	simm.s32 $0x6100;
	s25 =	simm.s32 $0x8100  }
0x14: {  	vm0 =	vmmov $0xffff;
	v1 =	vshrl.u32 v2, $0x3;
	s0 =	simm.s32 $0xB100;
	s1 =	simm.s32 $0xB900;
	[dreg:$0x4] =	wrdreg s22  }
0x15: {  	v0 =	vand.u32 $0x7, v2;
	v2 =	vor.u32 $0x8, v2;
	v1 =	vmul.u32 $0x8, v1;
	[dreg:$0x5] =	wrdreg s24;
	s22 =	simm.s32 $0x6900;
	s24 =	simm.s32 $0x7900  }
.LBB2_1:
0x16: {  	s10 =	rddreg [dreg:$0x3]  }
0x17: {  	[tilespmem:s7], [sflag:$0x1] =	stream.linear.gather [hbm4b:s10+s2], $0xC000, $0x38;
	[tilespmem:$0xC100] =	vst v63  }
0x18: {  	s11 =	rddreg [dreg:$0x4]  }
0x19: {  	[tilespmem:s2], [sflag:$0x2] =	stream.linear.gather [hbm4b:s11+s2], $0x40, $0x38;
	[tilespmem:$0xC100] =	vst v63  }
0x1a: {  	_ =	swait.ge [sflag:s8], $0x40  }
0x1b: {  	s10 =	rddreg [dreg:$0x5];
	[sflag:s8] =	ssyncset.done $0x0  }
0x1c: {  	s11 =	rddreg [dreg:$0x6];
	[sflag:s8] =	ssyncadd.s32 $0xFFFFFFC0  }
0x1d: {  	[tilespmem:s11], [sflag:$0x2] =	stream.linear.gather [hbm4b:s10+s2], $0x40, $0x38;
	[tilespmem:$0xC100] =	vst v63  }
0x1e: {  	_ =	swait.ge [sflag:s8], $0x40  }
0x1f: {  	[sflag:s8] =	ssyncset.done $0x0  }
0x20: {  	[sflag:s8] =	ssyncadd.s32 $0xFFFFFFC0  }
0x21: {  	_ =	swait.ge [sflag:s9], $0xC000  }
0x22: {  	[sflag:s9] =	ssyncset.done $0x0  }
0x23: {  	[sflag:s9] =	ssyncadd.s32 $0xFFFF4000  }
0x24: {  	v3 =	vld [tilespmem:$0x0];
	_ =	sdelay $0x4  }
0x25: {  	v4 =	vshrl.u32 v3, $0x3  }
0x26: {  	v4 =	vmul.u32 $0x30, v4  }
0x27: {  	v3 =	vand.u32 $0x7, v3  }
0x28: {  	v3 =	vor.u32 v3, v4  }
0x29: {  	v4 =	vperm.xlane v3, v0;
	_ =	sdelay $0x1  }
0x2a: {  	v4 =	vadd.s32 v1, v4;
	_ =	sdelay $0x3  }
0x2b: {  	v3 =	vperm.xlane v3, v2  }
0x2c: {  	[hbm4b:s3+s2] =	stream.indirect_vreg.scatter [tilespmem:s7], [sflag:$0x1], $0x80, v4, vm0, $0xb8;
	[tilespmem:$0xC100] =	vst v63  }
0x2d: {  	s10 =	simm.s32 $0x900;
	v3 =	vadd.s32 v1, v3  }
0x2e: {  	[hbm4b:s4+s2] =	stream.indirect_vreg.scatter [tilespmem:s10], [sflag:$0x1], $0x80, v4, vm0, $0xb8;
	[tilespmem:$0xC100] =	vst v63  }
0x2f: {  	s11 =	simm.s32 $0x1100  }
0x30: {  	[hbm4b:s5+s2] =	stream.indirect_vreg.scatter [tilespmem:s11], [sflag:$0x1], $0x80, v4, vm0, $0xb8;
	[tilespmem:$0xC100] =	vst v63  }
0x31: {  	_ = 	snop  }
0x32: {  	[hbm4b:s3+s2] =	stream.indirect_vreg.scatter [tilespmem:s12], [sflag:$0x1], $0x80, v3, vm0, $0xb8;
	[tilespmem:$0xC100] =	vst v63  }
0x33: {  	_ = 	snop  }
0x34: {  	[hbm4b:s4+s2] =	stream.indirect_vreg.scatter [tilespmem:s13], [sflag:$0x1], $0x80, v3, vm0, $0xb8;
	[tilespmem:$0xC100] =	vst v63  }
0x35: {  	_ = 	snop  }
0x36: {  	[hbm4b:s5+s2] =	stream.indirect_vreg.scatter [tilespmem:s14], [sflag:$0x1], $0x80, v3, vm0, $0xb8;
	[tilespmem:$0xC100] =	vst v63  }
0x37: {  	v3 =	vld [tilespmem:$0x10];
	_ =	sdelay $0x4  }
0x38: {  	v57 =	vshrl.u32 v3, $0x3  }
0x39: {  	v4 =	vmul.u32 $0x30, v57  }
0x3a: {  	v3 =	vand.u32 $0x7, v3  }
0x3b: {  	v3 =	vor.u32 v3, v4  }
0x3c: {  	v4 =	vperm.xlane v3, v0;
	_ =	sdelay $0x1  }
0x3d: {  	v4 =	vadd.s32 v1, v4;
	_ =	sdelay $0x3  }
0x3e: {  	v3 =	vperm.xlane v3, v2  }
0x3f: {  	[hbm4b:s3+s2] =	stream.indirect_vreg.scatter [tilespmem:s15], [sflag:$0x1], $0x80, v4, vm0, $0xb8;
	[tilespmem:$0xC100] =	vst v63  }
0x40: {  	v3 =	vadd.s32 v1, v3  }
0x41: {  	[hbm4b:s4+s2] =	stream.indirect_vreg.scatter [tilespmem:s16], [sflag:$0x1], $0x80, v4, vm0, $0xb8;
	[tilespmem:$0xC100] =	vst v63  }
0x42: {  	_ = 	snop  }
0x43: {  	[hbm4b:s5+s2] =	stream.indirect_vreg.scatter [tilespmem:s17], [sflag:$0x1], $0x80, v4, vm0, $0xb8;
	[tilespmem:$0xC100] =	vst v63  }
0x44: {  	_ = 	snop  }
0x45: {  	[hbm4b:s3+s2] =	stream.indirect_vreg.scatter [tilespmem:s18], [sflag:$0x1], $0x80, v3, vm0, $0xb8;
	[tilespmem:$0xC100] =	vst v63  }
0x46: {  	_ = 	snop  }
0x47: {  	[hbm4b:s4+s2] =	stream.indirect_vreg.scatter [tilespmem:s19], [sflag:$0x1], $0x80, v3, vm0, $0xb8;
	[tilespmem:$0xC100] =	vst v63  }
0x48: {  	_ = 	snop  }
0x49: {  	[hbm4b:s5+s2] =	stream.indirect_vreg.scatter [tilespmem:s20], [sflag:$0x1], $0x80, v3, vm0, $0xb8;
	[tilespmem:$0xC100] =	vst v63  }
0x4a: {  	v3 =	vld [tilespmem:$0x20];
	_ =	sdelay $0x4  }
0x4b: {  	v58 =	vshrl.u32 v3, $0x3  }
0x4c: {  	v4 =	vmul.u32 $0x30, v58  }
0x4d: {  	v3 =	vand.u32 $0x7, v3  }
0x4e: {  	v3 =	vor.u32 v3, v4  }
0x4f: {  	v4 =	vperm.xlane v3, v0;
	_ =	sdelay $0x1  }
0x50: {  	v4 =	vadd.s32 v1, v4;
	_ =	sdelay $0x3  }
0x51: {  	v3 =	vperm.xlane v3, v2  }
0x52: {  	[hbm4b:s3+s2] =	stream.indirect_vreg.scatter [tilespmem:s21], [sflag:$0x1], $0x80, v4, vm0, $0xb8;
	[tilespmem:$0xC100] =	vst v63  }
0x53: {  	v3 =	vadd.s32 v1, v3  }
0x54: {  	[hbm4b:s4+s2] =	stream.indirect_vreg.scatter [tilespmem:s22], [sflag:$0x1], $0x80, v4, vm0, $0xb8;
	[tilespmem:$0xC100] =	vst v63  }
0x55: {  	_ = 	snop  }
0x56: {  	[hbm4b:s5+s2] =	stream.indirect_vreg.scatter [tilespmem:s23], [sflag:$0x1], $0x80, v4, vm0, $0xb8;
	[tilespmem:$0xC100] =	vst v63  }
0x57: {  	_ = 	snop  }
0x58: {  	[hbm4b:s3+s2] =	stream.indirect_vreg.scatter [tilespmem:s24], [sflag:$0x1], $0x80, v3, vm0, $0xb8;
	[tilespmem:$0xC100] =	vst v63  }
0x59: {  	_ = 	snop  }
0x5a: {  	[hbm4b:s4+s2] =	stream.indirect_vreg.scatter [tilespmem:s25], [sflag:$0x1], $0x80, v3, vm0, $0xb8;
	[tilespmem:$0xC100] =	vst v63  }
0x5b: {  	_ = 	snop  }
0x5c: {  	[hbm4b:s5+s2] =	stream.indirect_vreg.scatter [tilespmem:s26], [sflag:$0x1], $0x80, v3, vm0, $0xb8;
	[tilespmem:$0xC100] =	vst v63  }
0x5d: {  	v3 =	vld [tilespmem:$0x30];
	_ =	sdelay $0x4  }
0x5e: {  	v59 =	vshrl.u32 v3, $0x3  }
0x5f: {  	v4 =	vmul.u32 $0x30, v59  }
0x60: {  	v3 =	vand.u32 $0x7, v3  }
0x61: {  	v3 =	vor.u32 v3, v4  }
0x62: {  	v4 =	vperm.xlane v3, v0;
	_ =	sdelay $0x1  }
0x63: {  	v4 =	vadd.s32 v1, v4;
	_ =	sdelay $0x3  }
0x64: {  	v3 =	vperm.xlane v3, v2  }
0x65: {  	[hbm4b:s3+s2] =	stream.indirect_vreg.scatter [tilespmem:s28], [sflag:$0x1], $0x80, v4, vm0, $0xb8;
	[tilespmem:$0xC100] =	vst v63  }
0x66: {  	v3 =	vadd.s32 v1, v3  }
0x67: {  	[hbm4b:s4+s2] =	stream.indirect_vreg.scatter [tilespmem:s29], [sflag:$0x1], $0x80, v4, vm0, $0xb8;
	[tilespmem:$0xC100] =	vst v63  }
0x68: {  	_ = 	snop  }
0x69: {  	[hbm4b:s5+s2] =	stream.indirect_vreg.scatter [tilespmem:s30], [sflag:$0x1], $0x80, v4, vm0, $0xb8;
	[tilespmem:$0xC100] =	vst v63  }
0x6a: {  	_ = 	snop  }
0x6b: {  	[hbm4b:s3+s2] =	stream.indirect_vreg.scatter [tilespmem:s31], [sflag:$0x1], $0x80, v3, vm0, $0xb8;
	[tilespmem:$0xC100] =	vst v63  }
0x6c: {  	_ = 	snop  }
0x6d: {  	[hbm4b:s4+s2] =	stream.indirect_vreg.scatter [tilespmem:s0], [sflag:$0x1], $0x80, v3, vm0, $0xb8;
	[tilespmem:$0xC100] =	vst v63  }
0x6e: {  	_ = 	snop  }
0x6f: {  	[hbm4b:s5+s2] =	stream.indirect_vreg.scatter [tilespmem:s1], [sflag:$0x1], $0x80, v3, vm0, $0xb8;
	[tilespmem:$0xC100] =	vst v63  }
0x70: {  	v3 =	vld [tilespmem:$0x80];
	_ =	sdelay $0x4  }
0x71: {  	v60 =	vshrl.u32 v3, $0x3  }
0x72: {  	v4 =	vmul.u32 $0x30, v60  }
0x73: {  	v3 =	vand.u32 $0x7, v3  }
0x74: {  	v3 =	vor.u32 v3, v4  }
0x75: {  	v4 =	vperm.xlane v3, v0;
	_ =	sdelay $0x1  }
0x76: {  	v4 =	vadd.s32 v1, v4;
	_ =	sdelay $0x3  }
0x77: {  	v3 =	vperm.xlane v3, v2  }
0x78: {  	[hbm4b:s3+s2] =	stream.indirect_vreg.scatter [tilespmem:s7], [sflag:$0x1], $0x80, v4, vm0, $0xb8;
	[tilespmem:$0xC100] =	vst v63  }
0x79: {  	v3 =	vadd.s32 v1, v3  }
0x7a: {  	[hbm4b:s4+s2] =	stream.indirect_vreg.scatter [tilespmem:s10], [sflag:$0x1], $0x80, v4, vm0, $0xb8;
	[tilespmem:$0xC100] =	vst v63  }
0x7b: {  	_ = 	snop  }
0x7c: {  	[hbm4b:s5+s2] =	stream.indirect_vreg.scatter [tilespmem:s11], [sflag:$0x1], $0x80, v4, vm0, $0xb8;
	[tilespmem:$0xC100] =	vst v63  }
0x7d: {  	_ = 	snop  }
0x7e: {  	[hbm4b:s3+s2] =	stream.indirect_vreg.scatter [tilespmem:s12], [sflag:$0x1], $0x80, v3, vm0, $0xb8;
	[tilespmem:$0xC100] =	vst v63  }
0x7f: {  	_ = 	snop  }
0x80: {  	[hbm4b:s4+s2] =	stream.indirect_vreg.scatter [tilespmem:s13], [sflag:$0x1], $0x80, v3, vm0, $0xb8;
	[tilespmem:$0xC100] =	vst v63  }
0x81: {  	_ = 	snop  }
0x82: {  	[hbm4b:s5+s2] =	stream.indirect_vreg.scatter [tilespmem:s14], [sflag:$0x1], $0x80, v3, vm0, $0xb8;
	[tilespmem:$0xC100] =	vst v63  }
0x83: {  	v3 =	vld [tilespmem:$0x90];
	_ =	sdelay $0x4  }
0x84: {  	v61 =	vshrl.u32 v3, $0x3  }
0x85: {  	v4 =	vmul.u32 $0x30, v61  }
0x86: {  	v3 =	vand.u32 $0x7, v3  }
0x87: {  	v3 =	vor.u32 v3, v4  }
0x88: {  	v4 =	vperm.xlane v3, v0;
	_ =	sdelay $0x1  }
0x89: {  	v4 =	vadd.s32 v1, v4;
	_ =	sdelay $0x3  }
0x8a: {  	v3 =	vperm.xlane v3, v2  }
0x8b: {  	[hbm4b:s3+s2] =	stream.indirect_vreg.scatter [tilespmem:s15], [sflag:$0x1], $0x80, v4, vm0, $0xb8;
	[tilespmem:$0xC100] =	vst v63  }
0x8c: {  	v3 =	vadd.s32 v1, v3  }
0x8d: {  	[hbm4b:s4+s2] =	stream.indirect_vreg.scatter [tilespmem:s16], [sflag:$0x1], $0x80, v4, vm0, $0xb8;
	[tilespmem:$0xC100] =	vst v63  }
0x8e: {  	_ = 	snop  }
0x8f: {  	[hbm4b:s5+s2] =	stream.indirect_vreg.scatter [tilespmem:s17], [sflag:$0x1], $0x80, v4, vm0, $0xb8;
	[tilespmem:$0xC100] =	vst v63  }
0x90: {  	_ = 	snop  }
0x91: {  	[hbm4b:s3+s2] =	stream.indirect_vreg.scatter [tilespmem:s18], [sflag:$0x1], $0x80, v3, vm0, $0xb8;
	[tilespmem:$0xC100] =	vst v63  }
0x92: {  	_ = 	snop  }
0x93: {  	[hbm4b:s4+s2] =	stream.indirect_vreg.scatter [tilespmem:s19], [sflag:$0x1], $0x80, v3, vm0, $0xb8;
	[tilespmem:$0xC100] =	vst v63  }
0x94: {  	_ = 	snop  }
0x95: {  	[hbm4b:s5+s2] =	stream.indirect_vreg.scatter [tilespmem:s20], [sflag:$0x1], $0x80, v3, vm0, $0xb8;
	[tilespmem:$0xC100] =	vst v63  }
0x96: {  	v3 =	vld [tilespmem:$0xA0];
	_ =	sdelay $0x4  }
0x97: {  	v62 =	vshrl.u32 v3, $0x3  }
0x98: {  	v4 =	vmul.u32 $0x30, v62  }
0x99: {  	v3 =	vand.u32 $0x7, v3  }
0x9a: {  	v3 =	vor.u32 v3, v4  }
0x9b: {  	v4 =	vperm.xlane v3, v0;
	_ =	sdelay $0x1  }
0x9c: {  	v4 =	vadd.s32 v1, v4;
	_ =	sdelay $0x3  }
0x9d: {  	v3 =	vperm.xlane v3, v2  }
0x9e: {  	[hbm4b:s3+s2] =	stream.indirect_vreg.scatter [tilespmem:s21], [sflag:$0x1], $0x80, v4, vm0, $0xb8;
	[tilespmem:$0xC100] =	vst v63  }
0x9f: {  	v3 =	vadd.s32 v1, v3  }
0xa0: {  	[hbm4b:s4+s2] =	stream.indirect_vreg.scatter [tilespmem:s22], [sflag:$0x1], $0x80, v4, vm0, $0xb8;
	[tilespmem:$0xC100] =	vst v63  }
0xa1: {  	_ = 	snop  }
0xa2: {  	[hbm4b:s5+s2] =	stream.indirect_vreg.scatter [tilespmem:s23], [sflag:$0x1], $0x80, v4, vm0, $0xb8;
	[tilespmem:$0xC100] =	vst v63  }
0xa3: {  	_ = 	snop  }
0xa4: {  	[hbm4b:s3+s2] =	stream.indirect_vreg.scatter [tilespmem:s24], [sflag:$0x1], $0x80, v3, vm0, $0xb8;
	[tilespmem:$0xC100] =	vst v63  }
0xa5: {  	_ = 	snop  }
0xa6: {  	[hbm4b:s4+s2] =	stream.indirect_vreg.scatter [tilespmem:s25], [sflag:$0x1], $0x80, v3, vm0, $0xb8;
	[tilespmem:$0xC100] =	vst v63  }
0xa7: {  	_ = 	snop  }
0xa8: {  	[hbm4b:s5+s2] =	stream.indirect_vreg.scatter [tilespmem:s26], [sflag:$0x1], $0x80, v3, vm0, $0xb8;
	[tilespmem:$0xC100] =	vst v63  }
0xa9: {  	v3 =	vld [tilespmem:$0xB0];
	_ =	sdelay $0x4  }
0xaa: {  	v63 =	vshrl.u32 v3, $0x3  }
0xab: {  	v4 =	vmul.u32 $0x30, v63  }
0xac: {  	v3 =	vand.u32 $0x7, v3  }
0xad: {  	v3 =	vor.u32 v3, v4  }
0xae: {  	v4 =	vperm.xlane v3, v0;
	_ =	sdelay $0x1  }
0xaf: {  	v4 =	vadd.s32 v1, v4;
	_ =	sdelay $0x3  }
0xb0: {  	v3 =	vperm.xlane v3, v2  }
0xb1: {  	[hbm4b:s3+s2] =	stream.indirect_vreg.scatter [tilespmem:s28], [sflag:$0x1], $0x80, v4, vm0, $0xb8;
	[tilespmem:$0xC100] =	vst v63  }
0xb2: {  	v3 =	vadd.s32 v1, v3  }
0xb3: {  	[hbm4b:s4+s2] =	stream.indirect_vreg.scatter [tilespmem:s29], [sflag:$0x1], $0x80, v4, vm0, $0xb8;
	[tilespmem:$0xC100] =	vst v63  }
0xb4: {  	_ = 	snop  }
0xb5: {  	[hbm4b:s5+s2] =	stream.indirect_vreg.scatter [tilespmem:s30], [sflag:$0x1], $0x80, v4, vm0, $0xb8;
	[tilespmem:$0xC100] =	vst v63  }
0xb6: {  	_ = 	snop  }
0xb7: {  	[hbm4b:s3+s2] =	stream.indirect_vreg.scatter [tilespmem:s31], [sflag:$0x1], $0x80, v3, vm0, $0xb8;
	[tilespmem:$0xC100] =	vst v63  }
0xb8: {  	_ = 	snop  }
0xb9: {  	[hbm4b:s4+s2] =	stream.indirect_vreg.scatter [tilespmem:s0], [sflag:$0x1], $0x80, v3, vm0, $0xb8;
	[tilespmem:$0xC100] =	vst v63  }
0xba: {  	_ = 	snop  }
0xbb: {  	[hbm4b:s5+s2] =	stream.indirect_vreg.scatter [tilespmem:s1], [sflag:$0x1], $0x80, v3, vm0, $0xb8;
	[tilespmem:$0xC100] =	vst v63  }
0xbc: {  	p0 =	sne.s32 s6, $0x1;
	_ =	swait.ge [sflag:s9], $0xC000  }
.Ltmp0:
0xbd: {  	[sflag:s9] =	ssyncset.done $0x0;
	(pc) =	sbr.rel @p0 .LBB2_1-.Ltmp0, $4  }
0xbe: {  	[sflag:s9] =	ssyncadd.s32 $0xFFFF4000  }
0xbf: {  	_ =	swait.ge [sflag:s9], $0xC000  }
0xc0: {  	[sflag:s9] =	ssyncset.done $0x0  }
0xc1: {  	s6 =	sadd.s32 $0xFFFFFFFF, s6;
	[sflag:s9] =	ssyncadd.s32 $0xFFFF4000  }
0xc2: {  	_ =	sfence.sel $0x180000  }
0xc3: {  	[bflag:$0x0] =	sbarrier.arrive $0xFFFF  }
0xc4: {  	_ =	strace $0x90000047  }
0xc5: {  	s0 =	stileid.u32;
	[bflag:$0x2] =	sbarrier.arrive $0xFFFF  }
0xc6: {  	p0 =	sne.s32 s0, $0x0;
	s0 =	rddreg [dreg:$0x2]  }
0xc7: {  	s0 =	sadd.s32 @!p0 $0x100000, s0  }
0xc8: {  	[sflag:s0] =	ssyncadd.tile.s32 @!p0 $0x1;
	_ =	shalt  }
.Lfunc_end2:
_tile_overlayer_lowered:
.L_overlay_start_2:
0xc9: {  	(tag) =	ssettag $0x2  }
0xca: {  	s0 =	rddreg [dreg:$0x0];
	s2 =	stileid.u32  }
0xcb: {  	s1 =	rddreg [dreg:$0x1];
	p0 =	sne.s32 s2, $0x0  }
0xcc: {  	s3 =	rddreg [dreg:$0x2];
	[bflag:$0x3] =	sbarrier.arrive $0xFFFF;
	s2 =	simm.s32 @!p0 $0x1C02  }
0xcd: {  	[timem:s3], [sflag:s2] =	dma.local @!p0 [hbm:s0], s1  }
0xce: {  	s0 =	simm.s32 @!p0 $0x2  }
0xcf: {  	_ =	swait.ge @!p0 [sflag:s0], s1  }
0xd0: {  	s1 =	ssub.s32 @!p0 $0x0, s1;
	[sflag:s0] =	ssyncset.done @!p0 $0x0  }
0xd1: {  	[sflag:s0] =	ssyncadd.s32 @!p0 s1  }
0xd2: {  	[bflag:$0x3] =	sbarrier.arrive $0xFFFF  }
0xd3: {  	_ =	shalt  }

// kernel: kernel.9.cloned.1.call-start
scs
__scs_entry_jumppad:
0x0: {  	(pc) =	sbr.rel $0x88, $3  }
0x1: {  	(tag) =	ssettag $0x0;
	lr =	simm.s32 $0x1  }
0x2: {  	[smem:$0x3F9A] =	sst lr;
	_ =	strace $0xD0000000  }
0x3: {  	_ = 	snop  }
0x4: {  	_ = 	snop  }
0x5: {  	_ = 	snop  }
0x6: {  	_ = 	snop  }
0x7: {  	_ = 	snop  }
__scs_overlays_trampoline_lowered:
0x8: {  	[smem:$0x3FA9] =	sst s0  }
0x9: {  	[smem:$0x3FAA] =	sst s1  }
0xa: {  	[smem:$0x3FAB] =	sst s2  }
0xb: {  	[smem:$0x3FAC] =	sst s3  }
0xc: {  	[smem:$0x3FAD] =	sst s4  }
0xd: {  	[smem:$0x3FAE] =	sst s5  }
0xe: {  	[smem:$0x3FAF] =	sst s6  }
0xf: {  	[smem:$0x3FB0] =	sst s7  }
0x10: {  	[smem:$0x3FB1] =	sst s8  }
0x11: {  	[smem:$0x3FB2] =	sst s9;
	s0 =	simm.s32 @!p0 $0x0  }
0x12: {  	s1 =	sld [smem:$0x3F98];
	s0 =	simm.s32 @p0 $0x1  }
0x13: {  	[smem:$0x3FB3] =	sst s0;
	s0 =	simm.s32 @!p1 $0x0  }
0x14: {  	s2 =	sld [smem:$0x3F97];
	s0 =	simm.s32 @p1 $0x1  }
0x15: {  	[smem:$0x3FB4] =	sst s0;
	s0 =	simm.s32 @!p2 $0x0  }
0x16: {  	s3 =	sld [smem:$0x3FDB];
	s0 =	simm.s32 @p2 $0x1  }
0x17: {  	s4 =	simm.s32 $0x1BF5;
	[smem:$0x3FB6] =	sst s0  }
0x18: {  	s0 =	sld [smem:$0x3F99];
	_ =	swait.ge [sflag:s4], $0x0  }
0x19: {  	s7 =	sld [smem:$0x3F9A]  }
0x1a: {  	s8 =	sadd.s32 $0xFFFFE003, lr  }
0x1b: {  	s9 =	sadd.s32 $0xFFFFFEF7, lr;
	s5 =	simm.s32 $0xFFFFFFFF;
	p2 =	slt.u32 s8, $0xFFFFF086  }
0x1c: {  	p1 =	slt.u32 s9, $0xF7A;
	s5 =	simm.s32 @!p2 $0x0  }
0x1d: {  	s5 =	simm.s32 @p1 $0x1;
	p0 =	seq.s32 s7, s2  }
0x1e: {  	s7 =	smul.u32 @!p0 $0xF7A, s2;
	p2 =	seq.s32 @!p0 s5, $0x0  }
0x1f: {  	s9 =	smul.u32 $0xF7A, s1;
	s8 =	simm.s32 @!p0 $0x1BF5;
	p2 =	por !p2, p0  }
0x20: {  	[sflag:s8] =	ssyncset.s32 @!p0 $0xFFFFF086;
	s6 =	sadd.s32 @!p0 s3, s7;
	s7 =	simm.s32 @!p0 $0x108  }
0x21: {  	s3 =	sadd.s32 s3, s9;
	s6 =	sadd.s32 @!p0 $0x88, s6;
	s7 =	simm.s32 @p2 $0x1082  }
0x22: {  	[simem:s7], [sflag:s8] =	dma.local @!p0 [hbm:s6], $0xF7A  }
0x23: {  	s9 =	sor.u32 $0xD0000000, s2;
	s6 =	simm.s32 $0x108;
	_ =	swait.ge @!p0 [sflag:s8], $0x0  }
0x24: {  	s3 =	sadd.s32 $0x88, s3;
	s6 =	simm.s32 @!p1 $0x1082;
	[sflag:s4] =	ssyncset.s32 $0xFFFFF086  }
0x25: {  	[simem:s6], [sflag:s4] =	dma.local [hbm:s3], $0xF7A  }
0x26: {  	[smem:$0x3F9A] =	sst s1;
	(tag) =	ssettag s2;
	_ =	strace s9  }
0x27: {  	s1 =	sld [smem:$0x3FAA]  }
0x28: {  	s2 =	sld [smem:$0x3FAB]  }
0x29: {  	s4 =	sld [smem:$0x3FAD]  }
0x2a: {  	p0 =	seq.s32 s5, $0x0;
	s5 =	sld [smem:$0x3FAE]  }
0x2b: {  	s6 =	sld [smem:$0x3FAF]  }
0x2c: {  	s7 =	sld [smem:$0x3FB0]  }
0x2d: {  	s3 =	simm.s32 $0x108;
	s8 =	sld [smem:$0x3FB1]  }
0x2e: {  	s3 =	simm.s32 @!p0 $0x1082;
	s9 =	sld [smem:$0x3FB2]  }
0x2f: {  	lr =	sadd.s32 s0, s3;
	s0 =	sld [smem:$0x3FA9]  }
0x30: {  	s3 =	sld [smem:$0x3FAC]  }
0x31: {  	[smem:$0x3FB5] =	sst s10  }
0x32: {  	s10 =	sld [smem:$0x3FB3];
	_ =	sdelay $0x3  }
0x33: {  	p0 =	seq.s32 s10, $0x1;
	s10 =	sld [smem:$0x3FB5];
	_ =	sdelay $0x3  }
0x34: {  	[smem:$0x3FB5] =	sst s10  }
0x35: {  	s10 =	sld [smem:$0x3FB4];
	_ =	sdelay $0x3  }
0x36: {  	p1 =	seq.s32 s10, $0x1;
	s10 =	sld [smem:$0x3FB5];
	_ =	sdelay $0x3  }
0x37: {  	[smem:$0x3FB5] =	sst s10  }
0x38: {  	s10 =	sld [smem:$0x3FB6]  }
0x39: {  	_ = 	snop;
	(pc) =	sbr.ind lr, $3  }
0x3a: {  	_ = 	snop  }
0x3b: {  	_ = 	snop  }
0x3c: {  	p2 =	seq.s32 s10, $0x1;
	s10 =	sld [smem:$0x3FB5]  }
0x3d: {  	_ =	shalt  }
0x3e: {  	_ =	shalt  }
0x3f: {  	_ =	shalt  }
0x40: {  	_ =	shalt  }
0x41: {  	_ =	shalt  }
0x42: {  	_ =	shalt  }
0x43: {  	_ =	shalt  }
0x44: {  	_ =	shalt  }
0x45: {  	_ =	shalt  }
0x46: {  	_ =	shalt  }
0x47: {  	_ =	shalt  }
0x48: {  	_ =	shalt  }
0x49: {  	_ =	shalt  }
0x4a: {  	_ =	shalt  }
0x4b: {  	_ =	shalt  }
0x4c: {  	_ =	shalt  }
0x4d: {  	_ =	shalt  }
0x4e: {  	_ =	shalt  }
0x4f: {  	_ =	shalt  }
0x50: {  	_ =	shalt  }
0x51: {  	_ =	shalt  }
0x52: {  	_ =	shalt  }
0x53: {  	_ =	shalt  }
0x54: {  	_ =	shalt  }
0x55: {  	_ =	shalt  }
0x56: {  	_ =	shalt  }
0x57: {  	_ =	shalt  }
0x58: {  	_ =	shalt  }
0x59: {  	_ =	shalt  }
0x5a: {  	_ =	shalt  }
0x5b: {  	_ =	shalt  }
0x5c: {  	_ =	shalt  }
0x5d: {  	_ =	shalt  }
0x5e: {  	_ =	shalt  }
0x5f: {  	_ =	shalt  }
0x60: {  	_ =	shalt  }
0x61: {  	_ =	shalt  }
0x62: {  	_ =	shalt  }
0x63: {  	_ =	shalt  }
0x64: {  	_ =	shalt  }
0x65: {  	_ =	shalt  }
0x66: {  	_ =	shalt  }
0x67: {  	_ =	shalt  }
0x68: {  	_ =	shalt  }
0x69: {  	_ =	shalt  }
0x6a: {  	_ =	shalt  }
0x6b: {  	_ =	shalt  }
0x6c: {  	_ =	shalt  }
0x6d: {  	_ =	shalt  }
0x6e: {  	_ =	shalt  }
0x6f: {  	_ =	shalt  }
0x70: {  	_ =	shalt  }
0x71: {  	_ =	shalt  }
0x72: {  	_ =	shalt  }
0x73: {  	_ =	shalt  }
0x74: {  	_ =	shalt  }
0x75: {  	_ =	shalt  }
0x76: {  	_ =	shalt  }
0x77: {  	_ =	shalt  }
0x78: {  	_ =	shalt  }
0x79: {  	_ =	shalt  }
0x7a: {  	_ =	shalt  }
0x7b: {  	_ =	shalt  }
0x7c: {  	_ =	shalt  }
0x7d: {  	_ =	shalt  }
0x7e: {  	_ =	shalt  }
0x7f: {  	_ =	shalt  }
0x80: {  	_ =	shalt  }
0x81: {  	_ =	shalt  }
0x82: {  	_ =	shalt  }
0x83: {  	_ =	shalt  }
0x84: {  	_ =	shalt  }
0x85: {  	_ =	shalt  }
0x86: {  	_ =	shalt  }
0x87: {  	_ =	shalt  }
.Lfunc_end0:
.L_simem_size_0:
called_computation.1_lowered:
.L_overlay_start_0:
0x88: {  	s2 =	sld [smem:$0x3FD9]  }
0x89: {  	s3 =	sld [smem:$0x3FFE];
	_ =	sdelay $0x1  }
0x8a: {  	s1 =	srdreg.scid  }
0x8b: {  	s0 =	sand.u32 $0x1, s1  }
0x8c: {  	s14 =	sshll.u32 s0, $0xA;
	s2 =	sadd.s32 s3, s2  }
0x8d: {  	s2 =	sadd.s32 s2, s14  }
0x8e: {  	[smem:$0x3FC1] =	sst s2  }
0x8f: {  	_ = 	snop  }
0x90: {  	s2 =	sld [smem:$0x3FD0];
	_ =	sdelay $0x2  }
0x91: {  	s15 =	simm.s32 $0xA;
	s4 =	simm.s32 $0x10  }
0x92: {  	[smem:s4], [sflag:s15] =	dma.local [hbm:s2], $0x1  }
0x93: {  	_ =	swait.eq [sflag:s15], $0x1  }
0x94: {  	[sflag:s15] =	ssyncset.done $0x0  }
0x95: {  	[sflag:s15] =	ssyncadd.s32 $0xFFFFFFFF  }
0x96: {  	s16 =	sld [smem:$0x12];
	(tm) =	ssettm $0x1  }
0x97: {  	s17 =	sld [smem:$0x3FFB];
	_ =	sdelay $0x3  }
0x98: {  	_ =	strace s17  }
0x99: {  	s3 =	sld [smem:$0x3FFC];
	_ =	sdelay $0x3  }
0x9a: {  	_ =	strace s3  }
0x9b: {  	s3 =	sld [smem:$0x3FFD];
	_ =	sdelay $0x3  }
0x9c: {  	_ =	strace s3  }
0x9d: {  	_ =	strace $0x8FFFFFFF  }
0x9e: {  	s18 =	sld [smem:$0x3FDB];
	_ =	sdelay $0x1  }
0x9f: {  	s19 =	simm.s32 $_scs_section_size  }
0xa0: {  	s5 =	simm.s32 $_size__tile_overlayer_lowered;
	s6 =	simm.s32 $_tile_overlayer_lowered  }
0xa1: {  	s22 =	simm.s32 $0x1BFF;
	s21 =	sshll.u32 s6, $0x1;
	s3 =	sadd.s32 s19, s18  }
0xa2: {  	s7 =	simm.s32 $0x0;
	s20 =	sshll.u32 s5, $0x1;
	s5 =	sadd.s32 s21, s3  }
0xa3: {  	[timem:s7], [sflag:s22] =	dma.local [hbm:s5], s20  }
0xa4: {  	_ =	swait.ge [sflag:s22], s20  }
0xa5: {  	s4 =	ssub.s32 $0x0, s20;
	[sflag:s22] =	ssyncset.done $0x0  }
0xa6: {  	[sflag:s22] =	ssyncadd.s32 s4;
	_ =	sdelay $0x1  }
0xa7: {  	s23 =	simm.s32 $0x1B8B  }
0xa8: {  	_ =	swait.ge [sflag:s23], $0x1  }
0xa9: {  	[sflag:s23] =	ssyncset.done $0x0  }
0xaa: {  	s25 =	simm.s32 $0x1B8E;
	s24 =	sld [smem:$0x3FFE];
	[sflag:s23] =	ssyncadd.s32 $0xFFFFFFFF  }
0xab: {  	s26 =	simm.s32 $execute0_lowered;
	[smem:$0x3FD2] =	sst s25  }
0xac: {  	s5 =	sshll.u32 s26, $0x1;
	_ =	strace $0x80000049;
	[dreg:$0x1] =	wrdreg $0xFFFFFFFF  }
0xad: {  	s28 =	simm.s32 $_size_execute0_lowered;
	s3 =	sadd.s32 s3, s5;
	[dreg:$0x0] =	wrdreg $0x0  }
0xae: {  	s5 =	sshll.u32 s28, $0x1;
	[dreg:$0x2] =	wrdreg s3  }
0xaf: {  	[dreg:$0x3] =	wrdreg s5  }
0xb0: {  	[dreg:$0x4] =	wrdreg $0xC0  }
0xb1: {  	_ =	task [dreg:s7], $0x5FFFF  }
0xb2: {  	[dreg:$0x1] =	wrdreg $0xFFFFFFFF  }
0xb3: {  	[dreg:$0x0] =	wrdreg $0x60  }
0xb4: {  	[dreg:$0x2] =	wrdreg s24  }
0xb5: {  	[dreg:$0x3] =	wrdreg s16  }
0xb6: {  	[dreg:$0x4] =	wrdreg $0x9  }
0xb7: {  	_ =	task.clear_ibuf [dreg:s7], $0x5FFFF;
	_ =	strace $0x90000049  }
0xb8: {  	s29 =	simm.s32 $0x9;
	_ =	strace $0x8000004B  }
0xb9: {  	_ =	swait.ge [sflag:s29], $0x1  }
0xba: {  	[sflag:s29] =	ssyncadd.s32 $0xFFFFFFFF  }
0xbb: {  	_ =	strace $0x9000004B  }
0xbc: {  	_ =	sfence  }
0xbd: {  	s30 =	sld [smem:$0x0];
	_ =	sdelay $0x2  }
0xbe: {  	s31 =	sshll.u32 s1, $0xD;
	s1 =	sshrl.u32 s1, $0x2  }
0xbf: {  	s3 =	sand.u32 $0x4000, s31;
	s1 =	sadd.s32 s1, s30  }
0xc0: {  	s0 =	sor.u32 s3, s0;
	s1 =	sshll.u32 s1, $0x11  }
0xc1: {  	s0 =	sor.u32 s1, s0  }
0xc2: {  	s0 =	sadd.s32 $0x8F2B, s0  }
0xc3: {  	[sflag:s0] =	ssyncadd.remote.s32 $0x1  }
0xc4: {  	_ =	sfence.sel $0xFFFF  }
0xc5: {  	[dreg:$0x0] =	wrdreg $0xFFFFFFFF;
	(pc) =	sbr.abs _section_cstart, $3  }
0xc6: {  	[dreg:$0x1] =	wrdreg $0xFFFFFFFF  }
0xc7: {  	_ =	task.clear_ibuf [dreg:s7], $0x2FFFF;
	_ =	strace $0x9FFFFFFF  }
0xc8: {  	(tm) =	ssettm $0x7FFFFFFF  }
0xc9: {  	_ =	shalt  }
tec
execute0_lowered:
.L_overlay_start_1:
0x0: {  	(tag) =	ssettag $0x1  }
0x1: {  	s0 =	rddreg [dreg:$0x0]  }
0x2: {  	s1 =	rddreg [dreg:$0x1]  }
0x3: {  	s3 =	srdreg.scid;
	s2 =	simm.s32 $0x0;
	s5 =	stileid.u32  }
0x4: {  	s12 =	simm.s32 $0x2;
	s14 =	simm.s32 $0x2100;
	s31 =	simm.s32 $0x14100  }
0x5: {  	s13 =	simm.s32 $0x16100;
	s15 =	simm.s32 $0x16900;
	s16 =	simm.s32 $0x17100  }
0x6: {  	s17 =	simm.s32 $0x17900;
	s18 =	simm.s32 $0x18100;
	s19 =	simm.s32 $0x18900  }
0x7: {  	s20 =	simm.s32 $0x19100;
	s21 =	simm.s32 $0x19900;
	s22 =	simm.s32 $0x1  }
0x8: {  	s23 =	simm.s32 $0x0;
	s4 =	sand.u32 $0x1, s3;
	[smem:$0x7FF] =	sst s2  }
0x9: {  	s5 =	sshll.u32 s5, $0x7;
	s3 =	sadd.s32 $0x9800, s0;
	s6 =	sshll.u32 s4, $0x6  }
0xa: {  	s7 =	sadd.s32 $0x9600, s0;
	s4 =	ssub.s32 $0x2, s4;
	s5 =	sor.u32 s6, s5  }
0xb: {  	_ =	strace $0x8000004A;
	s9 =	sshrl.u32 s4, $0x1;
	s8 =	sshll.u32 s5, $0x4  }
0xc: {  	s10 =	sshll.u32 s5, $0x1;
	s11 =	ssub.s32 s4, s9;
	s5 =	sshrl.u32 s5, $0x3  }
0xd: {  	s8 =	sadd.s32 s8, s0;
	s26 =	sand.u32 $0xF00, s10;
	s28 =	sor.u32 s6, s10  }
0xe: {  	s30 =	smul.u32 $0x300, s5;
	s10 =	smax.u32 s11, $0x1;
	s11 =	simm.s32 $0x15900  }
0xf: {  	s4 =	sor.u32 s6, s26;
	s29 =	sshrl.u32 s28, $0x3;
	s8 =	sadd.s32 $0x1600, s8  }
0x10: {  	v2 =	vlaneseq.u32;
	s4 =	sshrl.u32 s4, $0x3;
	s6 =	sor.u32 $0x10, s29;
	s9 =	sadd.s32 s1, s30  }
0x11: {  	vm0 =	vmmov $0xffff;
	v1 =	vshrl.u32 v2, $0x3;
	s1 =	simm.s32 $0x15100;
	s4 =	sadd.s32 s7, s4;
	s5 =	sadd.s32 s7, s6  }
0x12: {  	v0 =	vand.u32 $0x7, v2;
	v2 =	vor.u32 $0x8, v2;
	v1 =	vmul.u32 $0x8, v1;
	s6 =	sadd.s32 $0x9900, s0;
	s7 =	sadd.s32 $0x9A00, s0;
	s0 =	simm.s32 $0x14900  }
.LBB2_1:
0x13: {  	s24 =	simm.s32 $0x2000  }
0x14: {  	[tilespmem:s24], [sflag:$0x2] =	stream.linear.gather [hbm4b:s4+s2], $0x40, $0x38;
	[tilespmem:$0x1A100] =	vst v63  }
0x15: {  	_ =	swait.ge [sflag:s12], $0x40  }
0x16: {  	[sflag:s12] =	ssyncset.done $0x0  }
0x17: {  	s29 =	simm.s32 $0x2080;
	[sflag:s12] =	ssyncadd.s32 $0xFFFFFFC0  }
0x18: {  	[tilespmem:s29], [sflag:$0x2] =	stream.linear.gather [hbm4b:s5+s2], $0x40, $0x38;
	[tilespmem:$0x1A100] =	vst v63  }
0x19: {  	_ =	swait.ge [sflag:s12], $0x40  }
0x1a: {  	[sflag:s12] =	ssyncset.done $0x0  }
0x1b: {  	[sflag:s12] =	ssyncadd.s32 $0xFFFFFFC0  }
0x1c: {  	v3 =	vld [tilespmem:$0x2000];
	_ =	sdelay $0x4  }
0x1d: {  	v4 =	vshrl.u32 v3, $0x3  }
0x1e: {  	v4 =	vmul.u32 $0x30, v4  }
0x1f: {  	v3 =	vand.u32 $0x7, v3  }
0x20: {  	v3 =	vor.u32 v3, v4  }
0x21: {  	v4 =	vperm.xlane v3, v0;
	_ =	sdelay $0x1  }
0x22: {  	v4 =	vadd.s32 v1, v4;
	_ =	sdelay $0x3  }
0x23: {  	v3 =	vperm.xlane v3, v2  }
0x24: {  	[tilespmem:s14], [sflag:$0x1] =	stream.indirect_vreg.gather [hbm4b:s3+s2], $0x80, v4, vm0, $0xb8;
	[tilespmem:$0x1A100] =	vst v63  }
0x25: {  	s30 =	simm.s32 $0x2900;
	v3 =	vadd.s32 v1, v3  }
0x26: {  	[tilespmem:s30], [sflag:$0x1] =	stream.indirect_vreg.gather [hbm4b:s6+s2], $0x80, v4, vm0, $0xb8;
	[tilespmem:$0x1A100] =	vst v63  }
0x27: {  	s25 =	simm.s32 $0x3100  }
0x28: {  	[tilespmem:s25], [sflag:$0x1] =	stream.indirect_vreg.gather [hbm4b:s7+s2], $0x80, v4, vm0, $0xb8;
	[tilespmem:$0x1A100] =	vst v63  }
0x29: {  	s26 =	simm.s32 $0x3900  }
0x2a: {  	[tilespmem:s26], [sflag:$0x1] =	stream.indirect_vreg.gather [hbm4b:s3+s2], $0x80, v3, vm0, $0xb8;
	[tilespmem:$0x1A100] =	vst v63  }
0x2b: {  	s29 =	simm.s32 $0x4100  }
0x2c: {  	[tilespmem:s29], [sflag:$0x1] =	stream.indirect_vreg.gather [hbm4b:s6+s2], $0x80, v3, vm0, $0xb8;
	[tilespmem:$0x1A100] =	vst v63  }
0x2d: {  	s30 =	simm.s32 $0x4900  }
0x2e: {  	[tilespmem:s30], [sflag:$0x1] =	stream.indirect_vreg.gather [hbm4b:s7+s2], $0x80, v3, vm0, $0xb8;
	[tilespmem:$0x1A100] =	vst v63  }
0x2f: {  	v3 =	vld [tilespmem:$0x2010];
	_ =	sdelay $0x4  }
0x30: {  	v4 =	vshrl.u32 v3, $0x3  }
0x31: {  	v4 =	vmul.u32 $0x30, v4  }
0x32: {  	v3 =	vand.u32 $0x7, v3  }
0x33: {  	v3 =	vor.u32 v3, v4  }
0x34: {  	v4 =	vperm.xlane v3, v0;
	_ =	sdelay $0x1  }
0x35: {  	v4 =	vadd.s32 v1, v4;
	_ =	sdelay $0x3  }
0x36: {  	s25 =	simm.s32 $0x5100;
	v3 =	vperm.xlane v3, v2  }
0x37: {  	[tilespmem:s25], [sflag:$0x1] =	stream.indirect_vreg.gather [hbm4b:s3+s2], $0x80, v4, vm0, $0xb8;
	[tilespmem:$0x1A100] =	vst v63  }
0x38: {  	s26 =	simm.s32 $0x5900;
	v3 =	vadd.s32 v1, v3  }
0x39: {  	[tilespmem:s26], [sflag:$0x1] =	stream.indirect_vreg.gather [hbm4b:s6+s2], $0x80, v4, vm0, $0xb8;
	[tilespmem:$0x1A100] =	vst v63  }
0x3a: {  	s29 =	simm.s32 $0x6100  }
0x3b: {  	[tilespmem:s29], [sflag:$0x1] =	stream.indirect_vreg.gather [hbm4b:s7+s2], $0x80, v4, vm0, $0xb8;
	[tilespmem:$0x1A100] =	vst v63  }
0x3c: {  	s30 =	simm.s32 $0x6900  }
0x3d: {  	[tilespmem:s30], [sflag:$0x1] =	stream.indirect_vreg.gather [hbm4b:s3+s2], $0x80, v3, vm0, $0xb8;
	[tilespmem:$0x1A100] =	vst v63  }
0x3e: {  	s25 =	simm.s32 $0x7100  }
0x3f: {  	[tilespmem:s25], [sflag:$0x1] =	stream.indirect_vreg.gather [hbm4b:s6+s2], $0x80, v3, vm0, $0xb8;
	[tilespmem:$0x1A100] =	vst v63  }
0x40: {  	s26 =	simm.s32 $0x7900  }
0x41: {  	[tilespmem:s26], [sflag:$0x1] =	stream.indirect_vreg.gather [hbm4b:s7+s2], $0x80, v3, vm0, $0xb8;
	[tilespmem:$0x1A100] =	vst v63  }
0x42: {  	v3 =	vld [tilespmem:$0x2020];
	_ =	sdelay $0x4  }
0x43: {  	v4 =	vshrl.u32 v3, $0x3  }
0x44: {  	v4 =	vmul.u32 $0x30, v4  }
0x45: {  	v3 =	vand.u32 $0x7, v3  }
0x46: {  	v3 =	vor.u32 v3, v4  }
0x47: {  	v4 =	vperm.xlane v3, v0;
	_ =	sdelay $0x1  }
0x48: {  	v4 =	vadd.s32 v1, v4;
	_ =	sdelay $0x3  }
0x49: {  	s29 =	simm.s32 $0x8100;
	v3 =	vperm.xlane v3, v2  }
0x4a: {  	[tilespmem:s29], [sflag:$0x1] =	stream.indirect_vreg.gather [hbm4b:s3+s2], $0x80, v4, vm0, $0xb8;
	[tilespmem:$0x1A100] =	vst v63  }
0x4b: {  	s30 =	simm.s32 $0x8900;
	v3 =	vadd.s32 v1, v3  }
0x4c: {  	[tilespmem:s30], [sflag:$0x1] =	stream.indirect_vreg.gather [hbm4b:s6+s2], $0x80, v4, vm0, $0xb8;
	[tilespmem:$0x1A100] =	vst v63  }
0x4d: {  	s25 =	simm.s32 $0x9100  }
0x4e: {  	[tilespmem:s25], [sflag:$0x1] =	stream.indirect_vreg.gather [hbm4b:s7+s2], $0x80, v4, vm0, $0xb8;
	[tilespmem:$0x1A100] =	vst v63  }
0x4f: {  	s26 =	simm.s32 $0x9900  }
0x50: {  	[tilespmem:s26], [sflag:$0x1] =	stream.indirect_vreg.gather [hbm4b:s3+s2], $0x80, v3, vm0, $0xb8;
	[tilespmem:$0x1A100] =	vst v63  }
0x51: {  	s29 =	simm.s32 $0xA100  }
0x52: {  	[tilespmem:s29], [sflag:$0x1] =	stream.indirect_vreg.gather [hbm4b:s6+s2], $0x80, v3, vm0, $0xb8;
	[tilespmem:$0x1A100] =	vst v63  }
0x53: {  	s30 =	simm.s32 $0xA900  }
0x54: {  	[tilespmem:s30], [sflag:$0x1] =	stream.indirect_vreg.gather [hbm4b:s7+s2], $0x80, v3, vm0, $0xb8;
	[tilespmem:$0x1A100] =	vst v63  }
0x55: {  	v3 =	vld [tilespmem:$0x2030];
	_ =	sdelay $0x4  }
0x56: {  	v4 =	vshrl.u32 v3, $0x3  }
0x57: {  	v4 =	vmul.u32 $0x30, v4  }
0x58: {  	v3 =	vand.u32 $0x7, v3  }
0x59: {  	v3 =	vor.u32 v3, v4  }
0x5a: {  	v4 =	vperm.xlane v3, v0;
	_ =	sdelay $0x1  }
0x5b: {  	v4 =	vadd.s32 v1, v4;
	_ =	sdelay $0x3  }
0x5c: {  	s25 =	simm.s32 $0xB100;
	v3 =	vperm.xlane v3, v2  }
0x5d: {  	[tilespmem:s25], [sflag:$0x1] =	stream.indirect_vreg.gather [hbm4b:s3+s2], $0x80, v4, vm0, $0xb8;
	[tilespmem:$0x1A100] =	vst v63  }
0x5e: {  	s26 =	simm.s32 $0xB900;
	v3 =	vadd.s32 v1, v3  }
0x5f: {  	[tilespmem:s26], [sflag:$0x1] =	stream.indirect_vreg.gather [hbm4b:s6+s2], $0x80, v4, vm0, $0xb8;
	[tilespmem:$0x1A100] =	vst v63  }
0x60: {  	s29 =	simm.s32 $0xC100  }
0x61: {  	[tilespmem:s29], [sflag:$0x1] =	stream.indirect_vreg.gather [hbm4b:s7+s2], $0x80, v4, vm0, $0xb8;
	[tilespmem:$0x1A100] =	vst v63  }
0x62: {  	s30 =	simm.s32 $0xC900  }
0x63: {  	[tilespmem:s30], [sflag:$0x1] =	stream.indirect_vreg.gather [hbm4b:s3+s2], $0x80, v3, vm0, $0xb8;
	[tilespmem:$0x1A100] =	vst v63  }
0x64: {  	s25 =	simm.s32 $0xD100  }
0x65: {  	[tilespmem:s25], [sflag:$0x1] =	stream.indirect_vreg.gather [hbm4b:s6+s2], $0x80, v3, vm0, $0xb8;
	[tilespmem:$0x1A100] =	vst v63  }
0x66: {  	s26 =	simm.s32 $0xD900  }
0x67: {  	[tilespmem:s26], [sflag:$0x1] =	stream.indirect_vreg.gather [hbm4b:s7+s2], $0x80, v3, vm0, $0xb8;
	[tilespmem:$0x1A100] =	vst v63  }
0x68: {  	v3 =	vld [tilespmem:$0x2080];
	_ =	sdelay $0x4  }
0x69: {  	v4 =	vshrl.u32 v3, $0x3  }
0x6a: {  	v4 =	vmul.u32 $0x30, v4  }
0x6b: {  	v3 =	vand.u32 $0x7, v3  }
0x6c: {  	v3 =	vor.u32 v3, v4  }
0x6d: {  	v4 =	vperm.xlane v3, v0;
	_ =	sdelay $0x1  }
0x6e: {  	v4 =	vadd.s32 v1, v4;
	_ =	sdelay $0x3  }
0x6f: {  	s29 =	simm.s32 $0xE100;
	v3 =	vperm.xlane v3, v2  }
0x70: {  	[tilespmem:s29], [sflag:$0x1] =	stream.indirect_vreg.gather [hbm4b:s3+s2], $0x80, v4, vm0, $0xb8;
	[tilespmem:$0x1A100] =	vst v63  }
0x71: {  	s30 =	simm.s32 $0xE900;
	v3 =	vadd.s32 v1, v3  }
0x72: {  	[tilespmem:s30], [sflag:$0x1] =	stream.indirect_vreg.gather [hbm4b:s6+s2], $0x80, v4, vm0, $0xb8;
	[tilespmem:$0x1A100] =	vst v63  }
0x73: {  	s25 =	simm.s32 $0xF100  }
0x74: {  	[tilespmem:s25], [sflag:$0x1] =	stream.indirect_vreg.gather [hbm4b:s7+s2], $0x80, v4, vm0, $0xb8;
	[tilespmem:$0x1A100] =	vst v63  }
0x75: {  	s26 =	simm.s32 $0xF900  }
0x76: {  	[tilespmem:s26], [sflag:$0x1] =	stream.indirect_vreg.gather [hbm4b:s3+s2], $0x80, v3, vm0, $0xb8;
	[tilespmem:$0x1A100] =	vst v63  }
0x77: {  	s29 =	simm.s32 $0x10100  }
0x78: {  	[tilespmem:s29], [sflag:$0x1] =	stream.indirect_vreg.gather [hbm4b:s6+s2], $0x80, v3, vm0, $0xb8;
	[tilespmem:$0x1A100] =	vst v63  }
0x79: {  	s30 =	simm.s32 $0x10900  }
0x7a: {  	[tilespmem:s30], [sflag:$0x1] =	stream.indirect_vreg.gather [hbm4b:s7+s2], $0x80, v3, vm0, $0xb8;
	[tilespmem:$0x1A100] =	vst v63  }
0x7b: {  	v3 =	vld [tilespmem:$0x2090];
	_ =	sdelay $0x4  }
0x7c: {  	v4 =	vshrl.u32 v3, $0x3  }
0x7d: {  	v4 =	vmul.u32 $0x30, v4  }
0x7e: {  	v3 =	vand.u32 $0x7, v3  }
0x7f: {  	v3 =	vor.u32 v3, v4  }
0x80: {  	v4 =	vperm.xlane v3, v0;
	_ =	sdelay $0x1  }
0x81: {  	v4 =	vadd.s32 v1, v4;
	_ =	sdelay $0x3  }
0x82: {  	s25 =	simm.s32 $0x11100;
	v3 =	vperm.xlane v3, v2  }
0x83: {  	[tilespmem:s25], [sflag:$0x1] =	stream.indirect_vreg.gather [hbm4b:s3+s2], $0x80, v4, vm0, $0xb8;
	[tilespmem:$0x1A100] =	vst v63  }
0x84: {  	s26 =	simm.s32 $0x11900;
	v3 =	vadd.s32 v1, v3  }
0x85: {  	[tilespmem:s26], [sflag:$0x1] =	stream.indirect_vreg.gather [hbm4b:s6+s2], $0x80, v4, vm0, $0xb8;
	[tilespmem:$0x1A100] =	vst v63  }
0x86: {  	s29 =	simm.s32 $0x12100  }
0x87: {  	[tilespmem:s29], [sflag:$0x1] =	stream.indirect_vreg.gather [hbm4b:s7+s2], $0x80, v4, vm0, $0xb8;
	[tilespmem:$0x1A100] =	vst v63  }
0x88: {  	s30 =	simm.s32 $0x12900  }
0x89: {  	[tilespmem:s30], [sflag:$0x1] =	stream.indirect_vreg.gather [hbm4b:s3+s2], $0x80, v3, vm0, $0xb8;
	[tilespmem:$0x1A100] =	vst v63  }
0x8a: {  	s25 =	simm.s32 $0x13100  }
0x8b: {  	[tilespmem:s25], [sflag:$0x1] =	stream.indirect_vreg.gather [hbm4b:s6+s2], $0x80, v3, vm0, $0xb8;
	[tilespmem:$0x1A100] =	vst v63  }
0x8c: {  	s26 =	simm.s32 $0x13900  }
0x8d: {  	[tilespmem:s26], [sflag:$0x1] =	stream.indirect_vreg.gather [hbm4b:s7+s2], $0x80, v3, vm0, $0xb8;
	[tilespmem:$0x1A100] =	vst v63  }
0x8e: {  	v3 =	vld [tilespmem:$0x20A0];
	_ =	sdelay $0x4  }
0x8f: {  	v4 =	vshrl.u32 v3, $0x3  }
0x90: {  	v4 =	vmul.u32 $0x30, v4  }
0x91: {  	v3 =	vand.u32 $0x7, v3  }
0x92: {  	v3 =	vor.u32 v3, v4  }
0x93: {  	v4 =	vperm.xlane v3, v0;
	_ =	sdelay $0x1  }
0x94: {  	v4 =	vadd.s32 v1, v4;
	_ =	sdelay $0x3  }
0x95: {  	v3 =	vperm.xlane v3, v2  }
0x96: {  	[tilespmem:s31], [sflag:$0x1] =	stream.indirect_vreg.gather [hbm4b:s3+s2], $0x80, v4, vm0, $0xb8;
	[tilespmem:$0x1A100] =	vst v63  }
0x97: {  	v3 =	vadd.s32 v1, v3  }
0x98: {  	[tilespmem:s0], [sflag:$0x1] =	stream.indirect_vreg.gather [hbm4b:s6+s2], $0x80, v4, vm0, $0xb8;
	[tilespmem:$0x1A100] =	vst v63  }
0x99: {  	_ = 	snop  }
0x9a: {  	[tilespmem:s1], [sflag:$0x1] =	stream.indirect_vreg.gather [hbm4b:s7+s2], $0x80, v4, vm0, $0xb8;
	[tilespmem:$0x1A100] =	vst v63  }
0x9b: {  	_ = 	snop  }
0x9c: {  	[tilespmem:s11], [sflag:$0x1] =	stream.indirect_vreg.gather [hbm4b:s3+s2], $0x80, v3, vm0, $0xb8;
	[tilespmem:$0x1A100] =	vst v63  }
0x9d: {  	_ = 	snop  }
0x9e: {  	[tilespmem:s13], [sflag:$0x1] =	stream.indirect_vreg.gather [hbm4b:s6+s2], $0x80, v3, vm0, $0xb8;
	[tilespmem:$0x1A100] =	vst v63  }
0x9f: {  	_ = 	snop  }
0xa0: {  	[tilespmem:s15], [sflag:$0x1] =	stream.indirect_vreg.gather [hbm4b:s7+s2], $0x80, v3, vm0, $0xb8;
	[tilespmem:$0x1A100] =	vst v63  }
0xa1: {  	v3 =	vld [tilespmem:$0x20B0];
	_ =	sdelay $0x4  }
0xa2: {  	v4 =	vshrl.u32 v3, $0x3  }
0xa3: {  	v4 =	vmul.u32 $0x30, v4  }
0xa4: {  	v3 =	vand.u32 $0x7, v3  }
0xa5: {  	v3 =	vor.u32 v3, v4  }
0xa6: {  	v4 =	vperm.xlane v3, v0;
	_ =	sdelay $0x1  }
0xa7: {  	v4 =	vadd.s32 v1, v4;
	_ =	sdelay $0x3  }
0xa8: {  	v3 =	vperm.xlane v3, v2  }
0xa9: {  	[tilespmem:s16], [sflag:$0x1] =	stream.indirect_vreg.gather [hbm4b:s3+s2], $0x80, v4, vm0, $0xb8;
	[tilespmem:$0x1A100] =	vst v63  }
0xaa: {  	v3 =	vadd.s32 v1, v3  }
0xab: {  	[tilespmem:s17], [sflag:$0x1] =	stream.indirect_vreg.gather [hbm4b:s6+s2], $0x80, v4, vm0, $0xb8;
	[tilespmem:$0x1A100] =	vst v63  }
0xac: {  	_ = 	snop  }
0xad: {  	[tilespmem:s18], [sflag:$0x1] =	stream.indirect_vreg.gather [hbm4b:s7+s2], $0x80, v4, vm0, $0xb8;
	[tilespmem:$0x1A100] =	vst v63  }
0xae: {  	_ = 	snop  }
0xaf: {  	[tilespmem:s19], [sflag:$0x1] =	stream.indirect_vreg.gather [hbm4b:s3+s2], $0x80, v3, vm0, $0xb8;
	[tilespmem:$0x1A100] =	vst v63  }
0xb0: {  	_ = 	snop  }
0xb1: {  	[tilespmem:s20], [sflag:$0x1] =	stream.indirect_vreg.gather [hbm4b:s6+s2], $0x80, v3, vm0, $0xb8;
	[tilespmem:$0x1A100] =	vst v63  }
0xb2: {  	_ = 	snop  }
0xb3: {  	[tilespmem:s21], [sflag:$0x1] =	stream.indirect_vreg.gather [hbm4b:s7+s2], $0x80, v3, vm0, $0xb8;
	[tilespmem:$0x1A100] =	vst v63  }
0xb4: {  	_ = 	snop  }
0xb5: {  	[tilespmem:s2], [sflag:$0x2] =	stream.linear.gather [hbm4b:s8+s2], $0x2000, $0x38;
	[tilespmem:$0x1A100] =	vst v63  }
0xb6: {  	_ =	swait.ge [sflag:s12], $0x2000  }
0xb7: {  	[sflag:s12] =	ssyncset.done $0x0  }
0xb8: {  	[sflag:s12] =	ssyncadd.s32 $0xFFFFE000  }
0xb9: {  	_ =	swait.ge [sflag:s22], $0xC000  }
0xba: {  	[sflag:s22] =	ssyncset.done $0x0  }
0xbb: {  	s29 =	simm.s32 $0x0;
	[sflag:s22] =	ssyncadd.s32 $0xFFFF4000  }
0xbc: {  	s24 =	smul.u32 $0x1800, s29;
	_ =	swait.ge [sflag:s22], $0xC000  }
0xbd: {  	s25 =	sand.u32 $0x380, s2;
	[sflag:s22] =	ssyncset.done $0x0  }
0xbe: {  	s28 =	sor.u32 s25, s24;
	[sflag:s22] =	ssyncadd.s32 $0xFFFF4000  }
0xbf: {  	v4 =	vld [tilespmem:s28+$0x2110]  }
0xc0: {  	v3 =	vld [tilespmem:s28+$0xE110]  }
0xc1: {  	v6 =	vld [tilespmem:s28+$0x2120]  }
0xc2: {  	v5 =	vld [tilespmem:s28+$0xE120]  }
0xc3: {  	v10 =	vld [tilespmem:s28+$0x2130]  }
0xc4: {  	v7 =	vld [tilespmem:s28+$0xE130]  }
0xc5: {  	v12 =	vld [tilespmem:s28+$0x2140]  }
0xc6: {  	v11 =	vld [tilespmem:s28+$0xE140]  }
0xc7: {  	v13 =	vld [tilespmem:s28+$0x2160]  }
0xc8: {  	v14 =	vld [tilespmem:s28+$0x2170]  }
0xc9: {  	v15 =	vld [tilespmem:s28+$0x2500]  }
0xca: {  	v16 =	vld [tilespmem:s28+$0x2510]  }
0xcb: {  	v17 =	vld [tilespmem:s28+$0x2520]  }
0xcc: {  	v18 =	vld [tilespmem:s28+$0x2530]  }
0xcd: {  	v19 =	vld [tilespmem:s28+$0x2540]  }
0xce: {  	v20 =	vld [tilespmem:s28+$0x2550]  }
0xcf: {  	v21 =	vld [tilespmem:s28+$0x2560]  }
0xd0: {  	v22 =	vld [tilespmem:s28+$0x2570]  }
0xd1: {  	v23 =	vld [tilespmem:s28+$0x2900]  }
0xd2: {  	v24 =	vld [tilespmem:s28+$0x2910]  }
0xd3: {  	v25 =	vld [tilespmem:s28+$0x2920]  }
0xd4: {  	v26 =	vld [tilespmem:s28+$0x2930]  }
0xd5: {  	v27 =	vld [tilespmem:s28+$0x2940]  }
0xd6: {  	v28 =	vld [tilespmem:s28+$0x2950]  }
0xd7: {  	v29 =	vld [tilespmem:s28+$0x2960]  }
0xd8: {  	v30 =	vld [tilespmem:s28+$0x2970]  }
0xd9: {  	v31 =	vld [tilespmem:s28+$0x2D00]  }
0xda: {  	v32 =	vld [tilespmem:s28+$0x2D10]  }
0xdb: {  	v33 =	vld [tilespmem:s28+$0x2D20]  }
0xdc: {  	v34 =	vld [tilespmem:s28+$0x2D30]  }
0xdd: {  	v35 =	vld [tilespmem:s28+$0x2D40]  }
0xde: {  	v36 =	vld [tilespmem:s28+$0x2D50]  }
0xdf: {  	v37 =	vld [tilespmem:s28+$0x2D60]  }
0xe0: {  	v38 =	vld [tilespmem:s28+$0x2D70]  }
0xe1: {  	v39 =	vld [tilespmem:s28+$0x3100]  }
0xe2: {  	v40 =	vld [tilespmem:s28+$0x3110]  }
0xe3: {  	v41 =	vld [tilespmem:s28+$0x3120]  }
0xe4: {  	v42 =	vld [tilespmem:s28+$0x3130]  }
0xe5: {  	v43 =	vld [tilespmem:s28+$0x3140]  }
0xe6: {  	v44 =	vld [tilespmem:s28+$0x3150]  }
0xe7: {  	v45 =	vld [tilespmem:s28+$0x3160]  }
0xe8: {  	v46 =	vld [tilespmem:s28+$0x3500]  }
0xe9: {  	v47 =	vld [tilespmem:s28+$0x3510]  }
0xea: {  	v48 =	vld [tilespmem:s28+$0xF510]  }
0xeb: {  	v49 =	vld [tilespmem:s28+$0xF530]  }
0xec: {  	v50 =	vld [tilespmem:s28+$0x3530]  }
0xed: {  	s25 =	simm.s32 $0x10;
	v51 =	vld [tilespmem:s28+$0x3520]  }
0xee: {  	v8 =	vld [tilespmem:s25+$0xFFFFFFF0]  }
0xef: {  	v9 =	vld [tilespmem:s25+$0x0]  }
0xf0: {  	v52 =	vld [tilespmem:s28+$0xF520]  }
0xf1: {  	v53 =	vld [tilespmem:s28+$0xF500]  }
0xf2: {  	v54 =	vld [tilespmem:s28+$0x3170]  }
0xf3: {  	v55 =	vld [tilespmem:s28+$0xF170];
	v50 =	vmul.f32 v50, v8  }
0xf4: {  	v56 =	vld [tilespmem:s28+$0xF160];
	v49 =	vmul.f32 v49, v9;
	v51 =	vmul.f32 v51, v8  }
0xf5: {  	v61 =	vld [tilespmem:s28+$0xF100];
	v52 =	vmul.f32 v52, v9;
	v47 =	vmul.f32 v47, v8  }
0xf6: {  	v57 =	vld [tilespmem:s28+$0xF150];
	v48 =	vmul.f32 v48, v9;
	v46 =	vmul.f32 v46, v8;
	v49 =	vadd.f32 v49, v50  }
0xf7: {  	v58 =	vld [tilespmem:s28+$0xF140];
	v62 =	vmul.f32 v53, v9;
	v63 =	vmul.f32 v54, v8;
	v51 =	vadd.f32 v52, v51  }
0xf8: {  	v53 =	vld [tilespmem:s28+$0xF130];
	v59 =	vmul.f32 v55, v9;
	v45 =	vmul.f32 v45, v8;
	v47 =	vadd.f32 v48, v47;
	[tilespmem:s28+$0x3530] =	vst v49  }
0xf9: {  	v60 =	vmul.f32 v56, v9;
	v56 =	vld [tilespmem:s28+$0xED60];
	v39 =	vmul.f32 v39, v8;
	v46 =	vadd.f32 v62, v46;
	[tilespmem:s28+$0x3520] =	vst v51  }
0xfa: {  	v61 =	vmul.f32 v61, v9;
	v55 =	vld [tilespmem:s28+$0xE970];
	v12 =	vmul.f32 v12, v8;
	v52 =	vadd.f32 v59, v63;
	[tilespmem:s28+$0x3510] =	vst v47  }
0xfb: {  	v11 =	vmul.f32 v11, v9;
	v10 =	vmul.f32 v10, v8;
	v48 =	vld [tilespmem:s28+$0xF120];
	v45 =	vadd.f32 v60, v45;
	[tilespmem:s28+$0x3500] =	vst v46  }
0xfc: {  	v7 =	vmul.f32 v7, v9;
	v63 =	vmul.f32 v58, v9;
	v58 =	vld [tilespmem:s28+$0xED50];
	v39 =	vadd.f32 v61, v39;
	[tilespmem:s28+$0x3170] =	vst v52  }
0xfd: {  	v44 =	vmul.f32 v44, v8;
	v62 =	vmul.f32 v57, v9;
	v59 =	vld [tilespmem:s28+$0xED40];
	v11 =	vadd.f32 v11, v12;
	[tilespmem:s28+$0x3160] =	vst v45  }
0xfe: {  	v43 =	vmul.f32 v43, v8;
	v60 =	vld [tilespmem:s28+$0xED30];
	v7 =	vadd.f32 v7, v10;
	[tilespmem:s28+$0x3100] =	vst v39  }
0xff: {  	v42 =	vmul.f32 v42, v8;
	v61 =	vld [tilespmem:s28+$0xE910];
	v44 =	vadd.f32 v62, v44;
	[tilespmem:s28+$0x2140] =	vst v11;
	v57 =	vmul.f32 v53, v9  }
0x100: {  	v37 =	vmul.f32 v37, v8;
	v49 =	vld [tilespmem:s28+$0xF110];
	v43 =	vadd.f32 v63, v43;
	[tilespmem:s28+$0x2130] =	vst v7;
	v46 =	vmul.f32 v56, v9  }
0x101: {  	v41 =	vmul.f32 v41, v8;
	v47 =	vld [tilespmem:s28+$0xED70];
	[tilespmem:s28+$0x3150] =	vst v44;
	v48 =	vmul.f32 v48, v9;
	v42 =	vadd.f32 v57, v42  }
0x102: {  	v36 =	vmul.f32 v36, v8;
	v62 =	vld [tilespmem:s28+$0xED20];
	[tilespmem:s28+$0x3140] =	vst v43;
	v54 =	vmul.f32 v58, v9;
	v37 =	vadd.f32 v46, v37  }
0x103: {  	v35 =	vmul.f32 v35, v8;
	v63 =	vld [tilespmem:s28+$0xED10];
	v45 =	vmul.f32 v59, v9;
	v41 =	vadd.f32 v48, v41;
	[tilespmem:s28+$0x3130] =	vst v42  }
0x104: {  	v34 =	vmul.f32 v34, v8;
	v56 =	vld [tilespmem:s28+$0xE960];
	v44 =	vmul.f32 v60, v9;
	v36 =	vadd.f32 v54, v36;
	[tilespmem:s28+$0x2D60] =	vst v37  }
0x105: {  	v40 =	vmul.f32 v40, v8;
	v53 =	vld [tilespmem:s28+$0xED00];
	v49 =	vmul.f32 v49, v9;
	v35 =	vadd.f32 v45, v35;
	[tilespmem:s28+$0x3120] =	vst v41  }
0x106: {  	v38 =	vmul.f32 v38, v8;
	v12 =	vld [tilespmem:s28+$0x3560];
	v47 =	vmul.f32 v47, v9;
	v34 =	vadd.f32 v44, v34;
	[tilespmem:s28+$0x2D50] =	vst v36  }
0x107: {  	v33 =	vmul.f32 v33, v8;
	v58 =	vld [tilespmem:s28+$0xE940];
	v43 =	vmul.f32 v62, v9;
	v40 =	vadd.f32 v49, v40;
	[tilespmem:s28+$0x2D40] =	vst v35  }
0x108: {  	v32 =	vmul.f32 v32, v8;
	v57 =	vld [tilespmem:s28+$0xE950];
	v42 =	vmul.f32 v63, v9;
	v38 =	vadd.f32 v47, v38;
	[tilespmem:s28+$0x2D30] =	vst v34  }
0x109: {  	v29 =	vmul.f32 v29, v8;
	v60 =	vld [tilespmem:s28+$0xE920];
	v39 =	vmul.f32 v56, v9;
	v33 =	vadd.f32 v43, v33;
	[tilespmem:s28+$0x3110] =	vst v40  }
0x10a: {  	v31 =	vmul.f32 v31, v8;
	v59 =	vld [tilespmem:s28+$0xE930];
	v41 =	vmul.f32 v53, v9;
	v32 =	vadd.f32 v42, v32;
	[tilespmem:s28+$0x2D70] =	vst v38  }
0x10b: {  	v24 =	vmul.f32 v24, v8;
	v62 =	vld [tilespmem:s28+$0xE900];
	v34 =	vmul.f32 v61, v9;
	v29 =	vadd.f32 v39, v29;
	[tilespmem:s28+$0x2D20] =	vst v33  }
0x10c: {  	v27 =	vmul.f32 v27, v8;
	v63 =	vld [tilespmem:s28+$0xE570];
	v37 =	vmul.f32 v58, v9;
	v31 =	vadd.f32 v41, v31;
	[tilespmem:s28+$0x2D10] =	vst v32  }
0x10d: {  	v30 =	vmul.f32 v30, v8;
	v40 =	vmul.f32 v55, v9;
	v24 =	vadd.f32 v34, v24;
	[tilespmem:s28+$0x2960] =	vst v29;
	v29 =	vld [tilespmem:s28+$0xE540]  }
0x10e: {  	v25 =	vmul.f32 v25, v8;
	v35 =	vmul.f32 v60, v9;
	v27 =	vadd.f32 v37, v27;
	[tilespmem:s28+$0x2D00] =	vst v31;
	v31 =	vld [tilespmem:s28+$0xE560]  }
0x10f: {  	v28 =	vmul.f32 v28, v8;
	v38 =	vmul.f32 v57, v9;
	v30 =	vadd.f32 v40, v30;
	[tilespmem:s28+$0x2910] =	vst v24;
	v24 =	vld [tilespmem:s28+$0xE170]  }
0x110: {  	v23 =	vmul.f32 v23, v8;
	v33 =	vmul.f32 v62, v9;
	v25 =	vadd.f32 v35, v25;
	[tilespmem:s28+$0x2940] =	vst v27;
	v27 =	vld [tilespmem:s28+$0xE520]  }
0x111: {  	v26 =	vmul.f32 v26, v8;
	v36 =	vmul.f32 v59, v9;
	v28 =	vadd.f32 v38, v28;
	[tilespmem:s28+$0x2970] =	vst v30;
	v30 =	vld [tilespmem:s28+$0xE550]  }
0x112: {  	v22 =	vmul.f32 v22, v8;
	v32 =	vmul.f32 v63, v9;
	v23 =	vadd.f32 v33, v23;
	[tilespmem:s28+$0x2920] =	vst v25;
	v25 =	vld [tilespmem:s28+$0xE500]  }
0x113: {  	v19 =	vmul.f32 v19, v8;
	v26 =	vadd.f32 v36, v26;
	[tilespmem:s28+$0x2950] =	vst v28;
	v28 =	vld [tilespmem:s28+$0xE530];
	v29 =	vmul.f32 v29, v9  }
0x114: {  	v21 =	vmul.f32 v21, v8;
	v22 =	vadd.f32 v32, v22;
	[tilespmem:s28+$0x2900] =	vst v23;
	v23 =	vld [tilespmem:s28+$0xE160];
	v31 =	vmul.f32 v31, v9  }
0x115: {  	v17 =	vmul.f32 v17, v8;
	[tilespmem:s28+$0x2930] =	vst v26;
	v26 =	vld [tilespmem:s28+$0xE510];
	v27 =	vmul.f32 v27, v9;
	v19 =	vadd.f32 v29, v19  }
0x116: {  	v20 =	vmul.f32 v20, v8;
	[tilespmem:s28+$0x2570] =	vst v22;
	v22 =	vld [tilespmem:s28+$0x2150];
	v30 =	vmul.f32 v30, v9;
	v21 =	vadd.f32 v31, v21  }
0x117: {  	v15 =	vmul.f32 v15, v8;
	v25 =	vmul.f32 v25, v9;
	v17 =	vadd.f32 v27, v17;
	[tilespmem:s28+$0x2540] =	vst v19;
	v19 =	vld [tilespmem:s28+$0xF550]  }
0x118: {  	v18 =	vmul.f32 v18, v8;
	v28 =	vmul.f32 v28, v9;
	v20 =	vadd.f32 v30, v20;
	[tilespmem:s28+$0x2560] =	vst v21;
	v21 =	vld [tilespmem:s28+$0xE150]  }
0x119: {  	v13 =	vmul.f32 v13, v8;
	v23 =	vmul.f32 v23, v9;
	v15 =	vadd.f32 v25, v15;
	[tilespmem:s28+$0x2520] =	vst v17;
	v17 =	vld [tilespmem:s28+$0x3540]  }
0x11a: {  	v6 =	vmul.f32 v6, v8;
	v5 =	vmul.f32 v5, v9;
	v18 =	vadd.f32 v28, v18;
	[tilespmem:s28+$0x2550] =	vst v20;
	v20 =	vld [tilespmem:s28+$0xF540]  }
0x11b: {  	v14 =	vmul.f32 v14, v8;
	v24 =	vmul.f32 v24, v9;
	v13 =	vadd.f32 v23, v13;
	[tilespmem:s28+$0x2500] =	vst v15;
	v15 =	vld [tilespmem:s28+$0x3550]  }
0x11c: {  	v4 =	vmul.f32 v4, v8;
	v3 =	vmul.f32 v3, v9;
	v5 =	vadd.f32 v5, v6;
	[tilespmem:s28+$0x2530] =	vst v18;
	v18 =	vld [tilespmem:s28+$0xF560]  }
0x11d: {  	v6 =	vld [tilespmem:s28+$0x2100];
	v14 =	vadd.f32 v24, v14;
	v10 =	vmul.f32 v22, v8;
	[tilespmem:s28+$0x2160] =	vst v13;
	v13 =	vmul.f32 v21, v9  }
0x11e: {  	s30 =	simm.s32 $0x0;
	v16 =	vmul.f32 v16, v8;
	v3 =	vadd.f32 v3, v4;
	v7 =	vld [tilespmem:s28+$0xE100];
	[tilespmem:s28+$0x2120] =	vst v5;
	v26 =	vmul.f32 v26, v9  }
0x11f: {  	s24 =	smul.u32 $0x1800, s30;
	s26 =	simm.s32 $0x80;
	[tilespmem:s28+$0x2170] =	vst v14;
	v14 =	vld [tilespmem:s28+$0x3570];
	v11 =	vmul.f32 v17, v8;
	v17 =	vmul.f32 v20, v9;
	v4 =	vadd.f32 v13, v10  }
0x120: {  	s29 =	sand.u32 $0x380, s26;
	[tilespmem:s28+$0x2110] =	vst v3;
	v16 =	vadd.f32 v26, v16;
	v5 =	vmul.f32 v15, v8;
	v10 =	vmul.f32 v19, v9  }
0x121: {  	s24 =	sor.u32 s29, s24;
	v11 =	vadd.f32 v17, v11;
	[tilespmem:s28+$0x2150] =	vst v4;
	v4 =	vmul.f32 v12, v8;
	v12 =	vmul.f32 v18, v9  }
0x122: {  	v3 =	vld [tilespmem:s24+$0x2110];
	[tilespmem:s28+$0x2510] =	vst v16;
	v5 =	vadd.f32 v10, v5  }
0x123: {  	v7 =	vmul.f32 v7, v9;
	v16 =	vld [tilespmem:s28+$0xF570];
	[tilespmem:s28+$0x3540] =	vst v11;
	v12 =	vadd.f32 v12, v4  }
0x124: {  	v10 =	vmul.f32 v14, v8;
	v8 =	vmul.f32 v6, v8;
	v4 =	vld [tilespmem:s24+$0xE110];
	[tilespmem:s28+$0x3550] =	vst v5  }
0x125: {  	v6 =	vld [tilespmem:s24+$0x2120];
	[tilespmem:s28+$0x3560] =	vst v12  }
0x126: {  	v7 =	vadd.f32 v7, v8;
	v5 =	vld [tilespmem:s24+$0xE120]  }
0x127: {  	v8 =	vld [tilespmem:s24+$0x2130]  }
0x128: {  	[tilespmem:s28+$0x2100] =	vst v7;
	v18 =	vld [tilespmem:s24+$0x2530]  }
0x129: {  	v11 =	vmul.f32 v16, v9;
	v26 =	vld [tilespmem:s24+$0x2930]  }
0x12a: {  	v36 =	vld [tilespmem:s24+$0x2D30]  }
0x12b: {  	v9 =	vadd.f32 v11, v10;
	v44 =	vld [tilespmem:s24+$0x3130]  }
0x12c: {  	v48 =	vld [tilespmem:s24+$0x3500]  }
0x12d: {  	[tilespmem:s28+$0x3570] =	vst v9;
	v50 =	vld [tilespmem:s24+$0x3510]  }
0x12e: {  	v7 =	vld [tilespmem:s24+$0xE130]  }
0x12f: {  	v10 =	vld [tilespmem:s24+$0x2140]  }
0x130: {  	v9 =	vld [tilespmem:s24+$0xE140]  }
0x131: {  	v12 =	vld [tilespmem:s24+$0x2150]  }
0x132: {  	v11 =	vld [tilespmem:s24+$0xE150]  }
0x133: {  	v13 =	vld [tilespmem:s24+$0x2160]  }
0x134: {  	v14 =	vld [tilespmem:s24+$0x2170]  }
0x135: {  	v15 =	vld [tilespmem:s24+$0x2500]  }
0x136: {  	v16 =	vld [tilespmem:s24+$0x2510]  }
0x137: {  	v17 =	vld [tilespmem:s24+$0x2520]  }
0x138: {  	v19 =	vld [tilespmem:s24+$0x2540]  }
0x139: {  	v20 =	vld [tilespmem:s24+$0x2550]  }
0x13a: {  	v21 =	vld [tilespmem:s24+$0x2560]  }
0x13b: {  	v22 =	vld [tilespmem:s24+$0x2570]  }
0x13c: {  	v23 =	vld [tilespmem:s24+$0x2900]  }
0x13d: {  	v24 =	vld [tilespmem:s24+$0x2910]  }
0x13e: {  	v25 =	vld [tilespmem:s24+$0x2920]  }
0x13f: {  	v27 =	vld [tilespmem:s24+$0x2940]  }
0x140: {  	v28 =	vld [tilespmem:s24+$0x2950]  }
0x141: {  	v29 =	vld [tilespmem:s24+$0x2960]  }
0x142: {  	v30 =	vld [tilespmem:s24+$0x2970]  }
0x143: {  	v32 =	vld [tilespmem:s24+$0x2D00]  }
0x144: {  	v34 =	vld [tilespmem:s24+$0x2D10]  }
0x145: {  	v35 =	vld [tilespmem:s24+$0x2D20]  }
0x146: {  	v37 =	vld [tilespmem:s24+$0x2D40]  }
0x147: {  	v38 =	vld [tilespmem:s24+$0x2D50]  }
0x148: {  	v39 =	vld [tilespmem:s24+$0x2D60]  }
0x149: {  	v40 =	vld [tilespmem:s24+$0x2D70]  }
0x14a: {  	v41 =	vld [tilespmem:s24+$0x3100]  }
0x14b: {  	v42 =	vld [tilespmem:s24+$0x3110]  }
0x14c: {  	v43 =	vld [tilespmem:s24+$0x3120]  }
0x14d: {  	v45 =	vld [tilespmem:s24+$0x3140]  }
0x14e: {  	v46 =	vld [tilespmem:s24+$0x3150]  }
0x14f: {  	v47 =	vld [tilespmem:s24+$0x3160]  }
0x150: {  	v49 =	vld [tilespmem:s24+$0xF510]  }
0x151: {  	s28 =	simm.s32 $0x2;
	v51 =	vld [tilespmem:s24+$0xF530]  }
.LBB2_2:
0x152: {  	p0 =	sne.s32 s28, $0x3F;
	v52 =	vld [tilespmem:s24+$0x3530]  }
0x153: {  	s25 =	sadd.s32 $0x80, s25;
	v53 =	vld [tilespmem:s24+$0x3520]  }
0x154: {  	v33 =	vld [tilespmem:s25+$0xFFFFFFF0]  }
0x155: {  	v31 =	vld [tilespmem:s25+$0x0]  }
0x156: {  	v54 =	vld [tilespmem:s24+$0xF520]  }
0x157: {  	v55 =	vld [tilespmem:s24+$0xF500]  }
0x158: {  	v56 =	vld [tilespmem:s24+$0x3170]  }
0x159: {  	v57 =	vld [tilespmem:s24+$0xF170];
	v50 =	vmul.f32 v50, v33;
	v53 =	vmul.f32 v53, v33  }
0x15a: {  	v52 =	vmul.f32 v52, v33;
	v58 =	vld [tilespmem:s24+$0xF160];
	v51 =	vmul.f32 v51, v31  }
0x15b: {  	v49 =	vmul.f32 v49, v31;
	v59 =	vld [tilespmem:s24+$0xF150];
	v54 =	vmul.f32 v54, v31  }
0x15c: {  	v48 =	vmul.f32 v48, v33;
	v60 =	vld [tilespmem:s24+$0xF140];
	v55 =	vmul.f32 v55, v31;
	v51 =	vadd.f32 v51, v52  }
0x15d: {  	v49 =	vadd.f32 v49, v50;
	v52 =	vld [tilespmem:s24+$0xF130];
	v56 =	vmul.f32 v56, v33;
	v50 =	vadd.f32 v54, v53  }
0x15e: {  	v47 =	vmul.f32 v47, v33;
	v53 =	vld [tilespmem:s24+$0xF120];
	v54 =	vmul.f32 v57, v31;
	v48 =	vadd.f32 v55, v48;
	[tilespmem:s24+$0x3530] =	vst v51  }
0x15f: {  	v46 =	vmul.f32 v46, v33;
	v51 =	vld [tilespmem:s24+$0xF110];
	v55 =	vmul.f32 v58, v31;
	[tilespmem:s24+$0x3520] =	vst v50  }
0x160: {  	v45 =	vmul.f32 v45, v33;
	v50 =	vld [tilespmem:s24+$0xF100];
	v57 =	vmul.f32 v59, v31;
	v54 =	vadd.f32 v54, v56;
	[tilespmem:s24+$0x3510] =	vst v49  }
0x161: {  	v44 =	vmul.f32 v44, v33;
	v49 =	vld [tilespmem:s24+$0xED70];
	v56 =	vmul.f32 v60, v31;
	v47 =	vadd.f32 v55, v47;
	[tilespmem:s24+$0x3500] =	vst v48  }
0x162: {  	v43 =	vmul.f32 v43, v33;
	v48 =	vld [tilespmem:s24+$0xED60];
	v52 =	vmul.f32 v52, v31;
	v46 =	vadd.f32 v57, v46;
	[tilespmem:s24+$0x3170] =	vst v54  }
0x163: {  	v42 =	vmul.f32 v42, v33;
	v54 =	vld [tilespmem:s24+$0xED50];
	v53 =	vmul.f32 v53, v31;
	v45 =	vadd.f32 v56, v45;
	[tilespmem:s24+$0x3160] =	vst v47  }
0x164: {  	v41 =	vmul.f32 v41, v33;
	v47 =	vld [tilespmem:s24+$0xED40];
	v51 =	vmul.f32 v51, v31;
	v44 =	vadd.f32 v52, v44;
	[tilespmem:s24+$0x3150] =	vst v46  }
0x165: {  	v40 =	vmul.f32 v40, v33;
	v46 =	vld [tilespmem:s24+$0xED30];
	v50 =	vmul.f32 v50, v31;
	v43 =	vadd.f32 v53, v43;
	[tilespmem:s24+$0x3140] =	vst v45  }
0x166: {  	v39 =	vmul.f32 v39, v33;
	v45 =	vld [tilespmem:s24+$0xED20];
	v49 =	vmul.f32 v49, v31;
	v42 =	vadd.f32 v51, v42;
	[tilespmem:s24+$0x3130] =	vst v44  }
0x167: {  	v38 =	vmul.f32 v38, v33;
	v44 =	vld [tilespmem:s24+$0xED10];
	v48 =	vmul.f32 v48, v31;
	v41 =	vadd.f32 v50, v41;
	[tilespmem:s24+$0x3120] =	vst v43  }
0x168: {  	v37 =	vmul.f32 v37, v33;
	v43 =	vld [tilespmem:s24+$0xED00];
	v50 =	vmul.f32 v54, v31;
	v40 =	vadd.f32 v49, v40;
	[tilespmem:s24+$0x3110] =	vst v42  }
0x169: {  	v36 =	vmul.f32 v36, v33;
	v42 =	vld [tilespmem:s24+$0xE970];
	v47 =	vmul.f32 v47, v31;
	v39 =	vadd.f32 v48, v39;
	[tilespmem:s24+$0x3100] =	vst v41  }
0x16a: {  	v35 =	vmul.f32 v35, v33;
	v41 =	vld [tilespmem:s24+$0xE960];
	v46 =	vmul.f32 v46, v31;
	v38 =	vadd.f32 v50, v38;
	[tilespmem:s24+$0x2D70] =	vst v40  }
0x16b: {  	v34 =	vmul.f32 v34, v33;
	v40 =	vld [tilespmem:s24+$0xE950];
	v45 =	vmul.f32 v45, v31;
	v37 =	vadd.f32 v47, v37;
	[tilespmem:s24+$0x2D60] =	vst v39  }
0x16c: {  	v32 =	vmul.f32 v32, v33;
	v39 =	vld [tilespmem:s24+$0xE940];
	v44 =	vmul.f32 v44, v31;
	v36 =	vadd.f32 v46, v36;
	[tilespmem:s24+$0x2D50] =	vst v38  }
0x16d: {  	v30 =	vmul.f32 v30, v33;
	v38 =	vld [tilespmem:s24+$0xE930];
	v43 =	vmul.f32 v43, v31;
	v35 =	vadd.f32 v45, v35;
	[tilespmem:s24+$0x2D40] =	vst v37  }
0x16e: {  	v29 =	vmul.f32 v29, v33;
	v37 =	vld [tilespmem:s24+$0xE920];
	v42 =	vmul.f32 v42, v31;
	v34 =	vadd.f32 v44, v34;
	[tilespmem:s24+$0x2D30] =	vst v36  }
0x16f: {  	v28 =	vmul.f32 v28, v33;
	v36 =	vld [tilespmem:s24+$0xE910];
	v41 =	vmul.f32 v41, v31;
	v32 =	vadd.f32 v43, v32;
	[tilespmem:s24+$0x2D20] =	vst v35  }
0x170: {  	v27 =	vmul.f32 v27, v33;
	v35 =	vld [tilespmem:s24+$0xE900];
	v40 =	vmul.f32 v40, v31;
	v30 =	vadd.f32 v42, v30;
	[tilespmem:s24+$0x2D10] =	vst v34  }
0x171: {  	v26 =	vmul.f32 v26, v33;
	v34 =	vld [tilespmem:s24+$0xE570];
	v39 =	vmul.f32 v39, v31;
	v29 =	vadd.f32 v41, v29;
	[tilespmem:s24+$0x2D00] =	vst v32  }
0x172: {  	v25 =	vmul.f32 v25, v33;
	v32 =	vld [tilespmem:s24+$0xE560];
	v38 =	vmul.f32 v38, v31;
	v28 =	vadd.f32 v40, v28;
	[tilespmem:s24+$0x2970] =	vst v30  }
0x173: {  	v24 =	vmul.f32 v24, v33;
	v30 =	vld [tilespmem:s24+$0xE550];
	v37 =	vmul.f32 v37, v31;
	v27 =	vadd.f32 v39, v27;
	[tilespmem:s24+$0x2960] =	vst v29  }
0x174: {  	v23 =	vmul.f32 v23, v33;
	v29 =	vld [tilespmem:s24+$0xE540];
	v36 =	vmul.f32 v36, v31;
	v26 =	vadd.f32 v38, v26;
	[tilespmem:s24+$0x2950] =	vst v28  }
0x175: {  	v22 =	vmul.f32 v22, v33;
	v28 =	vld [tilespmem:s24+$0xE530];
	v35 =	vmul.f32 v35, v31;
	v25 =	vadd.f32 v37, v25;
	[tilespmem:s24+$0x2940] =	vst v27  }
0x176: {  	v21 =	vmul.f32 v21, v33;
	v27 =	vld [tilespmem:s24+$0xE520];
	v34 =	vmul.f32 v34, v31;
	v24 =	vadd.f32 v36, v24;
	[tilespmem:s24+$0x2930] =	vst v26  }
0x177: {  	v20 =	vmul.f32 v20, v33;
	v26 =	vld [tilespmem:s24+$0xE510];
	v32 =	vmul.f32 v32, v31;
	v23 =	vadd.f32 v35, v23;
	[tilespmem:s24+$0x2920] =	vst v25  }
0x178: {  	v19 =	vmul.f32 v19, v33;
	v25 =	vld [tilespmem:s24+$0xE500];
	v30 =	vmul.f32 v30, v31;
	v22 =	vadd.f32 v34, v22;
	[tilespmem:s24+$0x2910] =	vst v24  }
0x179: {  	v18 =	vmul.f32 v18, v33;
	v24 =	vld [tilespmem:s24+$0xE170];
	v29 =	vmul.f32 v29, v31;
	v21 =	vadd.f32 v32, v21;
	[tilespmem:s24+$0x2900] =	vst v23  }
0x17a: {  	v17 =	vmul.f32 v17, v33;
	v23 =	vld [tilespmem:s24+$0xE160];
	v28 =	vmul.f32 v28, v31;
	v20 =	vadd.f32 v30, v20;
	[tilespmem:s24+$0x2570] =	vst v22  }
0x17b: {  	v16 =	vmul.f32 v16, v33;
	v22 =	vmul.f32 v27, v31;
	v19 =	vadd.f32 v29, v19;
	[tilespmem:s24+$0x2560] =	vst v21;
	v21 =	vld [tilespmem:s24+$0xF540]  }
0x17c: {  	v15 =	vmul.f32 v15, v33;
	v26 =	vmul.f32 v26, v31;
	v18 =	vadd.f32 v28, v18;
	[tilespmem:s24+$0x2550] =	vst v20;
	v20 =	vld [tilespmem:s24+$0xF550]  }
0x17d: {  	v14 =	vmul.f32 v14, v33;
	v25 =	vmul.f32 v25, v31;
	v17 =	vadd.f32 v22, v17;
	[tilespmem:s24+$0x2540] =	vst v19;
	v19 =	vld [tilespmem:s24+$0xF560]  }
0x17e: {  	v13 =	vmul.f32 v13, v33;
	v22 =	vmul.f32 v24, v31;
	v16 =	vadd.f32 v26, v16;
	[tilespmem:s24+$0x2530] =	vst v18;
	v18 =	vld [tilespmem:s24+$0xF570]  }
0x17f: {  	v12 =	vmul.f32 v12, v33;
	v23 =	vmul.f32 v23, v31;
	v15 =	vadd.f32 v25, v15;
	[tilespmem:s24+$0x2520] =	vst v17;
	v17 =	vld [tilespmem:s24+$0x3540]  }
0x180: {  	v10 =	vmul.f32 v10, v33;
	v11 =	vmul.f32 v11, v31;
	v14 =	vadd.f32 v22, v14;
	[tilespmem:s24+$0x2510] =	vst v16;
	v16 =	vld [tilespmem:s24+$0x3550]  }
0x181: {  	v8 =	vmul.f32 v8, v33;
	v9 =	vmul.f32 v9, v31;
	v13 =	vadd.f32 v23, v13;
	[tilespmem:s24+$0x2500] =	vst v15;
	v15 =	vld [tilespmem:s24+$0x3560]  }
0x182: {  	v6 =	vmul.f32 v6, v33;
	v7 =	vmul.f32 v7, v31;
	v11 =	vadd.f32 v11, v12;
	[tilespmem:s24+$0x2170] =	vst v14;
	v12 =	vld [tilespmem:s24+$0x3570]  }
0x183: {  	v3 =	vmul.f32 v3, v33;
	v5 =	vmul.f32 v5, v31;
	v9 =	vadd.f32 v9, v10;
	v14 =	vld [tilespmem:s24+$0x2100];
	[tilespmem:s24+$0x2160] =	vst v13  }
0x184: {  	v4 =	vmul.f32 v4, v31;
	v7 =	vadd.f32 v7, v8;
	v10 =	vld [tilespmem:s24+$0xE100];
	[tilespmem:s24+$0x2150] =	vst v11;
	v8 =	vmul.f32 v17, v33  }
0x185: {  	s29 =	sshrl.u32 s28, $0x3;
	v5 =	vadd.f32 v5, v6;
	v6 =	vmul.f32 v21, v31;
	[tilespmem:s24+$0x2140] =	vst v9;
	v9 =	vmul.f32 v16, v33  }
0x186: {  	s26 =	sadd.s32 $0x80, s26;
	s29 =	smul.u32 $0x1800, s29;
	v3 =	vadd.f32 v4, v3;
	v4 =	vmul.f32 v20, v31;
	[tilespmem:s24+$0x2130] =	vst v7;
	v7 =	vmul.f32 v15, v33  }
0x187: {  	s30 =	sand.u32 $0x380, s26;
	[tilespmem:s24+$0x2120] =	vst v5;
	v5 =	vadd.f32 v6, v8;
	v6 =	vmul.f32 v19, v31;
	v8 =	vmul.f32 v12, v33  }
0x188: {  	s29 =	sor.u32 s30, s29;
	v9 =	vadd.f32 v4, v9;
	v12 =	vmul.f32 v18, v31;
	v11 =	vmul.f32 v14, v33;
	[tilespmem:s24+$0x2110] =	vst v3  }
0x189: {  	v3 =	vld [tilespmem:s29+$0x2110];
	v10 =	vmul.f32 v10, v31;
	[tilespmem:s24+$0x3540] =	vst v5;
	v5 =	vadd.f32 v6, v7  }
0x18a: {  	v7 =	vadd.f32 v12, v8;
	v4 =	vld [tilespmem:s29+$0xE110];
	[tilespmem:s24+$0x3550] =	vst v9  }
0x18b: {  	v6 =	vld [tilespmem:s29+$0x2120];
	v9 =	vadd.f32 v10, v11;
	[tilespmem:s24+$0x3560] =	vst v5  }
0x18c: {  	v5 =	vld [tilespmem:s29+$0xE120];
	[tilespmem:s24+$0x3570] =	vst v7  }
0x18d: {  	v8 =	vld [tilespmem:s29+$0x2130];
	[tilespmem:s24+$0x2100] =	vst v9;
	s24 =	smov.u32 s29  }
0x18e: {  	v7 =	vld [tilespmem:s24+$0xE130]  }
0x18f: {  	v10 =	vld [tilespmem:s24+$0x2140]  }
0x190: {  	v9 =	vld [tilespmem:s24+$0xE140]  }
0x191: {  	v12 =	vld [tilespmem:s24+$0x2150]  }
0x192: {  	v11 =	vld [tilespmem:s24+$0xE150]  }
0x193: {  	v13 =	vld [tilespmem:s24+$0x2160]  }
0x194: {  	v14 =	vld [tilespmem:s24+$0x2170]  }
0x195: {  	v15 =	vld [tilespmem:s24+$0x2500]  }
0x196: {  	v16 =	vld [tilespmem:s24+$0x2510]  }
0x197: {  	v17 =	vld [tilespmem:s24+$0x2520]  }
0x198: {  	v18 =	vld [tilespmem:s24+$0x2530]  }
0x199: {  	v19 =	vld [tilespmem:s24+$0x2540]  }
0x19a: {  	v20 =	vld [tilespmem:s24+$0x2550]  }
0x19b: {  	v21 =	vld [tilespmem:s24+$0x2560]  }
0x19c: {  	v22 =	vld [tilespmem:s24+$0x2570]  }
0x19d: {  	v23 =	vld [tilespmem:s24+$0x2900]  }
0x19e: {  	v24 =	vld [tilespmem:s24+$0x2910]  }
0x19f: {  	v25 =	vld [tilespmem:s24+$0x2920]  }
0x1a0: {  	v26 =	vld [tilespmem:s24+$0x2930]  }
0x1a1: {  	v27 =	vld [tilespmem:s24+$0x2940]  }
0x1a2: {  	v28 =	vld [tilespmem:s24+$0x2950]  }
0x1a3: {  	v29 =	vld [tilespmem:s24+$0x2960]  }
0x1a4: {  	v30 =	vld [tilespmem:s24+$0x2970]  }
0x1a5: {  	v32 =	vld [tilespmem:s24+$0x2D00]  }
0x1a6: {  	v34 =	vld [tilespmem:s24+$0x2D10]  }
0x1a7: {  	v35 =	vld [tilespmem:s24+$0x2D20]  }
0x1a8: {  	v36 =	vld [tilespmem:s24+$0x2D30]  }
0x1a9: {  	v37 =	vld [tilespmem:s24+$0x2D40]  }
0x1aa: {  	v38 =	vld [tilespmem:s24+$0x2D50]  }
0x1ab: {  	v39 =	vld [tilespmem:s24+$0x2D60]  }
0x1ac: {  	v40 =	vld [tilespmem:s24+$0x2D70]  }
0x1ad: {  	v41 =	vld [tilespmem:s24+$0x3100]  }
0x1ae: {  	v42 =	vld [tilespmem:s24+$0x3110]  }
0x1af: {  	v43 =	vld [tilespmem:s24+$0x3120]  }
0x1b0: {  	v44 =	vld [tilespmem:s24+$0x3130]  }
0x1b1: {  	v45 =	vld [tilespmem:s24+$0x3140]  }
0x1b2: {  	v46 =	vld [tilespmem:s24+$0x3150]  }
.Ltmp0:
0x1b3: {  	v47 =	vld [tilespmem:s24+$0x3160];
	(pc) =	sbr.rel @p0 .LBB2_2-.Ltmp0, $4  }
0x1b4: {  	v48 =	vld [tilespmem:s24+$0x3500]  }
0x1b5: {  	v50 =	vld [tilespmem:s24+$0x3510]  }
0x1b6: {  	v49 =	vld [tilespmem:s24+$0xF510]  }
0x1b7: {  	s28 =	sadd.s32 $0x1, s28;
	v51 =	vld [tilespmem:s24+$0xF530]  }
0x1b8: {  	v52 =	vld [tilespmem:s24+$0x3530]  }
0x1b9: {  	v53 =	vld [tilespmem:s24+$0x3520];
	s25 =	sadd.s32 $0x80, s25  }
0x1ba: {  	v31 =	vld [tilespmem:s25+$0xFFFFFFF0]  }
0x1bb: {  	v33 =	vld [tilespmem:s25+$0x0]  }
0x1bc: {  	v54 =	vld [tilespmem:s24+$0xF520];
	_ =	sdelay $0x1  }
0x1bd: {  	v55 =	vld [tilespmem:s24+$0xF500]  }
0x1be: {  	v56 =	vld [tilespmem:s24+$0x3170]  }
0x1bf: {  	v58 =	vld [tilespmem:s24+$0xF160];
	v52 =	vmul.f32 v52, v31;
	v51 =	vmul.f32 v51, v33  }
0x1c0: {  	v57 =	vld [tilespmem:s24+$0xF170];
	v53 =	vmul.f32 v53, v31;
	v54 =	vmul.f32 v54, v33  }
0x1c1: {  	v59 =	vld [tilespmem:s24+$0xF150];
	v50 =	vmul.f32 v50, v31;
	v49 =	vmul.f32 v49, v33  }
0x1c2: {  	v60 =	vld [tilespmem:s24+$0xF140];
	v48 =	vmul.f32 v48, v31;
	v62 =	vmul.f32 v55, v33;
	v51 =	vadd.f32 v51, v52  }
0x1c3: {  	v61 =	vld [tilespmem:s24+$0xF120];
	v63 =	vmul.f32 v56, v31;
	v47 =	vmul.f32 v47, v31;
	v53 =	vadd.f32 v54, v53  }
0x1c4: {  	v58 =	vmul.f32 v58, v33;
	v55 =	vld [tilespmem:s24+$0xE560];
	v12 =	vmul.f32 v12, v31;
	v49 =	vadd.f32 v49, v50;
	[tilespmem:s24+$0x3530] =	vst v51  }
0x1c5: {  	v56 =	vld [tilespmem:s24+$0xE550];
	v11 =	vmul.f32 v11, v33;
	v10 =	vmul.f32 v10, v31;
	v48 =	vadd.f32 v62, v48;
	[tilespmem:s24+$0x3520] =	vst v53  }
0x1c6: {  	v9 =	vmul.f32 v9, v33;
	v8 =	vmul.f32 v8, v31;
	v52 =	vld [tilespmem:s24+$0xF130];
	v47 =	vadd.f32 v58, v47;
	[tilespmem:s24+$0x3510] =	vst v49  }
0x1c7: {  	v7 =	vmul.f32 v7, v33;
	v6 =	vmul.f32 v6, v31;
	v50 =	vld [tilespmem:s24+$0xF100];
	v11 =	vadd.f32 v11, v12;
	[tilespmem:s24+$0x3500] =	vst v48  }
0x1c8: {  	v5 =	vmul.f32 v5, v33;
	v3 =	vmul.f32 v3, v31;
	v58 =	vld [tilespmem:s24+$0xED20];
	v9 =	vadd.f32 v9, v10;
	[tilespmem:s24+$0x3160] =	vst v47  }
0x1c9: {  	v4 =	vmul.f32 v4, v33;
	v62 =	vmul.f32 v59, v33;
	v59 =	vld [tilespmem:s24+$0xED10];
	v7 =	vadd.f32 v7, v8;
	[tilespmem:s24+$0x2150] =	vst v11  }
0x1ca: {  	v57 =	vmul.f32 v57, v33;
	v54 =	vld [tilespmem:s24+$0xE570];
	v5 =	vadd.f32 v5, v6;
	[tilespmem:s24+$0x2140] =	vst v9  }
0x1cb: {  	v46 =	vmul.f32 v46, v31;
	v3 =	vadd.f32 v4, v3;
	v51 =	vld [tilespmem:s24+$0xF110];
	[tilespmem:s24+$0x2130] =	vst v7  }
0x1cc: {  	v45 =	vmul.f32 v45, v31;
	v49 =	vld [tilespmem:s24+$0xED70];
	v53 =	vadd.f32 v57, v63;
	v63 =	vmul.f32 v60, v33;
	[tilespmem:s24+$0x2120] =	vst v5  }
0x1cd: {  	v43 =	vmul.f32 v43, v31;
	v48 =	vld [tilespmem:s24+$0xED60];
	v46 =	vadd.f32 v62, v46;
	v57 =	vmul.f32 v61, v33;
	[tilespmem:s24+$0x2110] =	vst v3  }
0x1ce: {  	v44 =	vmul.f32 v44, v31;
	v47 =	vld [tilespmem:s24+$0xED40];
	[tilespmem:s24+$0x3170] =	vst v53;
	v45 =	vadd.f32 v63, v45;
	v52 =	vmul.f32 v52, v33  }
0x1cf: {  	v41 =	vmul.f32 v41, v31;
	v60 =	vld [tilespmem:s24+$0xED00];
	[tilespmem:s24+$0x3150] =	vst v46;
	v43 =	vadd.f32 v57, v43;
	v50 =	vmul.f32 v50, v33  }
0x1d0: {  	v35 =	vmul.f32 v35, v31;
	v61 =	vld [tilespmem:s24+$0xE970];
	[tilespmem:s24+$0x3140] =	vst v45;
	v45 =	vmul.f32 v58, v33;
	v44 =	vadd.f32 v52, v44  }
0x1d1: {  	v42 =	vmul.f32 v42, v31;
	v53 =	vld [tilespmem:s24+$0xED50];
	[tilespmem:s24+$0x3120] =	vst v43;
	v51 =	vmul.f32 v51, v33;
	v41 =	vadd.f32 v50, v41  }
0x1d2: {  	v40 =	vmul.f32 v40, v31;
	v46 =	vld [tilespmem:s24+$0xED30];
	v49 =	vmul.f32 v49, v33;
	v35 =	vadd.f32 v45, v35;
	[tilespmem:s24+$0x3130] =	vst v44  }
0x1d3: {  	v39 =	vmul.f32 v39, v31;
	v62 =	vld [tilespmem:s24+$0xE960];
	v48 =	vmul.f32 v48, v33;
	v42 =	vadd.f32 v51, v42;
	[tilespmem:s24+$0x3100] =	vst v41  }
0x1d4: {  	v37 =	vmul.f32 v37, v31;
	v57 =	vld [tilespmem:s24+$0xE540];
	v47 =	vmul.f32 v47, v33;
	v40 =	vadd.f32 v49, v40;
	[tilespmem:s24+$0x2D20] =	vst v35  }
0x1d5: {  	v32 =	vmul.f32 v32, v31;
	v58 =	vld [tilespmem:s24+$0xE530];
	v43 =	vmul.f32 v60, v33;
	v39 =	vadd.f32 v48, v39;
	[tilespmem:s24+$0x3110] =	vst v42  }
0x1d6: {  	v38 =	vmul.f32 v38, v31;
	v50 =	vld [tilespmem:s24+$0xE930];
	v63 =	vmul.f32 v53, v33;
	v37 =	vadd.f32 v47, v37;
	[tilespmem:s24+$0x2D70] =	vst v40  }
0x1d7: {  	v36 =	vmul.f32 v36, v31;
	v60 =	vld [tilespmem:s24+$0xE510];
	v46 =	vmul.f32 v46, v33;
	v32 =	vadd.f32 v43, v32;
	[tilespmem:s24+$0x2D60] =	vst v39  }
0x1d8: {  	v34 =	vmul.f32 v34, v31;
	v52 =	vld [tilespmem:s24+$0xE910];
	v44 =	vmul.f32 v59, v33;
	v38 =	vadd.f32 v63, v38;
	[tilespmem:s24+$0x2D40] =	vst v37  }
0x1d9: {  	v29 =	vmul.f32 v29, v31;
	v45 =	vld [tilespmem:s24+$0x3540];
	v41 =	vmul.f32 v62, v33;
	v36 =	vadd.f32 v46, v36;
	[tilespmem:s24+$0x2D00] =	vst v32  }
0x1da: {  	v21 =	vmul.f32 v21, v31;
	v48 =	vld [tilespmem:s24+$0xE950];
	v62 =	vmul.f32 v55, v33;
	v34 =	vadd.f32 v44, v34;
	[tilespmem:s24+$0x2D50] =	vst v38  }
0x1db: {  	v30 =	vmul.f32 v30, v31;
	v49 =	vld [tilespmem:s24+$0xE940];
	v42 =	vmul.f32 v61, v33;
	v29 =	vadd.f32 v41, v29;
	[tilespmem:s24+$0x2D30] =	vst v36  }
0x1dc: {  	v16 =	vmul.f32 v16, v31;
	v51 =	vld [tilespmem:s24+$0xE920];
	v21 =	vadd.f32 v62, v21;
	v41 =	vmul.f32 v60, v33;
	[tilespmem:s24+$0x2D10] =	vst v34  }
0x1dd: {  	v26 =	vmul.f32 v26, v31;
	v53 =	vld [tilespmem:s24+$0xE900];
	v30 =	vadd.f32 v42, v30;
	[tilespmem:s24+$0x2960] =	vst v29;
	v38 =	vmul.f32 v50, v33  }
0x1de: {  	v24 =	vmul.f32 v24, v31;
	v59 =	vld [tilespmem:s24+$0xE520];
	v36 =	vmul.f32 v52, v33;
	[tilespmem:s24+$0x2560] =	vst v21;
	v16 =	vadd.f32 v41, v16  }
0x1df: {  	v22 =	vmul.f32 v22, v31;
	v43 =	vld [tilespmem:s24+$0xF570];
	v34 =	vmul.f32 v54, v33;
	[tilespmem:s24+$0x2970] =	vst v30;
	v26 =	vadd.f32 v38, v26  }
0x1e0: {  	v28 =	vmul.f32 v28, v31;
	v61 =	vld [tilespmem:s24+$0xE500];
	v40 =	vmul.f32 v48, v33;
	v24 =	vadd.f32 v36, v24;
	[tilespmem:s24+$0x2510] =	vst v16  }
0x1e1: {  	v27 =	vmul.f32 v27, v31;
	v63 =	vld [tilespmem:s24+$0xE170];
	v39 =	vmul.f32 v49, v33;
	v22 =	vadd.f32 v34, v22;
	[tilespmem:s24+$0x2930] =	vst v26  }
0x1e2: {  	v25 =	vmul.f32 v25, v31;
	v46 =	vld [tilespmem:s24+$0x3550];
	v37 =	vmul.f32 v51, v33;
	v28 =	vadd.f32 v40, v28;
	[tilespmem:s24+$0x2910] =	vst v24  }
0x1e3: {  	v23 =	vmul.f32 v23, v31;
	v50 =	vld [tilespmem:s24+$0xE100];
	v35 =	vmul.f32 v53, v33;
	v27 =	vadd.f32 v39, v27;
	[tilespmem:s24+$0x2570] =	vst v22  }
0x1e4: {  	v20 =	vmul.f32 v20, v31;
	v48 =	vld [tilespmem:s24+$0x3560];
	v30 =	vmul.f32 v56, v33;
	v25 =	vadd.f32 v37, v25;
	[tilespmem:s24+$0x2950] =	vst v28  }
0x1e5: {  	v19 =	vmul.f32 v19, v31;
	v51 =	vld [tilespmem:s24+$0x2100];
	v23 =	vadd.f32 v35, v23;
	v35 =	vmul.f32 v57, v33;
	[tilespmem:s24+$0x2940] =	vst v27  }
0x1e6: {  	v18 =	vmul.f32 v18, v31;
	v34 =	vld [tilespmem:s24+$0xE160];
	v37 =	vmul.f32 v58, v33;
	v20 =	vadd.f32 v30, v20;
	[tilespmem:s24+$0x2920] =	vst v25  }
0x1e7: {  	v17 =	vmul.f32 v17, v31;
	v36 =	vld [tilespmem:s24+$0xF540];
	v39 =	vmul.f32 v59, v33;
	[tilespmem:s24+$0x2900] =	vst v23;
	v19 =	vadd.f32 v35, v19  }
0x1e8: {  	v15 =	vmul.f32 v15, v31;
	v38 =	vld [tilespmem:s24+$0xF550];
	v42 =	vmul.f32 v61, v33;
	v18 =	vadd.f32 v37, v18;
	[tilespmem:s24+$0x2550] =	vst v20  }
0x1e9: {  	v14 =	vmul.f32 v14, v31;
	v40 =	vld [tilespmem:s24+$0xF560];
	v44 =	vmul.f32 v63, v33;
	v17 =	vadd.f32 v39, v17;
	[tilespmem:s24+$0x2540] =	vst v19  }
0x1ea: {  	v49 =	vld [tilespmem:s24+$0x3570];
	v15 =	vadd.f32 v42, v15;
	v10 =	vmul.f32 v50, v33;
	v61 =	vmul.f32 v51, v31;
	[tilespmem:s24+$0x2530] =	vst v18  }
0x1eb: {  	v13 =	vmul.f32 v13, v31;
	v14 =	vadd.f32 v44, v14;
	[tilespmem:s24+$0x2520] =	vst v17;
	v47 =	vmul.f32 v34, v33  }
0x1ec: {  	v52 =	vmul.f32 v45, v31;
	[tilespmem:s24+$0x2500] =	vst v15;
	v53 =	vmul.f32 v36, v33;
	v63 =	vadd.f32 v10, v61  }
0x1ed: {  	v54 =	vmul.f32 v46, v31;
	[tilespmem:s24+$0x2170] =	vst v14;
	v55 =	vmul.f32 v38, v33;
	v13 =	vadd.f32 v47, v13  }
0x1ee: {  	v56 =	vmul.f32 v48, v31;
	v58 =	vmul.f32 v40, v33;
	v57 =	vadd.f32 v53, v52;
	[tilespmem:s24+$0x2100] =	vst v63  }
0x1ef: {  	v60 =	vmul.f32 v43, v33;
	v59 =	vmul.f32 v49, v31;
	v3 =	vadd.f32 v55, v54;
	[tilespmem:s24+$0x2160] =	vst v13  }
0x1f0: {  	v62 =	vadd.f32 v58, v56;
	[tilespmem:s24+$0x3540] =	vst v57  }
0x1f1: {  	s23 =	sadd.s32 $0x1, s23;
	[tilespmem:s24+$0x3550] =	vst v3;
	v3 =	vadd.f32 v60, v59  }
0x1f2: {  	p0 =	sne.s32 s23, s10;
	[tilespmem:s24+$0x3560] =	vst v62  }
.Ltmp1:
0x1f3: {  	[tilespmem:s24+$0x3570] =	vst v3;
	(pc) =	sbr.rel @p0 .LBB2_1-.Ltmp1, $4  }
0x1f4: {  	[hbm4b:s9+s2] =	stream.linear.scatter [tilespmem:s14], [sflag:$0x2], $0xC000, $0x38;
	[tilespmem:$0x1A100] =	vst v63  }
0x1f5: {  	_ =	swait.ge [sflag:s12], $0xC000  }
0x1f6: {  	[sflag:s12] =	ssyncset.done $0x0  }
0x1f7: {  	[sflag:s12] =	ssyncadd.s32 $0xFFFF4000  }
0x1f8: {  	_ =	sfence.sel $0x180000  }
0x1f9: {  	[bflag:$0x0] =	sbarrier.arrive $0xFFFF  }
0x1fa: {  	_ =	strace $0x9000004A  }
0x1fb: {  	s0 =	stileid.u32;
	[bflag:$0x2] =	sbarrier.arrive $0xFFFF  }
0x1fc: {  	p0 =	sne.s32 s0, $0x0;
	s0 =	rddreg [dreg:$0x2]  }
0x1fd: {  	s0 =	sadd.s32 @!p0 $0x100000, s0  }
0x1fe: {  	[sflag:s0] =	ssyncadd.tile.s32 @!p0 $0x1;
	_ =	shalt  }
.Lfunc_end2:
_tile_overlayer_lowered:
.L_overlay_start_2:
0x1ff: {  	(tag) =	ssettag $0x2  }
0x200: {  	s0 =	rddreg [dreg:$0x0];
	s2 =	stileid.u32  }
0x201: {  	s1 =	rddreg [dreg:$0x1];
	p0 =	sne.s32 s2, $0x0  }
0x202: {  	s3 =	rddreg [dreg:$0x2];
	[bflag:$0x3] =	sbarrier.arrive $0xFFFF;
	s2 =	simm.s32 @!p0 $0x1C02  }
0x203: {  	[timem:s3], [sflag:s2] =	dma.local @!p0 [hbm:s0], s1  }
0x204: {  	s0 =	simm.s32 @!p0 $0x2  }
0x205: {  	_ =	swait.ge @!p0 [sflag:s0], s1  }
0x206: {  	s1 =	ssub.s32 @!p0 $0x0, s1;
	[sflag:s0] =	ssyncset.done @!p0 $0x0  }
0x207: {  	[sflag:s0] =	ssyncadd.s32 @!p0 s1  }
0x208: {  	[bflag:$0x3] =	sbarrier.arrive $0xFFFF  }
0x209: {  	_ =	shalt  }

</sc_bundles>
